<compile_context>
chip_gen: v7x
topology: tpu7x:2x2x1
jax: 0.10.2.dev20260603
libtpu: 0.0.44.dev20260713+nightly
codegen_flags: <defaults>
</compile_context>

<pallas_src>
import functools

import jax
import jax.numpy as jnp
from jax import lax
from jax.experimental import pallas as pl
from jax.experimental.pallas import tpu as pltpu
from jax.experimental.pallas import tpu_sc as plsc

L = 16
NSUB = 16
N = 60000
STRIDE = 3744
PER = 3840
CH = PER // L
SEG = PER + L
NCLS = 300
UNROLL = 8
HI0 = 0x7F800000
CAP1 = 512
CAP2 = 4096

_f32 = jnp.float32
_i32 = jnp.int32


def _softplus16(x):
    z = jnp.exp(-jnp.abs(x))
    w = z / (z + _f32(2.0))
    w2 = w * w
    p = _f32(1.0 / 13.0)
    p = _f32(1.0 / 11.0) + w2 * p
    p = _f32(1.0 / 9.0) + w2 * p
    p = _f32(1.0 / 7.0) + w2 * p
    p = _f32(1.0 / 5.0) + w2 * p
    p = _f32(1.0 / 3.0) + w2 * p
    p = _f32(1.0) + w2 * p
    return jnp.maximum(x, _f32(0.0)) + _f32(2.0) * w * p


@functools.cache
def _build():
    mesh = plsc.VectorSubcoreMesh(core_axis_name="c", subcore_axis_name="s", num_cores=1)

    @functools.partial(
        pl.kernel,
        out_type=jax.ShapeDtypeStruct((L,), _f32),
        mesh=mesh,
        compiler_params=pltpu.CompilerParams(needs_layout_passes=False),
        scratch_types=[
            pltpu.VMEM((2 * PER,), _f32),
            pltpu.VMEM((PER,), _i32),
            pltpu.VMEM((SEG,), _f32),
            pltpu.VMEM((SEG,), _i32),
            pltpu.VMEM((NSUB * SEG + L,), _f32),
            pltpu.VMEM((NSUB * L,), _f32),
            pltpu.VMEM((L,), _f32),
            pltpu.VMEM((L,), _f32),
            pltpu.SMEM((4,), _i32),
            pltpu.VMEM_SHARED((NSUB * SEG,), _f32),
            pltpu.VMEM_SHARED((NSUB * L,), _f32),
            pltpu.SemaphoreType.DMA,
            pltpu.SemaphoreType.DMA,
        ],
    )
    def k(x_hbm, lab_hbm, out_hbm,
          x_v, lab_v, bgbuf, relbuf_i, dense,
          meta_fg_v, stage_fg, outbuf,
          counters, sh_bg, sh_fg, sem0, sem1):
        cid = lax.axis_index("c")
        sid = lax.axis_index("s")

        @pl.when(cid == 0)
        def _core0():
            zf = jnp.zeros((L,), _f32)
            zi = jnp.zeros((L,), _i32)
            lane = lax.broadcasted_iota(_i32, (L,), 0)

            base = sid * STRIDE
            rlim_v = (zi + jnp.where(sid == NSUB - 1, _i32(N),
                                     (sid + _i32(1)) * _i32(STRIDE))) - base
            c0 = pltpu.async_copy(x_hbm.at[pl.ds(2 * base, 2 * PER)],
                                  x_v, sem0)
            c1 = pltpu.async_copy(lab_hbm.at[pl.ds(base, PER)], lab_v, sem1)

            @pl.when(sid == 0)
            def _init():
                counters[_i32(0)] = _i32(0)
                counters[_i32(1)] = _i32(0)
                counters[_i32(2)] = _i32(0)

            c0.wait()
            c1.wait()
            plsc.subcore_barrier()

            def body(i, carry):
                offr_v = carry
                for u in range(UNROLL):
                    cix = i * UNROLL + u
                    lb = lab_v[pl.ds(cix * L, L)]
                    eidx = lane + cix * L
                    rel = (lb < 2) & (eidx < rlim_v)
                    rel_i = jnp.where(rel, _i32(1), _i32(0))
                    pos = offr_v + lax.cumsum(rel_i, axis=0) - _i32(1)
                    plsc.store_scatter(relbuf_i, [pos], eidx, mask=rel)
                    offr_v = offr_v + plsc.all_reduce_population_count(rel)
                return offr_v

            offr_v = lax.fori_loop(
                _i32(0), _i32(CH // UNROLL), body, zi)
            offr = jnp.max(offr_v)
            plsc.store_scatter(relbuf_i, [offr + lane], zi)
            crel = lax.shift_right_logical(offr + _i32(L - 1), _i32(4))

            def sp(j, carry):
                off_v, fg_acc, nfg_acc = carry
                ridx = relbuf_i[pl.ds(j * L, L)]
                lb = plsc.load_gather(lab_v, [ridx])
                x0 = plsc.load_gather(x_v, [ridx + ridx])
                x1 = plsc.load_gather(x_v, [ridx + ridx + _i32(1)])
                dd = x1 - x0
                loss = _softplus16(jnp.where(lb == 1, -dd, dd))
                live = (lane + j * L) < offr_v
                is_fg = (lb == 1) & live
                is_bg = (lb == 0) & live
                fg_acc = fg_acc + jnp.where(is_fg, loss, _f32(0.0))
                nfg_acc = nfg_acc + jnp.where(is_fg, _i32(1), _i32(0))
                bg_i = jnp.where(is_bg, _i32(1), _i32(0))
                pos = off_v + lax.cumsum(bg_i, axis=0) - _i32(1)
                plsc.store_scatter(bgbuf, [pos], loss, mask=is_bg)
                off_v = off_v + plsc.all_reduce_population_count(is_bg)
                return off_v, fg_acc, nfg_acc

            off_v, fg_acc, nfg_acc = lax.fori_loop(
                _i32(0), crel, sp, (zi, zf, zi))
            off = jnp.max(off_v)
            plsc.store_scatter(bgbuf, [off + lane],
                               jnp.full((L,), -jnp.inf, _f32))

            nch = lax.shift_right_logical(off + _i32(L - 1), _i32(4))
            words = nch * _i32(L)
            gbase = plsc.fetch_and_add(counters.at[_i32(0)], words, subcore_id=_i32(0))
            plsc.fetch_and_add(counters.at[_i32(1)], off, subcore_id=_i32(0))
            nfg_me = jnp.sum(nfg_acc, dtype=_i32)
            plsc.fetch_and_add(counters.at[_i32(2)], nfg_me, subcore_id=_i32(0))

            def cp(j, _):
                pltpu.sync_copy(bgbuf.at[pl.ds(j * L, L)],
                                sh_bg.at[pl.ds(pl.multiple_of(gbase + j * L, L), L)])
                return _

            lax.fori_loop(_i32(0), nch, cp, _i32(0))
            stage_fg[...] = fg_acc
            pltpu.sync_copy(stage_fg, sh_fg.at[pl.ds(sid * L, L)])
            plsc.subcore_barrier()

            @pl.when(sid == 0)
            def _merge():
                gw = counters[_i32(0)]
                n_bg = counters[_i32(1)]
                n_fg = counters[_i32(2)]
                G = lax.shift_right_logical(gw, _i32(4))
                pltpu.sync_copy(sh_fg, meta_fg_v)

                @pl.when(gw <= CAP1)
                def _small():
                    pltpu.sync_copy(sh_bg.at[pl.ds(0, CAP1)],
                                    dense.at[pl.ds(0, CAP1)])

                @pl.when((gw > CAP1) & (gw <= CAP2))
                def _mid():
                    pltpu.sync_copy(sh_bg.at[pl.ds(0, CAP2)],
                                    dense.at[pl.ds(0, CAP2)])

                @pl.when(gw > CAP2)
                def _full():
                    pltpu.sync_copy(sh_bg, dense.at[pl.ds(0, NSUB * SEG)])

                def red(w_, fg_v):
                    return fg_v + meta_fg_v[pl.ds(w_ * L, L)]

                fg_v = lax.fori_loop(_i32(0), _i32(NSUB), red, zf)
                fg_sum = jnp.sum(fg_v)
                K = _i32(NCLS) - n_fg
                ninf = jnp.full((L,), -jnp.inf, _f32)

                def _finish(c_gt, s_gt, tv):
                    t_s = jnp.max(tv)
                    bg_main = s_gt + (K - c_gt).astype(_f32) * t_s
                    bg_sum = jnp.where(
                        K <= _i32(0), _f32(0.0),
                        jnp.where(K > n_bg, _f32(-jnp.inf), bg_main))
                    outbuf[...] = (zf + (fg_sum + bg_sum)) / (zf + _f32(NCLS))
                    pltpu.sync_copy(outbuf, out_hbm)


                @pl.when(G <= _i32(L))
                def _reg_search():
                    vs = [jnp.where(_i32(c) < G, dense[pl.ds(c * L, L)],
                                    ninf) for c in range(L)]

                    def bs(_, carry):
                        lo, hi = carry
                        mid = lo + lax.shift_right_logical(hi - lo, _i32(1))
                        tv = plsc.bitcast(zi + mid, _f32)
                        acc = zi
                        for c in range(L):
                            acc = acc + jnp.where(vs[c] >= tv,
                                                  _i32(1), _i32(0))
                        pred = jnp.sum(acc, dtype=_i32) >= K
                        return (jnp.where(pred, mid, lo),
                                jnp.where(pred, hi, mid))

                    lo, _hi = lax.fori_loop(_i32(0), _i32(31), bs,
                                            (_i32(0), _i32(HI0)))
                    tv = plsc.bitcast(zi + lo, _f32)
                    cv = zi
                    sv = zf
                    for c in range(L):
                        m = vs[c] > tv
                        cv = cv + jnp.where(m, _i32(1), _i32(0))
                        sv = sv + jnp.where(m, vs[c], _f32(0.0))
                    _finish(jnp.sum(cv, dtype=_i32), jnp.sum(sv), tv)

                @pl.when(G > _i32(L))
                def _loop_search():
                    dense[pl.ds(G * L, L)] = ninf
                    G2 = lax.shift_right_logical(G + _i32(1), _i32(1))

                    def bs(_, carry):
                        lo, hi = carry
                        mid = lo + lax.shift_right_logical(hi - lo, _i32(1))
                        tv = plsc.bitcast(zi + mid, _f32)

                        def cb(j, acc):
                            va = dense[pl.ds(j * (2 * L), L)]
                            vb = dense[pl.ds(j * (2 * L) + L, L)]
                            return (acc
                                    + jnp.where(va >= tv, _i32(1), _i32(0))
                                    + jnp.where(vb >= tv, _i32(1), _i32(0)))

                        c = jnp.sum(lax.fori_loop(_i32(0), G2, cb, zi),
                                    dtype=_i32)
                        pred = c >= K
                        return (jnp.where(pred, mid, lo),
                                jnp.where(pred, hi, mid))

                    lo, _hi = lax.fori_loop(_i32(0), _i32(31), bs,
                                            (_i32(0), _i32(HI0)))
                    tv = plsc.bitcast(zi + lo, _f32)

                    def fin(j, carry):
                        cv, sv = carry
                        va = dense[pl.ds(j * (2 * L), L)]
                        vb = dense[pl.ds(j * (2 * L) + L, L)]
                        ma = va > tv
                        mb = vb > tv
                        return (cv + jnp.where(ma, _i32(1), _i32(0))
                                + jnp.where(mb, _i32(1), _i32(0)),
                                sv + jnp.where(ma, va, _f32(0.0))
                                + jnp.where(mb, vb, _f32(0.0)))

                    cv, sv = lax.fori_loop(_i32(0), G2, fin, (zi, zf))
                    _finish(jnp.sum(cv, dtype=_i32), jnp.sum(sv), tv)

    return k


def kernel(输入, 标签):
    x = 输入.reshape(2 * N)
    lab = 标签[0, 0].astype(_i32)
    out = _build()(x, lab)
    return out[0]

# --- scband reference (transcript-rebuilt; emitter-appended) ---
"""Pipeline reference for scband-row-54992761258957 (READ-ONLY COPY).

The authoritative reference and input builder live on the scoring server;
editing this copy changes nothing except your own understanding.
"""

import jax, jax.numpy as jnp
import numpy as np

jax.config.update("jax_enable_x64", True)


def _ce(logits, targets):
    # CrossEntropyLoss(reduction='none'): -log_softmax(logits)[i, targets[i]]
    logp = jax.nn.log_softmax(logits, axis=-1)
    return -jnp.take_along_axis(logp, targets[:, None], axis=-1)[:, 0]


def setup_inputs(seed: int = 0) -> dict:
    key = jax.random.key(seed)
    k1, k2 = jax.random.split(key)
    inp = jax.random.normal(k1, (1, 60000, 2), dtype=jnp.float32)
    lab = jax.random.randint(k2, (1, 1, 60000), 0, 300, dtype=jnp.int64)
    return {"输入": inp, "标签": lab}


def reference(输入, 标签):
    总数 = 300
    labels = 标签[0][0]
    logits = 输入[0]
    # foreground: label == 1
    fg_mask = labels == 1
    full_loss = _ce(logits, jnp.clip(labels, 0, 1).astype(jnp.int32))
    fg_sum = jnp.where(fg_mask, full_loss, 0.0).sum()
    n_fg = jnp.sum(fg_mask)
    # background: label == 0, online hard example mining via top-k
    bg_mask = labels == 0
    bg_masked = jnp.where(bg_mask, full_loss, -jnp.inf)
    bg_top, _ = jax.lax.top_k(bg_masked, 总数)
    keep = jnp.arange(总数) < (总数 - n_fg)
    bg_sum = jnp.where(keep, bg_top, 0.0).sum()
    return (fg_sum + bg_sum) / 总数

if __name__ == "__main__":
    import jax
    _d = setup_inputs()
    print(jax.jit(kernel)(*tuple(_d.values())))

</pallas_src>

<mosaic_0001>
#map = affine_map<(d0, d1) -> (0)>
module attributes {stable_mosaic.version = 14 : i64} {
  func.func @k(%arg0: i32, %arg1: i32, %arg2: memref<120000xf32, #tpu.memory_space<hbm>>, %arg3: memref<60000xi32, #tpu.memory_space<hbm>>, %arg4: memref<16xf32, #tpu.memory_space<hbm>>, %arg5: memref<7680xf32, #tpu.memory_space<vmem>>, %arg6: memref<3840xi32, #tpu.memory_space<vmem>>, %arg7: memref<3856xf32, #tpu.memory_space<vmem>>, %arg8: memref<3856xi32, #tpu.memory_space<vmem>>, %arg9: memref<61712xf32, #tpu.memory_space<vmem>>, %arg10: memref<256xf32, #tpu.memory_space<vmem>>, %arg11: memref<16xf32, #tpu.memory_space<vmem>>, %arg12: memref<16xf32, #tpu.memory_space<vmem>>, %arg13: memref<4xi32, #tpu.memory_space<smem>>, %arg14: memref<61696xf32, #tpu.memory_space<vmem_shared>>, %arg15: memref<256xf32, #tpu.memory_space<vmem_shared>>, %arg16: memref<!tpu.dma_semaphore, #tpu.memory_space<semaphore_mem>>, %arg17: memref<!tpu.dma_semaphore, #tpu.memory_space<semaphore_mem>>) attributes {dimension_semantics = [#tpu.dimension_semantics<core_parallel>, #tpu.dimension_semantics<subcore_parallel>], iteration_bounds = array<i64: 1, 16>, scalar_prefetch = 0 : i64, scratch_operands = 13 : i64, tpu.core_type = #tpu.core_type<sc_vector_subcore>, window_params = [{transform_indices = #map}, {transform_indices = #map}, {transform_indices = #map}]} {
    %eq3A = arith.constant 0 : i32
    %eq3A_0 = arith.cmpi eq, %arg0, %eq3A : i32
    %convert_element_type3A = arith.extui %eq3A_0 : i1 to i32
    %cond3A = arith.constant 0 : i32
    %cond3A_1 = arith.cmpi ne, %convert_element_type3A, %cond3A : i32
    scf.if %cond3A_1 {
      %broadcast_in_dim3A = arith.constant 0.000000e+00 : f32
      %broadcast_in_dim3A_2 = vector.broadcast %broadcast_in_dim3A : f32 to vector<16xf32>
      %broadcast_in_dim3A_3 = arith.constant 0 : i32
      %broadcast_in_dim3A_4 = vector.broadcast %broadcast_in_dim3A_3 : i32 to vector<16xi32>
      %iota3A = tpu.iota {dimensions = array<i32: 0>} : vector<16xi32>
      %mul3A = arith.constant 3744 : i32
      %mul3A_5 = arith.muli %arg1, %mul3A : i32
      %eq3A_6 = arith.constant 15 : i32
      %eq3A_7 = arith.cmpi eq, %arg1, %eq3A_6 : i32
      %add3A = arith.constant 1 : i32
      %add3A_8 = arith.addi %arg1, %add3A : i32
      %mul3A_9 = arith.constant 3744 : i32
      %mul3A_10 = arith.muli %add3A_8, %mul3A_9 : i32
      %jit3A = arith.constant 60000 : i32
      %select_n3A = arith.select %eq3A_7, %jit3A, %mul3A_10 : i32
      %add3A_11 = vector.broadcast %select_n3A : i32 to vector<16xi32>
      %add3A_12 = arith.addi %broadcast_in_dim3A_4, %add3A_11 : vector<16xi32>
      %sub3A = vector.broadcast %mul3A_5 : i32 to vector<16xi32>
      %sub3A_13 = arith.subi %add3A_12, %sub3A : vector<16xi32>
      %mul3A_14 = arith.constant 2 : i32
      %mul3A_15 = arith.muli %mul3A_14, %mul3A_5 : i32
      %dma_start3A = tpu.memref_slice %arg2[%mul3A_15] : memref<120000xf32, #tpu.memory_space<hbm>> -> memref<7680xf32, #tpu.memory_space<hbm>>
      %dma_start3A_16 = tpu.memref_slice %arg2[%mul3A_15] : memref<120000xf32, #tpu.memory_space<hbm>> -> memref<7680xf32, #tpu.memory_space<hbm>>
      tpu.enqueue_dma source(%dma_start3A_16 : memref<7680xf32, #tpu.memory_space<hbm>>) target(%arg5 : memref<7680xf32, #tpu.memory_space<vmem>>) target_semaphore(%arg16 : memref<!tpu.dma_semaphore, #tpu.memory_space<semaphore_mem>>)
      %dma_start3A_17 = tpu.memref_slice %arg3[%mul3A_5] : memref<60000xi32, #tpu.memory_space<hbm>> -> memref<3840xi32, #tpu.memory_space<hbm>>
      %dma_start3A_18 = tpu.memref_slice %arg3[%mul3A_5] : memref<60000xi32, #tpu.memory_space<hbm>> -> memref<3840xi32, #tpu.memory_space<hbm>>
      tpu.enqueue_dma source(%dma_start3A_18 : memref<3840xi32, #tpu.memory_space<hbm>>) target(%arg6 : memref<3840xi32, #tpu.memory_space<vmem>>) target_semaphore(%arg17 : memref<!tpu.dma_semaphore, #tpu.memory_space<semaphore_mem>>)
      %eq3A_19 = arith.constant 0 : i32
      %eq3A_20 = arith.cmpi eq, %arg1, %eq3A_19 : i32
      %convert_element_type3A_21 = arith.extui %eq3A_20 : i1 to i32
      %cond3A_22 = arith.constant 0 : i32
      %cond3A_23 = arith.cmpi ne, %convert_element_type3A_21, %cond3A_22 : i32
      scf.if %cond3A_23 {
        %swap3A_109 = arith.constant 0 : i32
        %swap3A_110 = arith.constant 0 : i32
        %swap3A_111 = arith.index_cast %swap3A_110 : i32 to index
        %swap3A_112 = memref.load %arg13[%swap3A_111] : memref<4xi32, #tpu.memory_space<smem>>
        memref.store %swap3A_109, %arg13[%swap3A_111] : memref<4xi32, #tpu.memory_space<smem>>
        %swap3A_113 = arith.constant 0 : i32
        %swap3A_114 = arith.constant 1 : i32
        %swap3A_115 = arith.index_cast %swap3A_114 : i32 to index
        %swap3A_116 = memref.load %arg13[%swap3A_115] : memref<4xi32, #tpu.memory_space<smem>>
        memref.store %swap3A_113, %arg13[%swap3A_115] : memref<4xi32, #tpu.memory_space<smem>>
        %swap3A_117 = arith.constant 0 : i32
        %swap3A_118 = arith.constant 2 : i32
        %swap3A_119 = arith.index_cast %swap3A_118 : i32 to index
        %swap3A_120 = memref.load %arg13[%swap3A_119] : memref<4xi32, #tpu.memory_space<smem>>
        memref.store %swap3A_117, %arg13[%swap3A_119] : memref<4xi32, #tpu.memory_space<smem>>
      } else {
      }
      %dma_wait3A = tpu.memref_slice %arg2[%mul3A_15] : memref<120000xf32, #tpu.memory_space<hbm>> -> memref<7680xf32, #tpu.memory_space<hbm>>
      %dma_wait3A_24 = tpu.memref_slice %arg2[%mul3A_15] : memref<120000xf32, #tpu.memory_space<hbm>> -> memref<7680xf32, #tpu.memory_space<hbm>>
      tpu.wait_dma2 semaphore(%arg16 : memref<!tpu.dma_semaphore, #tpu.memory_space<semaphore_mem>>) src(%dma_wait3A_24 : memref<7680xf32, #tpu.memory_space<hbm>>) dst(%arg5 : memref<7680xf32, #tpu.memory_space<vmem>>)
      %dma_wait3A_25 = tpu.memref_slice %arg3[%mul3A_5] : memref<60000xi32, #tpu.memory_space<hbm>> -> memref<3840xi32, #tpu.memory_space<hbm>>
      %dma_wait3A_26 = tpu.memref_slice %arg3[%mul3A_5] : memref<60000xi32, #tpu.memory_space<hbm>> -> memref<3840xi32, #tpu.memory_space<hbm>>
      tpu.wait_dma2 semaphore(%arg17 : memref<!tpu.dma_semaphore, #tpu.memory_space<semaphore_mem>>) src(%dma_wait3A_26 : memref<3840xi32, #tpu.memory_space<hbm>>) dst(%arg6 : memref<3840xi32, #tpu.memory_space<vmem>>)
      %barrier3A = arith.constant 0 : index
      tpu.barrier barrier_id(%barrier3A)
      %while3A = arith.constant 0 : i32
      %while3A_27 = arith.constant 30 : i32
      %while3A_28 = arith.subi %while3A_27, %while3A : i32
      %while3A_29 = arith.addi %while3A, %while3A_28 : i32
      %while3A_30 = arith.constant 1 : i32
      %while3A_31 = arith.divsi %while3A_28, %while3A_30 : i32
      %while3A_32 = arith.muli %while3A_31, %while3A_30 : i32
      %while3A_33 = arith.addi %while3A, %while3A_32 : i32
      %while3A_34 = arith.constant 1 : i32
      %while3A_35 = scf.for %while3A_109 = %while3A to %while3A_33 step %while3A_34 iter_args(%while3A_110 = %broadcast_in_dim3A_4) -> (vector<16xi32>)  : i32 {
        %mul3A_111 = arith.constant 8 : i32
        %mul3A_112 = arith.muli %while3A_109, %mul3A_111 : i32
        %add3A_113 = arith.constant 0 : i32
        %add3A_114 = arith.addi %mul3A_112, %add3A_113 : i32
        %mul3A_115 = arith.constant 16 : i32
        %mul3A_116 = arith.muli %add3A_114, %mul3A_115 : i32
        %get3A = arith.index_cast %mul3A_116 : i32 to index
        %get3A_117 = tpu.vector_load %arg6[%get3A] {strides = array<i32>} : memref<3840xi32, #tpu.memory_space<vmem>>, vector<16xi32>,
        %mul3A_118 = arith.constant 16 : i32
        %mul3A_119 = arith.muli %add3A_114, %mul3A_118 : i32
        %add3A_120 = vector.broadcast %mul3A_119 : i32 to vector<16xi32>
        %add3A_121 = arith.addi %iota3A, %add3A_120 : vector<16xi32>
        %lt3A = arith.constant 2 : i32
        %lt3A_122 = vector.broadcast %lt3A : i32 to vector<16xi32>
        %lt3A_123 = arith.cmpi slt, %get3A_117, %lt3A_122 : vector<16xi32>
        %lt3A_124 = arith.cmpi slt, %add3A_121, %sub3A_13 : vector<16xi32>
        %and3A = arith.andi %lt3A_123, %lt3A_124 : vector<16xi1>
        %jit3A_125 = arith.constant 1 : i32
        %jit3A_126 = arith.constant 0 : i32
        %broadcast_in_dim3A_127 = vector.broadcast %jit3A_125 : i32 to vector<16xi32>
        %broadcast_in_dim3A_128 = vector.broadcast %jit3A_126 : i32 to vector<16xi32>
        %select_n3A_129 = arith.select %and3A, %broadcast_in_dim3A_127, %broadcast_in_dim3A_128 : vector<16xi1>, vector<16xi32>
        %cumsum3A = arith.constant true
        %cumsum3A_130 = vector.broadcast %cumsum3A : i1 to vector<16xi1>
        %cumsum3A_131 = tpu.scan <sum>, %select_n3A_129 masked %cumsum3A_130 : vector<16xi32>, vector<16xi1> -> vector<16xi32>
        %add3A_132 = arith.addi %while3A_110, %cumsum3A_131 : vector<16xi32>
        %sub3A_133 = arith.constant 1 : i32
        %sub3A_134 = vector.broadcast %sub3A_133 : i32 to vector<16xi32>
        %sub3A_135 = arith.subi %add3A_132, %sub3A_134 : vector<16xi32>
        tpu.vector_store_idx %arg8[%sub3A_135], %add3A_121 masked %and3A : memref<3856xi32, #tpu.memory_space<vmem>>[vector<16xi32>], vector<16xi32>, vector<16xi1>
        %all_reduce_population_count3A = tpu.all_reduce %and3A {dim = 0 : i64, kind = #tpu.reduction_kind<sum>} : vector<16xi1> -> vector<16xi32>
        %add3A_136 = arith.addi %while3A_110, %all_reduce_population_count3A : vector<16xi32>
        %mul3A_137 = arith.constant 8 : i32
        %mul3A_138 = arith.muli %while3A_109, %mul3A_137 : i32
        %add3A_139 = arith.constant 1 : i32
        %add3A_140 = arith.addi %mul3A_138, %add3A_139 : i32
        %mul3A_141 = arith.constant 16 : i32
        %mul3A_142 = arith.muli %add3A_140, %mul3A_141 : i32
        %get3A_143 = arith.index_cast %mul3A_142 : i32 to index
        %get3A_144 = tpu.vector_load %arg6[%get3A_143] {strides = array<i32>} : memref<3840xi32, #tpu.memory_space<vmem>>, vector<16xi32>,
        %mul3A_145 = arith.constant 16 : i32
        %mul3A_146 = arith.muli %add3A_140, %mul3A_145 : i32
        %add3A_147 = vector.broadcast %mul3A_146 : i32 to vector<16xi32>
        %add3A_148 = arith.addi %iota3A, %add3A_147 : vector<16xi32>
        %lt3A_149 = arith.constant 2 : i32
        %lt3A_150 = vector.broadcast %lt3A_149 : i32 to vector<16xi32>
        %lt3A_151 = arith.cmpi slt, %get3A_144, %lt3A_150 : vector<16xi32>
        %lt3A_152 = arith.cmpi slt, %add3A_148, %sub3A_13 : vector<16xi32>
        %and3A_153 = arith.andi %lt3A_151, %lt3A_152 : vector<16xi1>
        %jit3A_154 = arith.constant 1 : i32
        %jit3A_155 = arith.constant 0 : i32
        %broadcast_in_dim3A_156 = vector.broadcast %jit3A_154 : i32 to vector<16xi32>
        %broadcast_in_dim3A_157 = vector.broadcast %jit3A_155 : i32 to vector<16xi32>
        %select_n3A_158 = arith.select %and3A_153, %broadcast_in_dim3A_156, %broadcast_in_dim3A_157 : vector<16xi1>, vector<16xi32>
        %cumsum3A_159 = arith.constant true
        %cumsum3A_160 = vector.broadcast %cumsum3A_159 : i1 to vector<16xi1>
        %cumsum3A_161 = tpu.scan <sum>, %select_n3A_158 masked %cumsum3A_160 : vector<16xi32>, vector<16xi1> -> vector<16xi32>
        %add3A_162 = arith.addi %add3A_136, %cumsum3A_161 : vector<16xi32>
        %sub3A_163 = arith.constant 1 : i32
        %sub3A_164 = vector.broadcast %sub3A_163 : i32 to vector<16xi32>
        %sub3A_165 = arith.subi %add3A_162, %sub3A_164 : vector<16xi32>
        tpu.vector_store_idx %arg8[%sub3A_165], %add3A_148 masked %and3A_153 : memref<3856xi32, #tpu.memory_space<vmem>>[vector<16xi32>], vector<16xi32>, vector<16xi1>
        %all_reduce_population_count3A_166 = tpu.all_reduce %and3A_153 {dim = 0 : i64, kind = #tpu.reduction_kind<sum>} : vector<16xi1> -> vector<16xi32>
        %add3A_167 = arith.addi %add3A_136, %all_reduce_population_count3A_166 : vector<16xi32>
        %mul3A_168 = arith.constant 8 : i32
        %mul3A_169 = arith.muli %while3A_109, %mul3A_168 : i32
        %add3A_170 = arith.constant 2 : i32
        %add3A_171 = arith.addi %mul3A_169, %add3A_170 : i32
        %mul3A_172 = arith.constant 16 : i32
        %mul3A_173 = arith.muli %add3A_171, %mul3A_172 : i32
        %get3A_174 = arith.index_cast %mul3A_173 : i32 to index
        %get3A_175 = tpu.vector_load %arg6[%get3A_174] {strides = array<i32>} : memref<3840xi32, #tpu.memory_space<vmem>>, vector<16xi32>,
        %mul3A_176 = arith.constant 16 : i32
        %mul3A_177 = arith.muli %add3A_171, %mul3A_176 : i32
        %add3A_178 = vector.broadcast %mul3A_177 : i32 to vector<16xi32>
        %add3A_179 = arith.addi %iota3A, %add3A_178 : vector<16xi32>
        %lt3A_180 = arith.constant 2 : i32
        %lt3A_181 = vector.broadcast %lt3A_180 : i32 to vector<16xi32>
        %lt3A_182 = arith.cmpi slt, %get3A_175, %lt3A_181 : vector<16xi32>
        %lt3A_183 = arith.cmpi slt, %add3A_179, %sub3A_13 : vector<16xi32>
        %and3A_184 = arith.andi %lt3A_182, %lt3A_183 : vector<16xi1>
        %jit3A_185 = arith.constant 1 : i32
        %jit3A_186 = arith.constant 0 : i32
        %broadcast_in_dim3A_187 = vector.broadcast %jit3A_185 : i32 to vector<16xi32>
        %broadcast_in_dim3A_188 = vector.broadcast %jit3A_186 : i32 to vector<16xi32>
        %select_n3A_189 = arith.select %and3A_184, %broadcast_in_dim3A_187, %broadcast_in_dim3A_188 : vector<16xi1>, vector<16xi32>
        %cumsum3A_190 = arith.constant true
        %cumsum3A_191 = vector.broadcast %cumsum3A_190 : i1 to vector<16xi1>
        %cumsum3A_192 = tpu.scan <sum>, %select_n3A_189 masked %cumsum3A_191 : vector<16xi32>, vector<16xi1> -> vector<16xi32>
        %add3A_193 = arith.addi %add3A_167, %cumsum3A_192 : vector<16xi32>
        %sub3A_194 = arith.constant 1 : i32
        %sub3A_195 = vector.broadcast %sub3A_194 : i32 to vector<16xi32>
        %sub3A_196 = arith.subi %add3A_193, %sub3A_195 : vector<16xi32>
        tpu.vector_store_idx %arg8[%sub3A_196], %add3A_179 masked %and3A_184 : memref<3856xi32, #tpu.memory_space<vmem>>[vector<16xi32>], vector<16xi32>, vector<16xi1>
        %all_reduce_population_count3A_197 = tpu.all_reduce %and3A_184 {dim = 0 : i64, kind = #tpu.reduction_kind<sum>} : vector<16xi1> -> vector<16xi32>
        %add3A_198 = arith.addi %add3A_167, %all_reduce_population_count3A_197 : vector<16xi32>
        %mul3A_199 = arith.constant 8 : i32
        %mul3A_200 = arith.muli %while3A_109, %mul3A_199 : i32
        %add3A_201 = arith.constant 3 : i32
        %add3A_202 = arith.addi %mul3A_200, %add3A_201 : i32
        %mul3A_203 = arith.constant 16 : i32
        %mul3A_204 = arith.muli %add3A_202, %mul3A_203 : i32
        %get3A_205 = arith.index_cast %mul3A_204 : i32 to index
        %get3A_206 = tpu.vector_load %arg6[%get3A_205] {strides = array<i32>} : memref<3840xi32, #tpu.memory_space<vmem>>, vector<16xi32>,
        %mul3A_207 = arith.constant 16 : i32
        %mul3A_208 = arith.muli %add3A_202, %mul3A_207 : i32
        %add3A_209 = vector.broadcast %mul3A_208 : i32 to vector<16xi32>
        %add3A_210 = arith.addi %iota3A, %add3A_209 : vector<16xi32>
        %lt3A_211 = arith.constant 2 : i32
        %lt3A_212 = vector.broadcast %lt3A_211 : i32 to vector<16xi32>
        %lt3A_213 = arith.cmpi slt, %get3A_206, %lt3A_212 : vector<16xi32>
        %lt3A_214 = arith.cmpi slt, %add3A_210, %sub3A_13 : vector<16xi32>
        %and3A_215 = arith.andi %lt3A_213, %lt3A_214 : vector<16xi1>
        %jit3A_216 = arith.constant 1 : i32
        %jit3A_217 = arith.constant 0 : i32
        %broadcast_in_dim3A_218 = vector.broadcast %jit3A_216 : i32 to vector<16xi32>
        %broadcast_in_dim3A_219 = vector.broadcast %jit3A_217 : i32 to vector<16xi32>
        %select_n3A_220 = arith.select %and3A_215, %broadcast_in_dim3A_218, %broadcast_in_dim3A_219 : vector<16xi1>, vector<16xi32>
        %cumsum3A_221 = arith.constant true
        %cumsum3A_222 = vector.broadcast %cumsum3A_221 : i1 to vector<16xi1>
        %cumsum3A_223 = tpu.scan <sum>, %select_n3A_220 masked %cumsum3A_222 : vector<16xi32>, vector<16xi1> -> vector<16xi32>
        %add3A_224 = arith.addi %add3A_198, %cumsum3A_223 : vector<16xi32>
        %sub3A_225 = arith.constant 1 : i32
        %sub3A_226 = vector.broadcast %sub3A_225 : i32 to vector<16xi32>
        %sub3A_227 = arith.subi %add3A_224, %sub3A_226 : vector<16xi32>
        tpu.vector_store_idx %arg8[%sub3A_227], %add3A_210 masked %and3A_215 : memref<3856xi32, #tpu.memory_space<vmem>>[vector<16xi32>], vector<16xi32>, vector<16xi1>
        %all_reduce_population_count3A_228 = tpu.all_reduce %and3A_215 {dim = 0 : i64, kind = #tpu.reduction_kind<sum>} : vector<16xi1> -> vector<16xi32>
        %add3A_229 = arith.addi %add3A_198, %all_reduce_population_count3A_228 : vector<16xi32>
        %mul3A_230 = arith.constant 8 : i32
        %mul3A_231 = arith.muli %while3A_109, %mul3A_230 : i32
        %add3A_232 = arith.constant 4 : i32
        %add3A_233 = arith.addi %mul3A_231, %add3A_232 : i32
        %mul3A_234 = arith.constant 16 : i32
        %mul3A_235 = arith.muli %add3A_233, %mul3A_234 : i32
        %get3A_236 = arith.index_cast %mul3A_235 : i32 to index
        %get3A_237 = tpu.vector_load %arg6[%get3A_236] {strides = array<i32>} : memref<3840xi32, #tpu.memory_space<vmem>>, vector<16xi32>,
        %mul3A_238 = arith.constant 16 : i32
        %mul3A_239 = arith.muli %add3A_233, %mul3A_238 : i32
        %add3A_240 = vector.broadcast %mul3A_239 : i32 to vector<16xi32>
        %add3A_241 = arith.addi %iota3A, %add3A_240 : vector<16xi32>
        %lt3A_242 = arith.constant 2 : i32
        %lt3A_243 = vector.broadcast %lt3A_242 : i32 to vector<16xi32>
        %lt3A_244 = arith.cmpi slt, %get3A_237, %lt3A_243 : vector<16xi32>
        %lt3A_245 = arith.cmpi slt, %add3A_241, %sub3A_13 : vector<16xi32>
        %and3A_246 = arith.andi %lt3A_244, %lt3A_245 : vector<16xi1>
        %jit3A_247 = arith.constant 1 : i32
        %jit3A_248 = arith.constant 0 : i32
        %broadcast_in_dim3A_249 = vector.broadcast %jit3A_247 : i32 to vector<16xi32>
        %broadcast_in_dim3A_250 = vector.broadcast %jit3A_248 : i32 to vector<16xi32>
        %select_n3A_251 = arith.select %and3A_246, %broadcast_in_dim3A_249, %broadcast_in_dim3A_250 : vector<16xi1>, vector<16xi32>
        %cumsum3A_252 = arith.constant true
        %cumsum3A_253 = vector.broadcast %cumsum3A_252 : i1 to vector<16xi1>
        %cumsum3A_254 = tpu.scan <sum>, %select_n3A_251 masked %cumsum3A_253 : vector<16xi32>, vector<16xi1> -> vector<16xi32>
        %add3A_255 = arith.addi %add3A_229, %cumsum3A_254 : vector<16xi32>
        %sub3A_256 = arith.constant 1 : i32
        %sub3A_257 = vector.broadcast %sub3A_256 : i32 to vector<16xi32>
        %sub3A_258 = arith.subi %add3A_255, %sub3A_257 : vector<16xi32>
        tpu.vector_store_idx %arg8[%sub3A_258], %add3A_241 masked %and3A_246 : memref<3856xi32, #tpu.memory_space<vmem>>[vector<16xi32>], vector<16xi32>, vector<16xi1>
        %all_reduce_population_count3A_259 = tpu.all_reduce %and3A_246 {dim = 0 : i64, kind = #tpu.reduction_kind<sum>} : vector<16xi1> -> vector<16xi32>
        %add3A_260 = arith.addi %add3A_229, %all_reduce_population_count3A_259 : vector<16xi32>
        %mul3A_261 = arith.constant 8 : i32
        %mul3A_262 = arith.muli %while3A_109, %mul3A_261 : i32
        %add3A_263 = arith.constant 5 : i32
        %add3A_264 = arith.addi %mul3A_262, %add3A_263 : i32
        %mul3A_265 = arith.constant 16 : i32
        %mul3A_266 = arith.muli %add3A_264, %mul3A_265 : i32
        %get3A_267 = arith.index_cast %mul3A_266 : i32 to index
        %get3A_268 = tpu.vector_load %arg6[%get3A_267] {strides = array<i32>} : memref<3840xi32, #tpu.memory_space<vmem>>, vector<16xi32>,
        %mul3A_269 = arith.constant 16 : i32
        %mul3A_270 = arith.muli %add3A_264, %mul3A_269 : i32
        %add3A_271 = vector.broadcast %mul3A_270 : i32 to vector<16xi32>
        %add3A_272 = arith.addi %iota3A, %add3A_271 : vector<16xi32>
        %lt3A_273 = arith.constant 2 : i32
        %lt3A_274 = vector.broadcast %lt3A_273 : i32 to vector<16xi32>
        %lt3A_275 = arith.cmpi slt, %get3A_268, %lt3A_274 : vector<16xi32>
        %lt3A_276 = arith.cmpi slt, %add3A_272, %sub3A_13 : vector<16xi32>
        %and3A_277 = arith.andi %lt3A_275, %lt3A_276 : vector<16xi1>
        %jit3A_278 = arith.constant 1 : i32
        %jit3A_279 = arith.constant 0 : i32
        %broadcast_in_dim3A_280 = vector.broadcast %jit3A_278 : i32 to vector<16xi32>
        %broadcast_in_dim3A_281 = vector.broadcast %jit3A_279 : i32 to vector<16xi32>
        %select_n3A_282 = arith.select %and3A_277, %broadcast_in_dim3A_280, %broadcast_in_dim3A_281 : vector<16xi1>, vector<16xi32>
        %cumsum3A_283 = arith.constant true
        %cumsum3A_284 = vector.broadcast %cumsum3A_283 : i1 to vector<16xi1>
        %cumsum3A_285 = tpu.scan <sum>, %select_n3A_282 masked %cumsum3A_284 : vector<16xi32>, vector<16xi1> -> vector<16xi32>
        %add3A_286 = arith.addi %add3A_260, %cumsum3A_285 : vector<16xi32>
        %sub3A_287 = arith.constant 1 : i32
        %sub3A_288 = vector.broadcast %sub3A_287 : i32 to vector<16xi32>
        %sub3A_289 = arith.subi %add3A_286, %sub3A_288 : vector<16xi32>
        tpu.vector_store_idx %arg8[%sub3A_289], %add3A_272 masked %and3A_277 : memref<3856xi32, #tpu.memory_space<vmem>>[vector<16xi32>], vector<16xi32>, vector<16xi1>
        %all_reduce_population_count3A_290 = tpu.all_reduce %and3A_277 {dim = 0 : i64, kind = #tpu.reduction_kind<sum>} : vector<16xi1> -> vector<16xi32>
        %add3A_291 = arith.addi %add3A_260, %all_reduce_population_count3A_290 : vector<16xi32>
        %mul3A_292 = arith.constant 8 : i32
        %mul3A_293 = arith.muli %while3A_109, %mul3A_292 : i32
        %add3A_294 = arith.constant 6 : i32
        %add3A_295 = arith.addi %mul3A_293, %add3A_294 : i32
        %mul3A_296 = arith.constant 16 : i32
        %mul3A_297 = arith.muli %add3A_295, %mul3A_296 : i32
        %get3A_298 = arith.index_cast %mul3A_297 : i32 to index
        %get3A_299 = tpu.vector_load %arg6[%get3A_298] {strides = array<i32>} : memref<3840xi32, #tpu.memory_space<vmem>>, vector<16xi32>,
        %mul3A_300 = arith.constant 16 : i32
        %mul3A_301 = arith.muli %add3A_295, %mul3A_300 : i32
        %add3A_302 = vector.broadcast %mul3A_301 : i32 to vector<16xi32>
        %add3A_303 = arith.addi %iota3A, %add3A_302 : vector<16xi32>
        %lt3A_304 = arith.constant 2 : i32
        %lt3A_305 = vector.broadcast %lt3A_304 : i32 to vector<16xi32>
        %lt3A_306 = arith.cmpi slt, %get3A_299, %lt3A_305 : vector<16xi32>
        %lt3A_307 = arith.cmpi slt, %add3A_303, %sub3A_13 : vector<16xi32>
        %and3A_308 = arith.andi %lt3A_306, %lt3A_307 : vector<16xi1>
        %jit3A_309 = arith.constant 1 : i32
        %jit3A_310 = arith.constant 0 : i32
        %broadcast_in_dim3A_311 = vector.broadcast %jit3A_309 : i32 to vector<16xi32>
        %broadcast_in_dim3A_312 = vector.broadcast %jit3A_310 : i32 to vector<16xi32>
        %select_n3A_313 = arith.select %and3A_308, %broadcast_in_dim3A_311, %broadcast_in_dim3A_312 : vector<16xi1>, vector<16xi32>
        %cumsum3A_314 = arith.constant true
        %cumsum3A_315 = vector.broadcast %cumsum3A_314 : i1 to vector<16xi1>
        %cumsum3A_316 = tpu.scan <sum>, %select_n3A_313 masked %cumsum3A_315 : vector<16xi32>, vector<16xi1> -> vector<16xi32>
        %add3A_317 = arith.addi %add3A_291, %cumsum3A_316 : vector<16xi32>
        %sub3A_318 = arith.constant 1 : i32
        %sub3A_319 = vector.broadcast %sub3A_318 : i32 to vector<16xi32>
        %sub3A_320 = arith.subi %add3A_317, %sub3A_319 : vector<16xi32>
        tpu.vector_store_idx %arg8[%sub3A_320], %add3A_303 masked %and3A_308 : memref<3856xi32, #tpu.memory_space<vmem>>[vector<16xi32>], vector<16xi32>, vector<16xi1>
        %all_reduce_population_count3A_321 = tpu.all_reduce %and3A_308 {dim = 0 : i64, kind = #tpu.reduction_kind<sum>} : vector<16xi1> -> vector<16xi32>
        %add3A_322 = arith.addi %add3A_291, %all_reduce_population_count3A_321 : vector<16xi32>
        %mul3A_323 = arith.constant 8 : i32
        %mul3A_324 = arith.muli %while3A_109, %mul3A_323 : i32
        %add3A_325 = arith.constant 7 : i32
        %add3A_326 = arith.addi %mul3A_324, %add3A_325 : i32
        %mul3A_327 = arith.constant 16 : i32
        %mul3A_328 = arith.muli %add3A_326, %mul3A_327 : i32
        %get3A_329 = arith.index_cast %mul3A_328 : i32 to index
        %get3A_330 = tpu.vector_load %arg6[%get3A_329] {strides = array<i32>} : memref<3840xi32, #tpu.memory_space<vmem>>, vector<16xi32>,
        %mul3A_331 = arith.constant 16 : i32
        %mul3A_332 = arith.muli %add3A_326, %mul3A_331 : i32
        %add3A_333 = vector.broadcast %mul3A_332 : i32 to vector<16xi32>
        %add3A_334 = arith.addi %iota3A, %add3A_333 : vector<16xi32>
        %lt3A_335 = arith.constant 2 : i32
        %lt3A_336 = vector.broadcast %lt3A_335 : i32 to vector<16xi32>
        %lt3A_337 = arith.cmpi slt, %get3A_330, %lt3A_336 : vector<16xi32>
        %lt3A_338 = arith.cmpi slt, %add3A_334, %sub3A_13 : vector<16xi32>
        %and3A_339 = arith.andi %lt3A_337, %lt3A_338 : vector<16xi1>
        %jit3A_340 = arith.constant 1 : i32
        %jit3A_341 = arith.constant 0 : i32
        %broadcast_in_dim3A_342 = vector.broadcast %jit3A_340 : i32 to vector<16xi32>
        %broadcast_in_dim3A_343 = vector.broadcast %jit3A_341 : i32 to vector<16xi32>
        %select_n3A_344 = arith.select %and3A_339, %broadcast_in_dim3A_342, %broadcast_in_dim3A_343 : vector<16xi1>, vector<16xi32>
        %cumsum3A_345 = arith.constant true
        %cumsum3A_346 = vector.broadcast %cumsum3A_345 : i1 to vector<16xi1>
        %cumsum3A_347 = tpu.scan <sum>, %select_n3A_344 masked %cumsum3A_346 : vector<16xi32>, vector<16xi1> -> vector<16xi32>
        %add3A_348 = arith.addi %add3A_322, %cumsum3A_347 : vector<16xi32>
        %sub3A_349 = arith.constant 1 : i32
        %sub3A_350 = vector.broadcast %sub3A_349 : i32 to vector<16xi32>
        %sub3A_351 = arith.subi %add3A_348, %sub3A_350 : vector<16xi32>
        tpu.vector_store_idx %arg8[%sub3A_351], %add3A_334 masked %and3A_339 : memref<3856xi32, #tpu.memory_space<vmem>>[vector<16xi32>], vector<16xi32>, vector<16xi1>
        %all_reduce_population_count3A_352 = tpu.all_reduce %and3A_339 {dim = 0 : i64, kind = #tpu.reduction_kind<sum>} : vector<16xi1> -> vector<16xi32>
        %add3A_353 = arith.addi %add3A_322, %all_reduce_population_count3A_352 : vector<16xi32>
        scf.yield %add3A_353 : vector<16xi32>
      }
      %while3A_36 = arith.constant 1 : i32
      %while3A_37 = scf.for %while3A_109 = %while3A_33 to %while3A_29 step %while3A_36 iter_args(%while3A_110 = %while3A_35) -> (vector<16xi32>)  : i32 {
        %mul3A_111 = arith.constant 8 : i32
        %mul3A_112 = arith.muli %while3A_109, %mul3A_111 : i32
        %add3A_113 = arith.constant 0 : i32
        %add3A_114 = arith.addi %mul3A_112, %add3A_113 : i32
        %mul3A_115 = arith.constant 16 : i32
        %mul3A_116 = arith.muli %add3A_114, %mul3A_115 : i32
        %get3A = arith.index_cast %mul3A_116 : i32 to index
        %get3A_117 = tpu.vector_load %arg6[%get3A] {strides = array<i32>} : memref<3840xi32, #tpu.memory_space<vmem>>, vector<16xi32>,
        %mul3A_118 = arith.constant 16 : i32
        %mul3A_119 = arith.muli %add3A_114, %mul3A_118 : i32
        %add3A_120 = vector.broadcast %mul3A_119 : i32 to vector<16xi32>
        %add3A_121 = arith.addi %iota3A, %add3A_120 : vector<16xi32>
        %lt3A = arith.constant 2 : i32
        %lt3A_122 = vector.broadcast %lt3A : i32 to vector<16xi32>
        %lt3A_123 = arith.cmpi slt, %get3A_117, %lt3A_122 : vector<16xi32>
        %lt3A_124 = arith.cmpi slt, %add3A_121, %sub3A_13 : vector<16xi32>
        %and3A = arith.andi %lt3A_123, %lt3A_124 : vector<16xi1>
        %jit3A_125 = arith.constant 1 : i32
        %jit3A_126 = arith.constant 0 : i32
        %broadcast_in_dim3A_127 = vector.broadcast %jit3A_125 : i32 to vector<16xi32>
        %broadcast_in_dim3A_128 = vector.broadcast %jit3A_126 : i32 to vector<16xi32>
        %select_n3A_129 = arith.select %and3A, %broadcast_in_dim3A_127, %broadcast_in_dim3A_128 : vector<16xi1>, vector<16xi32>
        %cumsum3A = arith.constant true
        %cumsum3A_130 = vector.broadcast %cumsum3A : i1 to vector<16xi1>
        %cumsum3A_131 = tpu.scan <sum>, %select_n3A_129 masked %cumsum3A_130 : vector<16xi32>, vector<16xi1> -> vector<16xi32>
        %add3A_132 = arith.addi %while3A_110, %cumsum3A_131 : vector<16xi32>
        %sub3A_133 = arith.constant 1 : i32
        %sub3A_134 = vector.broadcast %sub3A_133 : i32 to vector<16xi32>
        %sub3A_135 = arith.subi %add3A_132, %sub3A_134 : vector<16xi32>
        tpu.vector_store_idx %arg8[%sub3A_135], %add3A_121 masked %and3A : memref<3856xi32, #tpu.memory_space<vmem>>[vector<16xi32>], vector<16xi32>, vector<16xi1>
        %all_reduce_population_count3A = tpu.all_reduce %and3A {dim = 0 : i64, kind = #tpu.reduction_kind<sum>} : vector<16xi1> -> vector<16xi32>
        %add3A_136 = arith.addi %while3A_110, %all_reduce_population_count3A : vector<16xi32>
        %mul3A_137 = arith.constant 8 : i32
        %mul3A_138 = arith.muli %while3A_109, %mul3A_137 : i32
        %add3A_139 = arith.constant 1 : i32
        %add3A_140 = arith.addi %mul3A_138, %add3A_139 : i32
        %mul3A_141 = arith.constant 16 : i32
        %mul3A_142 = arith.muli %add3A_140, %mul3A_141 : i32
        %get3A_143 = arith.index_cast %mul3A_142 : i32 to index
        %get3A_144 = tpu.vector_load %arg6[%get3A_143] {strides = array<i32>} : memref<3840xi32, #tpu.memory_space<vmem>>, vector<16xi32>,
        %mul3A_145 = arith.constant 16 : i32
        %mul3A_146 = arith.muli %add3A_140, %mul3A_145 : i32
        %add3A_147 = vector.broadcast %mul3A_146 : i32 to vector<16xi32>
        %add3A_148 = arith.addi %iota3A, %add3A_147 : vector<16xi32>
        %lt3A_149 = arith.constant 2 : i32
        %lt3A_150 = vector.broadcast %lt3A_149 : i32 to vector<16xi32>
        %lt3A_151 = arith.cmpi slt, %get3A_144, %lt3A_150 : vector<16xi32>
        %lt3A_152 = arith.cmpi slt, %add3A_148, %sub3A_13 : vector<16xi32>
        %and3A_153 = arith.andi %lt3A_151, %lt3A_152 : vector<16xi1>
        %jit3A_154 = arith.constant 1 : i32
        %jit3A_155 = arith.constant 0 : i32
        %broadcast_in_dim3A_156 = vector.broadcast %jit3A_154 : i32 to vector<16xi32>
        %broadcast_in_dim3A_157 = vector.broadcast %jit3A_155 : i32 to vector<16xi32>
        %select_n3A_158 = arith.select %and3A_153, %broadcast_in_dim3A_156, %broadcast_in_dim3A_157 : vector<16xi1>, vector<16xi32>
        %cumsum3A_159 = arith.constant true
        %cumsum3A_160 = vector.broadcast %cumsum3A_159 : i1 to vector<16xi1>
        %cumsum3A_161 = tpu.scan <sum>, %select_n3A_158 masked %cumsum3A_160 : vector<16xi32>, vector<16xi1> -> vector<16xi32>
        %add3A_162 = arith.addi %add3A_136, %cumsum3A_161 : vector<16xi32>
        %sub3A_163 = arith.constant 1 : i32
        %sub3A_164 = vector.broadcast %sub3A_163 : i32 to vector<16xi32>
        %sub3A_165 = arith.subi %add3A_162, %sub3A_164 : vector<16xi32>
        tpu.vector_store_idx %arg8[%sub3A_165], %add3A_148 masked %and3A_153 : memref<3856xi32, #tpu.memory_space<vmem>>[vector<16xi32>], vector<16xi32>, vector<16xi1>
        %all_reduce_population_count3A_166 = tpu.all_reduce %and3A_153 {dim = 0 : i64, kind = #tpu.reduction_kind<sum>} : vector<16xi1> -> vector<16xi32>
        %add3A_167 = arith.addi %add3A_136, %all_reduce_population_count3A_166 : vector<16xi32>
        %mul3A_168 = arith.constant 8 : i32
        %mul3A_169 = arith.muli %while3A_109, %mul3A_168 : i32
        %add3A_170 = arith.constant 2 : i32
        %add3A_171 = arith.addi %mul3A_169, %add3A_170 : i32
        %mul3A_172 = arith.constant 16 : i32
        %mul3A_173 = arith.muli %add3A_171, %mul3A_172 : i32
        %get3A_174 = arith.index_cast %mul3A_173 : i32 to index
        %get3A_175 = tpu.vector_load %arg6[%get3A_174] {strides = array<i32>} : memref<3840xi32, #tpu.memory_space<vmem>>, vector<16xi32>,
        %mul3A_176 = arith.constant 16 : i32
        %mul3A_177 = arith.muli %add3A_171, %mul3A_176 : i32
        %add3A_178 = vector.broadcast %mul3A_177 : i32 to vector<16xi32>
        %add3A_179 = arith.addi %iota3A, %add3A_178 : vector<16xi32>
        %lt3A_180 = arith.constant 2 : i32
        %lt3A_181 = vector.broadcast %lt3A_180 : i32 to vector<16xi32>
        %lt3A_182 = arith.cmpi slt, %get3A_175, %lt3A_181 : vector<16xi32>
        %lt3A_183 = arith.cmpi slt, %add3A_179, %sub3A_13 : vector<16xi32>
        %and3A_184 = arith.andi %lt3A_182, %lt3A_183 : vector<16xi1>
        %jit3A_185 = arith.constant 1 : i32
        %jit3A_186 = arith.constant 0 : i32
        %broadcast_in_dim3A_187 = vector.broadcast %jit3A_185 : i32 to vector<16xi32>
        %broadcast_in_dim3A_188 = vector.broadcast %jit3A_186 : i32 to vector<16xi32>
        %select_n3A_189 = arith.select %and3A_184, %broadcast_in_dim3A_187, %broadcast_in_dim3A_188 : vector<16xi1>, vector<16xi32>
        %cumsum3A_190 = arith.constant true
        %cumsum3A_191 = vector.broadcast %cumsum3A_190 : i1 to vector<16xi1>
        %cumsum3A_192 = tpu.scan <sum>, %select_n3A_189 masked %cumsum3A_191 : vector<16xi32>, vector<16xi1> -> vector<16xi32>
        %add3A_193 = arith.addi %add3A_167, %cumsum3A_192 : vector<16xi32>
        %sub3A_194 = arith.constant 1 : i32
        %sub3A_195 = vector.broadcast %sub3A_194 : i32 to vector<16xi32>
        %sub3A_196 = arith.subi %add3A_193, %sub3A_195 : vector<16xi32>
        tpu.vector_store_idx %arg8[%sub3A_196], %add3A_179 masked %and3A_184 : memref<3856xi32, #tpu.memory_space<vmem>>[vector<16xi32>], vector<16xi32>, vector<16xi1>
        %all_reduce_population_count3A_197 = tpu.all_reduce %and3A_184 {dim = 0 : i64, kind = #tpu.reduction_kind<sum>} : vector<16xi1> -> vector<16xi32>
        %add3A_198 = arith.addi %add3A_167, %all_reduce_population_count3A_197 : vector<16xi32>
        %mul3A_199 = arith.constant 8 : i32
        %mul3A_200 = arith.muli %while3A_109, %mul3A_199 : i32
        %add3A_201 = arith.constant 3 : i32
        %add3A_202 = arith.addi %mul3A_200, %add3A_201 : i32
        %mul3A_203 = arith.constant 16 : i32
        %mul3A_204 = arith.muli %add3A_202, %mul3A_203 : i32
        %get3A_205 = arith.index_cast %mul3A_204 : i32 to index
        %get3A_206 = tpu.vector_load %arg6[%get3A_205] {strides = array<i32>} : memref<3840xi32, #tpu.memory_space<vmem>>, vector<16xi32>,
        %mul3A_207 = arith.constant 16 : i32
        %mul3A_208 = arith.muli %add3A_202, %mul3A_207 : i32
        %add3A_209 = vector.broadcast %mul3A_208 : i32 to vector<16xi32>
        %add3A_210 = arith.addi %iota3A, %add3A_209 : vector<16xi32>
        %lt3A_211 = arith.constant 2 : i32
        %lt3A_212 = vector.broadcast %lt3A_211 : i32 to vector<16xi32>
        %lt3A_213 = arith.cmpi slt, %get3A_206, %lt3A_212 : vector<16xi32>
        %lt3A_214 = arith.cmpi slt, %add3A_210, %sub3A_13 : vector<16xi32>
        %and3A_215 = arith.andi %lt3A_213, %lt3A_214 : vector<16xi1>
        %jit3A_216 = arith.constant 1 : i32
        %jit3A_217 = arith.constant 0 : i32
        %broadcast_in_dim3A_218 = vector.broadcast %jit3A_216 : i32 to vector<16xi32>
        %broadcast_in_dim3A_219 = vector.broadcast %jit3A_217 : i32 to vector<16xi32>
        %select_n3A_220 = arith.select %and3A_215, %broadcast_in_dim3A_218, %broadcast_in_dim3A_219 : vector<16xi1>, vector<16xi32>
        %cumsum3A_221 = arith.constant true
        %cumsum3A_222 = vector.broadcast %cumsum3A_221 : i1 to vector<16xi1>
        %cumsum3A_223 = tpu.scan <sum>, %select_n3A_220 masked %cumsum3A_222 : vector<16xi32>, vector<16xi1> -> vector<16xi32>
        %add3A_224 = arith.addi %add3A_198, %cumsum3A_223 : vector<16xi32>
        %sub3A_225 = arith.constant 1 : i32
        %sub3A_226 = vector.broadcast %sub3A_225 : i32 to vector<16xi32>
        %sub3A_227 = arith.subi %add3A_224, %sub3A_226 : vector<16xi32>
        tpu.vector_store_idx %arg8[%sub3A_227], %add3A_210 masked %and3A_215 : memref<3856xi32, #tpu.memory_space<vmem>>[vector<16xi32>], vector<16xi32>, vector<16xi1>
        %all_reduce_population_count3A_228 = tpu.all_reduce %and3A_215 {dim = 0 : i64, kind = #tpu.reduction_kind<sum>} : vector<16xi1> -> vector<16xi32>
        %add3A_229 = arith.addi %add3A_198, %all_reduce_population_count3A_228 : vector<16xi32>
        %mul3A_230 = arith.constant 8 : i32
        %mul3A_231 = arith.muli %while3A_109, %mul3A_230 : i32
        %add3A_232 = arith.constant 4 : i32
        %add3A_233 = arith.addi %mul3A_231, %add3A_232 : i32
        %mul3A_234 = arith.constant 16 : i32
        %mul3A_235 = arith.muli %add3A_233, %mul3A_234 : i32
        %get3A_236 = arith.index_cast %mul3A_235 : i32 to index
        %get3A_237 = tpu.vector_load %arg6[%get3A_236] {strides = array<i32>} : memref<3840xi32, #tpu.memory_space<vmem>>, vector<16xi32>,
        %mul3A_238 = arith.constant 16 : i32
        %mul3A_239 = arith.muli %add3A_233, %mul3A_238 : i32
        %add3A_240 = vector.broadcast %mul3A_239 : i32 to vector<16xi32>
        %add3A_241 = arith.addi %iota3A, %add3A_240 : vector<16xi32>
        %lt3A_242 = arith.constant 2 : i32
        %lt3A_243 = vector.broadcast %lt3A_242 : i32 to vector<16xi32>
        %lt3A_244 = arith.cmpi slt, %get3A_237, %lt3A_243 : vector<16xi32>
        %lt3A_245 = arith.cmpi slt, %add3A_241, %sub3A_13 : vector<16xi32>
        %and3A_246 = arith.andi %lt3A_244, %lt3A_245 : vector<16xi1>
        %jit3A_247 = arith.constant 1 : i32
        %jit3A_248 = arith.constant 0 : i32
        %broadcast_in_dim3A_249 = vector.broadcast %jit3A_247 : i32 to vector<16xi32>
        %broadcast_in_dim3A_250 = vector.broadcast %jit3A_248 : i32 to vector<16xi32>
        %select_n3A_251 = arith.select %and3A_246, %broadcast_in_dim3A_249, %broadcast_in_dim3A_250 : vector<16xi1>, vector<16xi32>
        %cumsum3A_252 = arith.constant true
        %cumsum3A_253 = vector.broadcast %cumsum3A_252 : i1 to vector<16xi1>
        %cumsum3A_254 = tpu.scan <sum>, %select_n3A_251 masked %cumsum3A_253 : vector<16xi32>, vector<16xi1> -> vector<16xi32>
        %add3A_255 = arith.addi %add3A_229, %cumsum3A_254 : vector<16xi32>
        %sub3A_256 = arith.constant 1 : i32
        %sub3A_257 = vector.broadcast %sub3A_256 : i32 to vector<16xi32>
        %sub3A_258 = arith.subi %add3A_255, %sub3A_257 : vector<16xi32>
        tpu.vector_store_idx %arg8[%sub3A_258], %add3A_241 masked %and3A_246 : memref<3856xi32, #tpu.memory_space<vmem>>[vector<16xi32>], vector<16xi32>, vector<16xi1>
        %all_reduce_population_count3A_259 = tpu.all_reduce %and3A_246 {dim = 0 : i64, kind = #tpu.reduction_kind<sum>} : vector<16xi1> -> vector<16xi32>
        %add3A_260 = arith.addi %add3A_229, %all_reduce_population_count3A_259 : vector<16xi32>
        %mul3A_261 = arith.constant 8 : i32
        %mul3A_262 = arith.muli %while3A_109, %mul3A_261 : i32
        %add3A_263 = arith.constant 5 : i32
        %add3A_264 = arith.addi %mul3A_262, %add3A_263 : i32
        %mul3A_265 = arith.constant 16 : i32
        %mul3A_266 = arith.muli %add3A_264, %mul3A_265 : i32
        %get3A_267 = arith.index_cast %mul3A_266 : i32 to index
        %get3A_268 = tpu.vector_load %arg6[%get3A_267] {strides = array<i32>} : memref<3840xi32, #tpu.memory_space<vmem>>, vector<16xi32>,
        %mul3A_269 = arith.constant 16 : i32
        %mul3A_270 = arith.muli %add3A_264, %mul3A_269 : i32
        %add3A_271 = vector.broadcast %mul3A_270 : i32 to vector<16xi32>
        %add3A_272 = arith.addi %iota3A, %add3A_271 : vector<16xi32>
        %lt3A_273 = arith.constant 2 : i32
        %lt3A_274 = vector.broadcast %lt3A_273 : i32 to vector<16xi32>
        %lt3A_275 = arith.cmpi slt, %get3A_268, %lt3A_274 : vector<16xi32>
        %lt3A_276 = arith.cmpi slt, %add3A_272, %sub3A_13 : vector<16xi32>
        %and3A_277 = arith.andi %lt3A_275, %lt3A_276 : vector<16xi1>
        %jit3A_278 = arith.constant 1 : i32
        %jit3A_279 = arith.constant 0 : i32
        %broadcast_in_dim3A_280 = vector.broadcast %jit3A_278 : i32 to vector<16xi32>
        %broadcast_in_dim3A_281 = vector.broadcast %jit3A_279 : i32 to vector<16xi32>
        %select_n3A_282 = arith.select %and3A_277, %broadcast_in_dim3A_280, %broadcast_in_dim3A_281 : vector<16xi1>, vector<16xi32>
        %cumsum3A_283 = arith.constant true
        %cumsum3A_284 = vector.broadcast %cumsum3A_283 : i1 to vector<16xi1>
        %cumsum3A_285 = tpu.scan <sum>, %select_n3A_282 masked %cumsum3A_284 : vector<16xi32>, vector<16xi1> -> vector<16xi32>
        %add3A_286 = arith.addi %add3A_260, %cumsum3A_285 : vector<16xi32>
        %sub3A_287 = arith.constant 1 : i32
        %sub3A_288 = vector.broadcast %sub3A_287 : i32 to vector<16xi32>
        %sub3A_289 = arith.subi %add3A_286, %sub3A_288 : vector<16xi32>
        tpu.vector_store_idx %arg8[%sub3A_289], %add3A_272 masked %and3A_277 : memref<3856xi32, #tpu.memory_space<vmem>>[vector<16xi32>], vector<16xi32>, vector<16xi1>
        %all_reduce_population_count3A_290 = tpu.all_reduce %and3A_277 {dim = 0 : i64, kind = #tpu.reduction_kind<sum>} : vector<16xi1> -> vector<16xi32>
        %add3A_291 = arith.addi %add3A_260, %all_reduce_population_count3A_290 : vector<16xi32>
        %mul3A_292 = arith.constant 8 : i32
        %mul3A_293 = arith.muli %while3A_109, %mul3A_292 : i32
        %add3A_294 = arith.constant 6 : i32
        %add3A_295 = arith.addi %mul3A_293, %add3A_294 : i32
        %mul3A_296 = arith.constant 16 : i32
        %mul3A_297 = arith.muli %add3A_295, %mul3A_296 : i32
        %get3A_298 = arith.index_cast %mul3A_297 : i32 to index
        %get3A_299 = tpu.vector_load %arg6[%get3A_298] {strides = array<i32>} : memref<3840xi32, #tpu.memory_space<vmem>>, vector<16xi32>,
        %mul3A_300 = arith.constant 16 : i32
        %mul3A_301 = arith.muli %add3A_295, %mul3A_300 : i32
        %add3A_302 = vector.broadcast %mul3A_301 : i32 to vector<16xi32>
        %add3A_303 = arith.addi %iota3A, %add3A_302 : vector<16xi32>
        %lt3A_304 = arith.constant 2 : i32
        %lt3A_305 = vector.broadcast %lt3A_304 : i32 to vector<16xi32>
        %lt3A_306 = arith.cmpi slt, %get3A_299, %lt3A_305 : vector<16xi32>
        %lt3A_307 = arith.cmpi slt, %add3A_303, %sub3A_13 : vector<16xi32>
        %and3A_308 = arith.andi %lt3A_306, %lt3A_307 : vector<16xi1>
        %jit3A_309 = arith.constant 1 : i32
        %jit3A_310 = arith.constant 0 : i32
        %broadcast_in_dim3A_311 = vector.broadcast %jit3A_309 : i32 to vector<16xi32>
        %broadcast_in_dim3A_312 = vector.broadcast %jit3A_310 : i32 to vector<16xi32>
        %select_n3A_313 = arith.select %and3A_308, %broadcast_in_dim3A_311, %broadcast_in_dim3A_312 : vector<16xi1>, vector<16xi32>
        %cumsum3A_314 = arith.constant true
        %cumsum3A_315 = vector.broadcast %cumsum3A_314 : i1 to vector<16xi1>
        %cumsum3A_316 = tpu.scan <sum>, %select_n3A_313 masked %cumsum3A_315 : vector<16xi32>, vector<16xi1> -> vector<16xi32>
        %add3A_317 = arith.addi %add3A_291, %cumsum3A_316 : vector<16xi32>
        %sub3A_318 = arith.constant 1 : i32
        %sub3A_319 = vector.broadcast %sub3A_318 : i32 to vector<16xi32>
        %sub3A_320 = arith.subi %add3A_317, %sub3A_319 : vector<16xi32>
        tpu.vector_store_idx %arg8[%sub3A_320], %add3A_303 masked %and3A_308 : memref<3856xi32, #tpu.memory_space<vmem>>[vector<16xi32>], vector<16xi32>, vector<16xi1>
        %all_reduce_population_count3A_321 = tpu.all_reduce %and3A_308 {dim = 0 : i64, kind = #tpu.reduction_kind<sum>} : vector<16xi1> -> vector<16xi32>
        %add3A_322 = arith.addi %add3A_291, %all_reduce_population_count3A_321 : vector<16xi32>
        %mul3A_323 = arith.constant 8 : i32
        %mul3A_324 = arith.muli %while3A_109, %mul3A_323 : i32
        %add3A_325 = arith.constant 7 : i32
        %add3A_326 = arith.addi %mul3A_324, %add3A_325 : i32
        %mul3A_327 = arith.constant 16 : i32
        %mul3A_328 = arith.muli %add3A_326, %mul3A_327 : i32
        %get3A_329 = arith.index_cast %mul3A_328 : i32 to index
        %get3A_330 = tpu.vector_load %arg6[%get3A_329] {strides = array<i32>} : memref<3840xi32, #tpu.memory_space<vmem>>, vector<16xi32>,
        %mul3A_331 = arith.constant 16 : i32
        %mul3A_332 = arith.muli %add3A_326, %mul3A_331 : i32
        %add3A_333 = vector.broadcast %mul3A_332 : i32 to vector<16xi32>
        %add3A_334 = arith.addi %iota3A, %add3A_333 : vector<16xi32>
        %lt3A_335 = arith.constant 2 : i32
        %lt3A_336 = vector.broadcast %lt3A_335 : i32 to vector<16xi32>
        %lt3A_337 = arith.cmpi slt, %get3A_330, %lt3A_336 : vector<16xi32>
        %lt3A_338 = arith.cmpi slt, %add3A_334, %sub3A_13 : vector<16xi32>
        %and3A_339 = arith.andi %lt3A_337, %lt3A_338 : vector<16xi1>
        %jit3A_340 = arith.constant 1 : i32
        %jit3A_341 = arith.constant 0 : i32
        %broadcast_in_dim3A_342 = vector.broadcast %jit3A_340 : i32 to vector<16xi32>
        %broadcast_in_dim3A_343 = vector.broadcast %jit3A_341 : i32 to vector<16xi32>
        %select_n3A_344 = arith.select %and3A_339, %broadcast_in_dim3A_342, %broadcast_in_dim3A_343 : vector<16xi1>, vector<16xi32>
        %cumsum3A_345 = arith.constant true
        %cumsum3A_346 = vector.broadcast %cumsum3A_345 : i1 to vector<16xi1>
        %cumsum3A_347 = tpu.scan <sum>, %select_n3A_344 masked %cumsum3A_346 : vector<16xi32>, vector<16xi1> -> vector<16xi32>
        %add3A_348 = arith.addi %add3A_322, %cumsum3A_347 : vector<16xi32>
        %sub3A_349 = arith.constant 1 : i32
        %sub3A_350 = vector.broadcast %sub3A_349 : i32 to vector<16xi32>
        %sub3A_351 = arith.subi %add3A_348, %sub3A_350 : vector<16xi32>
        tpu.vector_store_idx %arg8[%sub3A_351], %add3A_334 masked %and3A_339 : memref<3856xi32, #tpu.memory_space<vmem>>[vector<16xi32>], vector<16xi32>, vector<16xi1>
        %all_reduce_population_count3A_352 = tpu.all_reduce %and3A_339 {dim = 0 : i64, kind = #tpu.reduction_kind<sum>} : vector<16xi1> -> vector<16xi32>
        %add3A_353 = arith.addi %add3A_322, %all_reduce_population_count3A_352 : vector<16xi32>
        scf.yield %add3A_353 : vector<16xi32>
      }
      %reduce_max3A = arith.constant true
      %reduce_max3A_38 = vector.broadcast %reduce_max3A : i1 to vector<16xi1>
      %reduce_max3A_39 = arith.constant -2147483648 : i32
      %reduce_max3A_40 = vector.broadcast %reduce_max3A_39 : i32 to vector<16xi32>
      %reduce_max3A_41 = arith.xori %while3A_37, %reduce_max3A_40 : vector<16xi32>
      %reduce_max3A_42 = tpu.scan <max>, %reduce_max3A_41 masked %reduce_max3A_38 : vector<16xi32>, vector<16xi1> -> vector<16xi32>
      %reduce_max3A_43 = arith.xori %reduce_max3A_42, %reduce_max3A_40 : vector<16xi32>
      %reduce_max3A_44 = vector.extract %reduce_max3A_43[15] : i32 from vector<16xi32>
      %add3A_45 = vector.broadcast %reduce_max3A_44 : i32 to vector<16xi32>
      %add3A_46 = arith.addi %add3A_45, %iota3A : vector<16xi32>
      tpu.vector_store_idx %arg8[%add3A_46], %broadcast_in_dim3A_4 : memref<3856xi32, #tpu.memory_space<vmem>>[vector<16xi32>], vector<16xi32>,
      %add3A_47 = arith.constant 15 : i32
      %add3A_48 = arith.addi %reduce_max3A_44, %add3A_47 : i32
      %shift_right_logical3A = arith.constant 4 : i32
      %shift_right_logical3A_49 = arith.shrui %add3A_48, %shift_right_logical3A : i32
      %while3A_50 = arith.constant 0 : i32
      %while3A_51 = arith.subi %shift_right_logical3A_49, %while3A_50 : i32
      %while3A_52 = arith.addi %while3A_50, %while3A_51 : i32
      %while3A_53 = arith.constant 1 : i32
      %while3A_54 = arith.divsi %while3A_51, %while3A_53 : i32
      %while3A_55 = arith.muli %while3A_54, %while3A_53 : i32
      %while3A_56 = arith.addi %while3A_50, %while3A_55 : i32
      %while3A_57 = arith.constant 1 : i32
      %while3A_58:3 = scf.for %while3A_109 = %while3A_50 to %while3A_56 step %while3A_57 iter_args(%while3A_110 = %broadcast_in_dim3A_4, %while3A_111 = %broadcast_in_dim3A_2, %while3A_112 = %broadcast_in_dim3A_4) -> (vector<16xi32>, vector<16xf32>, vector<16xi32>)  : i32 {
        %mul3A_113 = arith.constant 16 : i32
        %mul3A_114 = arith.muli %while3A_109, %mul3A_113 : i32
        %get3A = arith.index_cast %mul3A_114 : i32 to index
        %get3A_115 = tpu.vector_load %arg8[%get3A] {strides = array<i32>} : memref<3856xi32, #tpu.memory_space<vmem>>, vector<16xi32>,
        %gather3A = tpu.vector_load_idx %arg6[%get3A_115] : memref<3840xi32, #tpu.memory_space<vmem>>[vector<16xi32>], vector<16xi32>,
        %add3A_116 = arith.addi %get3A_115, %get3A_115 : vector<16xi32>
        %gather3A_117 = tpu.vector_load_idx %arg5[%add3A_116] : memref<7680xf32, #tpu.memory_space<vmem>>[vector<16xi32>], vector<16xf32>,
        %add3A_118 = arith.addi %get3A_115, %get3A_115 : vector<16xi32>
        %add3A_119 = arith.constant 1 : i32
        %add3A_120 = vector.broadcast %add3A_119 : i32 to vector<16xi32>
        %add3A_121 = arith.addi %add3A_118, %add3A_120 : vector<16xi32>
        %gather3A_122 = tpu.vector_load_idx %arg5[%add3A_121] : memref<7680xf32, #tpu.memory_space<vmem>>[vector<16xi32>], vector<16xf32>,
        %sub3A_123 = arith.subf %gather3A_122, %gather3A_117 : vector<16xf32>
        %eq3A_124 = arith.constant 1 : i32
        %eq3A_125 = vector.broadcast %eq3A_124 : i32 to vector<16xi32>
        %eq3A_126 = arith.cmpi eq, %gather3A, %eq3A_125 : vector<16xi32>
        %neg3A = arith.constant 0.000000e+00 : f32
        %neg3A_127 = vector.broadcast %neg3A : f32 to vector<16xf32>
        %neg3A_128 = arith.subf %neg3A_127, %sub3A_123 : vector<16xf32>
        %select_n3A_129 = arith.select %eq3A_126, %neg3A_128, %sub3A_123 : vector<16xi1>, vector<16xf32>
        %abs3A = math.absf %select_n3A_129 : vector<16xf32>
        %neg3A_130 = arith.constant 0.000000e+00 : f32
        %neg3A_131 = vector.broadcast %neg3A_130 : f32 to vector<16xf32>
        %neg3A_132 = arith.subf %neg3A_131, %abs3A : vector<16xf32>
        %exp3A = math.exp %neg3A_132 : vector<16xf32>
        %add3A_133 = arith.constant 2.000000e+00 : f32
        %add3A_134 = vector.broadcast %add3A_133 : f32 to vector<16xf32>
        %add3A_135 = arith.addf %exp3A, %add3A_134 : vector<16xf32>
        %div3A = arith.divf %exp3A, %add3A_135 : vector<16xf32>
        %mul3A_136 = arith.mulf %div3A, %div3A : vector<16xf32>
        %mul3A_137 = arith.constant 0.0769230798 : f32
        %mul3A_138 = vector.broadcast %mul3A_137 : f32 to vector<16xf32>
        %mul3A_139 = arith.mulf %mul3A_136, %mul3A_138 : vector<16xf32>
        %add3A_140 = arith.constant 0.0909090936 : f32
        %add3A_141 = vector.broadcast %add3A_140 : f32 to vector<16xf32>
        %add3A_142 = arith.addf %add3A_141, %mul3A_139 : vector<16xf32>
        %mul3A_143 = arith.mulf %mul3A_136, %add3A_142 : vector<16xf32>
        %add3A_144 = arith.constant 0.111111112 : f32
        %add3A_145 = vector.broadcast %add3A_144 : f32 to vector<16xf32>
        %add3A_146 = arith.addf %add3A_145, %mul3A_143 : vector<16xf32>
        %mul3A_147 = arith.mulf %mul3A_136, %add3A_146 : vector<16xf32>
        %add3A_148 = arith.constant 0.142857149 : f32
        %add3A_149 = vector.broadcast %add3A_148 : f32 to vector<16xf32>
        %add3A_150 = arith.addf %add3A_149, %mul3A_147 : vector<16xf32>
        %mul3A_151 = arith.mulf %mul3A_136, %add3A_150 : vector<16xf32>
        %add3A_152 = arith.constant 2.000000e-01 : f32
        %add3A_153 = vector.broadcast %add3A_152 : f32 to vector<16xf32>
        %add3A_154 = arith.addf %add3A_153, %mul3A_151 : vector<16xf32>
        %mul3A_155 = arith.mulf %mul3A_136, %add3A_154 : vector<16xf32>
        %add3A_156 = arith.constant 0.333333343 : f32
        %add3A_157 = vector.broadcast %add3A_156 : f32 to vector<16xf32>
        %add3A_158 = arith.addf %add3A_157, %mul3A_155 : vector<16xf32>
        %mul3A_159 = arith.mulf %mul3A_136, %add3A_158 : vector<16xf32>
        %add3A_160 = arith.constant 1.000000e+00 : f32
        %add3A_161 = vector.broadcast %add3A_160 : f32 to vector<16xf32>
        %add3A_162 = arith.addf %add3A_161, %mul3A_159 : vector<16xf32>
        %max3A = arith.constant 0.000000e+00 : f32
        %max3A_163 = vector.broadcast %max3A : f32 to vector<16xf32>
        %max3A_164 = arith.maximumf %select_n3A_129, %max3A_163 : vector<16xf32>
        %mul3A_165 = arith.constant 2.000000e+00 : f32
        %mul3A_166 = vector.broadcast %mul3A_165 : f32 to vector<16xf32>
        %mul3A_167 = arith.mulf %mul3A_166, %div3A : vector<16xf32>
        %mul3A_168 = arith.mulf %mul3A_167, %add3A_162 : vector<16xf32>
        %add3A_169 = arith.addf %max3A_164, %mul3A_168 : vector<16xf32>
        %mul3A_170 = arith.constant 16 : i32
        %mul3A_171 = arith.muli %while3A_109, %mul3A_170 : i32
        %add3A_172 = vector.broadcast %mul3A_171 : i32 to vector<16xi32>
        %add3A_173 = arith.addi %iota3A, %add3A_172 : vector<16xi32>
        %lt3A = arith.cmpi slt, %add3A_173, %while3A_37 : vector<16xi32>
        %eq3A_174 = arith.constant 1 : i32
        %eq3A_175 = vector.broadcast %eq3A_174 : i32 to vector<16xi32>
        %eq3A_176 = arith.cmpi eq, %gather3A, %eq3A_175 : vector<16xi32>
        %and3A = arith.andi %eq3A_176, %lt3A : vector<16xi1>
        %eq3A_177 = arith.constant 0 : i32
        %eq3A_178 = vector.broadcast %eq3A_177 : i32 to vector<16xi32>
        %eq3A_179 = arith.cmpi eq, %gather3A, %eq3A_178 : vector<16xi32>
        %and3A_180 = arith.andi %eq3A_179, %lt3A : vector<16xi1>
        %jit3A_181 = arith.constant 0.000000e+00 : f32
        %broadcast_in_dim3A_182 = vector.broadcast %jit3A_181 : f32 to vector<16xf32>
        %select_n3A_183 = arith.select %and3A, %add3A_169, %broadcast_in_dim3A_182 : vector<16xi1>, vector<16xf32>
        %add3A_184 = arith.addf %while3A_111, %select_n3A_183 : vector<16xf32>
        %jit3A_185 = arith.constant 1 : i32
        %jit3A_186 = arith.constant 0 : i32
        %broadcast_in_dim3A_187 = vector.broadcast %jit3A_185 : i32 to vector<16xi32>
        %broadcast_in_dim3A_188 = vector.broadcast %jit3A_186 : i32 to vector<16xi32>
        %select_n3A_189 = arith.select %and3A, %broadcast_in_dim3A_187, %broadcast_in_dim3A_188 : vector<16xi1>, vector<16xi32>
        %add3A_190 = arith.addi %while3A_112, %select_n3A_189 : vector<16xi32>
        %jit3A_191 = arith.constant 1 : i32
        %jit3A_192 = arith.constant 0 : i32
        %broadcast_in_dim3A_193 = vector.broadcast %jit3A_191 : i32 to vector<16xi32>
        %broadcast_in_dim3A_194 = vector.broadcast %jit3A_192 : i32 to vector<16xi32>
        %select_n3A_195 = arith.select %and3A_180, %broadcast_in_dim3A_193, %broadcast_in_dim3A_194 : vector<16xi1>, vector<16xi32>
        %cumsum3A = arith.constant true
        %cumsum3A_196 = vector.broadcast %cumsum3A : i1 to vector<16xi1>
        %cumsum3A_197 = tpu.scan <sum>, %select_n3A_195 masked %cumsum3A_196 : vector<16xi32>, vector<16xi1> -> vector<16xi32>
        %add3A_198 = arith.addi %while3A_110, %cumsum3A_197 : vector<16xi32>
        %sub3A_199 = arith.constant 1 : i32
        %sub3A_200 = vector.broadcast %sub3A_199 : i32 to vector<16xi32>
        %sub3A_201 = arith.subi %add3A_198, %sub3A_200 : vector<16xi32>
        tpu.vector_store_idx %arg7[%sub3A_201], %add3A_169 masked %and3A_180 : memref<3856xf32, #tpu.memory_space<vmem>>[vector<16xi32>], vector<16xf32>, vector<16xi1>
        %all_reduce_population_count3A = tpu.all_reduce %and3A_180 {dim = 0 : i64, kind = #tpu.reduction_kind<sum>} : vector<16xi1> -> vector<16xi32>
        %add3A_202 = arith.addi %while3A_110, %all_reduce_population_count3A : vector<16xi32>
        scf.yield %add3A_202, %add3A_184, %add3A_190 : vector<16xi32>, vector<16xf32>, vector<16xi32>
      }
      %while3A_59 = arith.constant 1 : i32
      %while3A_60:3 = scf.for %while3A_109 = %while3A_56 to %while3A_52 step %while3A_59 iter_args(%while3A_110 = %while3A_58#0, %while3A_111 = %while3A_58#1, %while3A_112 = %while3A_58#2) -> (vector<16xi32>, vector<16xf32>, vector<16xi32>)  : i32 {
        %mul3A_113 = arith.constant 16 : i32
        %mul3A_114 = arith.muli %while3A_109, %mul3A_113 : i32
        %get3A = arith.index_cast %mul3A_114 : i32 to index
        %get3A_115 = tpu.vector_load %arg8[%get3A] {strides = array<i32>} : memref<3856xi32, #tpu.memory_space<vmem>>, vector<16xi32>,
        %gather3A = tpu.vector_load_idx %arg6[%get3A_115] : memref<3840xi32, #tpu.memory_space<vmem>>[vector<16xi32>], vector<16xi32>,
        %add3A_116 = arith.addi %get3A_115, %get3A_115 : vector<16xi32>
        %gather3A_117 = tpu.vector_load_idx %arg5[%add3A_116] : memref<7680xf32, #tpu.memory_space<vmem>>[vector<16xi32>], vector<16xf32>,
        %add3A_118 = arith.addi %get3A_115, %get3A_115 : vector<16xi32>
        %add3A_119 = arith.constant 1 : i32
        %add3A_120 = vector.broadcast %add3A_119 : i32 to vector<16xi32>
        %add3A_121 = arith.addi %add3A_118, %add3A_120 : vector<16xi32>
        %gather3A_122 = tpu.vector_load_idx %arg5[%add3A_121] : memref<7680xf32, #tpu.memory_space<vmem>>[vector<16xi32>], vector<16xf32>,
        %sub3A_123 = arith.subf %gather3A_122, %gather3A_117 : vector<16xf32>
        %eq3A_124 = arith.constant 1 : i32
        %eq3A_125 = vector.broadcast %eq3A_124 : i32 to vector<16xi32>
        %eq3A_126 = arith.cmpi eq, %gather3A, %eq3A_125 : vector<16xi32>
        %neg3A = arith.constant 0.000000e+00 : f32
        %neg3A_127 = vector.broadcast %neg3A : f32 to vector<16xf32>
        %neg3A_128 = arith.subf %neg3A_127, %sub3A_123 : vector<16xf32>
        %select_n3A_129 = arith.select %eq3A_126, %neg3A_128, %sub3A_123 : vector<16xi1>, vector<16xf32>
        %abs3A = math.absf %select_n3A_129 : vector<16xf32>
        %neg3A_130 = arith.constant 0.000000e+00 : f32
        %neg3A_131 = vector.broadcast %neg3A_130 : f32 to vector<16xf32>
        %neg3A_132 = arith.subf %neg3A_131, %abs3A : vector<16xf32>
        %exp3A = math.exp %neg3A_132 : vector<16xf32>
        %add3A_133 = arith.constant 2.000000e+00 : f32
        %add3A_134 = vector.broadcast %add3A_133 : f32 to vector<16xf32>
        %add3A_135 = arith.addf %exp3A, %add3A_134 : vector<16xf32>
        %div3A = arith.divf %exp3A, %add3A_135 : vector<16xf32>
        %mul3A_136 = arith.mulf %div3A, %div3A : vector<16xf32>
        %mul3A_137 = arith.constant 0.0769230798 : f32
        %mul3A_138 = vector.broadcast %mul3A_137 : f32 to vector<16xf32>
        %mul3A_139 = arith.mulf %mul3A_136, %mul3A_138 : vector<16xf32>
        %add3A_140 = arith.constant 0.0909090936 : f32
        %add3A_141 = vector.broadcast %add3A_140 : f32 to vector<16xf32>
        %add3A_142 = arith.addf %add3A_141, %mul3A_139 : vector<16xf32>
        %mul3A_143 = arith.mulf %mul3A_136, %add3A_142 : vector<16xf32>
        %add3A_144 = arith.constant 0.111111112 : f32
        %add3A_145 = vector.broadcast %add3A_144 : f32 to vector<16xf32>
        %add3A_146 = arith.addf %add3A_145, %mul3A_143 : vector<16xf32>
        %mul3A_147 = arith.mulf %mul3A_136, %add3A_146 : vector<16xf32>
        %add3A_148 = arith.constant 0.142857149 : f32
        %add3A_149 = vector.broadcast %add3A_148 : f32 to vector<16xf32>
        %add3A_150 = arith.addf %add3A_149, %mul3A_147 : vector<16xf32>
        %mul3A_151 = arith.mulf %mul3A_136, %add3A_150 : vector<16xf32>
        %add3A_152 = arith.constant 2.000000e-01 : f32
        %add3A_153 = vector.broadcast %add3A_152 : f32 to vector<16xf32>
        %add3A_154 = arith.addf %add3A_153, %mul3A_151 : vector<16xf32>
        %mul3A_155 = arith.mulf %mul3A_136, %add3A_154 : vector<16xf32>
        %add3A_156 = arith.constant 0.333333343 : f32
        %add3A_157 = vector.broadcast %add3A_156 : f32 to vector<16xf32>
        %add3A_158 = arith.addf %add3A_157, %mul3A_155 : vector<16xf32>
        %mul3A_159 = arith.mulf %mul3A_136, %add3A_158 : vector<16xf32>
        %add3A_160 = arith.constant 1.000000e+00 : f32
        %add3A_161 = vector.broadcast %add3A_160 : f32 to vector<16xf32>
        %add3A_162 = arith.addf %add3A_161, %mul3A_159 : vector<16xf32>
        %max3A = arith.constant 0.000000e+00 : f32
        %max3A_163 = vector.broadcast %max3A : f32 to vector<16xf32>
        %max3A_164 = arith.maximumf %select_n3A_129, %max3A_163 : vector<16xf32>
        %mul3A_165 = arith.constant 2.000000e+00 : f32
        %mul3A_166 = vector.broadcast %mul3A_165 : f32 to vector<16xf32>
        %mul3A_167 = arith.mulf %mul3A_166, %div3A : vector<16xf32>
        %mul3A_168 = arith.mulf %mul3A_167, %add3A_162 : vector<16xf32>
        %add3A_169 = arith.addf %max3A_164, %mul3A_168 : vector<16xf32>
        %mul3A_170 = arith.constant 16 : i32
        %mul3A_171 = arith.muli %while3A_109, %mul3A_170 : i32
        %add3A_172 = vector.broadcast %mul3A_171 : i32 to vector<16xi32>
        %add3A_173 = arith.addi %iota3A, %add3A_172 : vector<16xi32>
        %lt3A = arith.cmpi slt, %add3A_173, %while3A_37 : vector<16xi32>
        %eq3A_174 = arith.constant 1 : i32
        %eq3A_175 = vector.broadcast %eq3A_174 : i32 to vector<16xi32>
        %eq3A_176 = arith.cmpi eq, %gather3A, %eq3A_175 : vector<16xi32>
        %and3A = arith.andi %eq3A_176, %lt3A : vector<16xi1>
        %eq3A_177 = arith.constant 0 : i32
        %eq3A_178 = vector.broadcast %eq3A_177 : i32 to vector<16xi32>
        %eq3A_179 = arith.cmpi eq, %gather3A, %eq3A_178 : vector<16xi32>
        %and3A_180 = arith.andi %eq3A_179, %lt3A : vector<16xi1>
        %jit3A_181 = arith.constant 0.000000e+00 : f32
        %broadcast_in_dim3A_182 = vector.broadcast %jit3A_181 : f32 to vector<16xf32>
        %select_n3A_183 = arith.select %and3A, %add3A_169, %broadcast_in_dim3A_182 : vector<16xi1>, vector<16xf32>
        %add3A_184 = arith.addf %while3A_111, %select_n3A_183 : vector<16xf32>
        %jit3A_185 = arith.constant 1 : i32
        %jit3A_186 = arith.constant 0 : i32
        %broadcast_in_dim3A_187 = vector.broadcast %jit3A_185 : i32 to vector<16xi32>
        %broadcast_in_dim3A_188 = vector.broadcast %jit3A_186 : i32 to vector<16xi32>
        %select_n3A_189 = arith.select %and3A, %broadcast_in_dim3A_187, %broadcast_in_dim3A_188 : vector<16xi1>, vector<16xi32>
        %add3A_190 = arith.addi %while3A_112, %select_n3A_189 : vector<16xi32>
        %jit3A_191 = arith.constant 1 : i32
        %jit3A_192 = arith.constant 0 : i32
        %broadcast_in_dim3A_193 = vector.broadcast %jit3A_191 : i32 to vector<16xi32>
        %broadcast_in_dim3A_194 = vector.broadcast %jit3A_192 : i32 to vector<16xi32>
        %select_n3A_195 = arith.select %and3A_180, %broadcast_in_dim3A_193, %broadcast_in_dim3A_194 : vector<16xi1>, vector<16xi32>
        %cumsum3A = arith.constant true
        %cumsum3A_196 = vector.broadcast %cumsum3A : i1 to vector<16xi1>
        %cumsum3A_197 = tpu.scan <sum>, %select_n3A_195 masked %cumsum3A_196 : vector<16xi32>, vector<16xi1> -> vector<16xi32>
        %add3A_198 = arith.addi %while3A_110, %cumsum3A_197 : vector<16xi32>
        %sub3A_199 = arith.constant 1 : i32
        %sub3A_200 = vector.broadcast %sub3A_199 : i32 to vector<16xi32>
        %sub3A_201 = arith.subi %add3A_198, %sub3A_200 : vector<16xi32>
        tpu.vector_store_idx %arg7[%sub3A_201], %add3A_169 masked %and3A_180 : memref<3856xf32, #tpu.memory_space<vmem>>[vector<16xi32>], vector<16xf32>, vector<16xi1>
        %all_reduce_population_count3A = tpu.all_reduce %and3A_180 {dim = 0 : i64, kind = #tpu.reduction_kind<sum>} : vector<16xi1> -> vector<16xi32>
        %add3A_202 = arith.addi %while3A_110, %all_reduce_population_count3A : vector<16xi32>
        scf.yield %add3A_202, %add3A_184, %add3A_190 : vector<16xi32>, vector<16xf32>, vector<16xi32>
      }
      %reduce_max3A_61 = arith.constant true
      %reduce_max3A_62 = vector.broadcast %reduce_max3A_61 : i1 to vector<16xi1>
      %reduce_max3A_63 = arith.constant -2147483648 : i32
      %reduce_max3A_64 = vector.broadcast %reduce_max3A_63 : i32 to vector<16xi32>
      %reduce_max3A_65 = arith.xori %while3A_60#0, %reduce_max3A_64 : vector<16xi32>
      %reduce_max3A_66 = tpu.scan <max>, %reduce_max3A_65 masked %reduce_max3A_62 : vector<16xi32>, vector<16xi1> -> vector<16xi32>
      %reduce_max3A_67 = arith.xori %reduce_max3A_66, %reduce_max3A_64 : vector<16xi32>
      %reduce_max3A_68 = vector.extract %reduce_max3A_67[15] : i32 from vector<16xi32>
      %add3A_69 = vector.broadcast %reduce_max3A_68 : i32 to vector<16xi32>
      %add3A_70 = arith.addi %add3A_69, %iota3A : vector<16xi32>
      %broadcast_in_dim3A_71 = arith.constant 0xFF800000 : f32
      %broadcast_in_dim3A_72 = vector.broadcast %broadcast_in_dim3A_71 : f32 to vector<16xf32>
      tpu.vector_store_idx %arg7[%add3A_70], %broadcast_in_dim3A_72 : memref<3856xf32, #tpu.memory_space<vmem>>[vector<16xi32>], vector<16xf32>,
      %add3A_73 = arith.constant 15 : i32
      %add3A_74 = arith.addi %reduce_max3A_68, %add3A_73 : i32
      %shift_right_logical3A_75 = arith.constant 4 : i32
      %shift_right_logical3A_76 = arith.shrui %add3A_74, %shift_right_logical3A_75 : i32
      %mul3A_77 = arith.constant 16 : i32
      %mul3A_78 = arith.muli %shift_right_logical3A_76, %mul3A_77 : i32
      %sc_fetch_and_add3A = arith.constant 0 : i32
      %sc_fetch_and_add3A_79 = arith.constant 0 : i32
      %sc_fetch_and_add3A_80 = tpu.fetch_and_add_sync %arg13[%sc_fetch_and_add3A], %mul3A_78, %sc_fetch_and_add3A_79 : memref<4xi32, #tpu.memory_space<smem>>, i32 -> i32
      %sc_fetch_and_add3A_81 = arith.constant 1 : i32
      %sc_fetch_and_add3A_82 = arith.constant 0 : i32
      %sc_fetch_and_add3A_83 = tpu.fetch_and_add_sync %arg13[%sc_fetch_and_add3A_81], %reduce_max3A_68, %sc_fetch_and_add3A_82 : memref<4xi32, #tpu.memory_space<smem>>, i32 -> i32
      %reduce_sum3A = arith.constant true
      %reduce_sum3A_84 = vector.broadcast %reduce_sum3A : i1 to vector<16xi1>
      %reduce_sum3A_85 = tpu.scan <sum>, %while3A_60#2 masked %reduce_sum3A_84 : vector<16xi32>, vector<16xi1> -> vector<16xi32>
      %reduce_sum3A_86 = vector.extract %reduce_sum3A_85[15] : i32 from vector<16xi32>
      %sc_fetch_and_add3A_87 = arith.constant 2 : i32
      %sc_fetch_and_add3A_88 = arith.constant 0 : i32
      %sc_fetch_and_add3A_89 = tpu.fetch_and_add_sync %arg13[%sc_fetch_and_add3A_87], %reduce_sum3A_86, %sc_fetch_and_add3A_88 : memref<4xi32, #tpu.memory_space<smem>>, i32 -> i32
      %while3A_90 = arith.constant 0 : i32
      %while3A_91 = arith.constant 0 : i32
      %while3A_92 = arith.subi %shift_right_logical3A_76, %while3A_91 : i32
      %while3A_93 = arith.addi %while3A_91, %while3A_92 : i32
      %while3A_94 = arith.constant 1 : i32
      %while3A_95 = arith.divsi %while3A_92, %while3A_94 : i32
      %while3A_96 = arith.muli %while3A_95, %while3A_94 : i32
      %while3A_97 = arith.addi %while3A_91, %while3A_96 : i32
      %while3A_98 = arith.constant 1 : i32
      scf.for %while3A_109 = %while3A_91 to %while3A_97 step %while3A_98  : i32 {
        %mul3A_110 = arith.constant 16 : i32
        %mul3A_111 = arith.muli %while3A_109, %mul3A_110 : i32
        %mul3A_112 = arith.constant 16 : i32
        %mul3A_113 = arith.muli %while3A_109, %mul3A_112 : i32
        %add3A_114 = arith.addi %sc_fetch_and_add3A_80, %mul3A_113 : i32
        %multiple_of3A = tpu.assume_multiple %add3A_114, 16 : i32
        "tpu.region"() ({
          %run_scoped3A = tpu.sem_alloc : memref<!tpu.dma_semaphore, #tpu.memory_space<semaphore_mem>>
          %dma_start3A_115 = tpu.memref_slice %arg7[%mul3A_111] : memref<3856xf32, #tpu.memory_space<vmem>> -> memref<16xf32, #tpu.memory_space<vmem>>
          %dma_start3A_116 = tpu.memref_slice %arg14[%multiple_of3A] : memref<61696xf32, #tpu.memory_space<vmem_shared>> -> memref<16xf32, #tpu.memory_space<vmem_shared>>
          %dma_start3A_117 = tpu.memref_slice %arg14[%multiple_of3A] : memref<61696xf32, #tpu.memory_space<vmem_shared>> -> memref<16xf32, #tpu.memory_space<vmem_shared>>
          %dma_start3A_118 = tpu.memref_slice %arg7[%mul3A_111] : memref<3856xf32, #tpu.memory_space<vmem>> -> memref<16xf32, #tpu.memory_space<vmem>>
          tpu.enqueue_dma source(%dma_start3A_118 : memref<16xf32, #tpu.memory_space<vmem>>) target(%dma_start3A_117 : memref<16xf32, #tpu.memory_space<vmem_shared>>) target_semaphore(%run_scoped3A : memref<!tpu.dma_semaphore, #tpu.memory_space<semaphore_mem>>)
          %dma_wait3A_119 = tpu.memref_slice %arg7[%mul3A_111] : memref<3856xf32, #tpu.memory_space<vmem>> -> memref<16xf32, #tpu.memory_space<vmem>>
          %dma_wait3A_120 = tpu.memref_slice %arg14[%multiple_of3A] : memref<61696xf32, #tpu.memory_space<vmem_shared>> -> memref<16xf32, #tpu.memory_space<vmem_shared>>
          %dma_wait3A_121 = tpu.memref_slice %arg14[%multiple_of3A] : memref<61696xf32, #tpu.memory_space<vmem_shared>> -> memref<16xf32, #tpu.memory_space<vmem_shared>>
          %dma_wait3A_122 = tpu.memref_slice %arg7[%mul3A_111] : memref<3856xf32, #tpu.memory_space<vmem>> -> memref<16xf32, #tpu.memory_space<vmem>>
          tpu.wait_dma2 semaphore(%run_scoped3A : memref<!tpu.dma_semaphore, #tpu.memory_space<semaphore_mem>>) src(%dma_wait3A_122 : memref<16xf32, #tpu.memory_space<vmem>>) dst(%dma_wait3A_121 : memref<16xf32, #tpu.memory_space<vmem_shared>>)
          tpu.yield
        }) : () -> ()
      }
      %while3A_99 = arith.constant 1 : i32
      scf.for %while3A_109 = %while3A_97 to %while3A_93 step %while3A_99  : i32 {
        %mul3A_110 = arith.constant 16 : i32
        %mul3A_111 = arith.muli %while3A_109, %mul3A_110 : i32
        %mul3A_112 = arith.constant 16 : i32
        %mul3A_113 = arith.muli %while3A_109, %mul3A_112 : i32
        %add3A_114 = arith.addi %sc_fetch_and_add3A_80, %mul3A_113 : i32
        %multiple_of3A = tpu.assume_multiple %add3A_114, 16 : i32
        "tpu.region"() ({
          %run_scoped3A = tpu.sem_alloc : memref<!tpu.dma_semaphore, #tpu.memory_space<semaphore_mem>>
          %dma_start3A_115 = tpu.memref_slice %arg7[%mul3A_111] : memref<3856xf32, #tpu.memory_space<vmem>> -> memref<16xf32, #tpu.memory_space<vmem>>
          %dma_start3A_116 = tpu.memref_slice %arg14[%multiple_of3A] : memref<61696xf32, #tpu.memory_space<vmem_shared>> -> memref<16xf32, #tpu.memory_space<vmem_shared>>
          %dma_start3A_117 = tpu.memref_slice %arg14[%multiple_of3A] : memref<61696xf32, #tpu.memory_space<vmem_shared>> -> memref<16xf32, #tpu.memory_space<vmem_shared>>
          %dma_start3A_118 = tpu.memref_slice %arg7[%mul3A_111] : memref<3856xf32, #tpu.memory_space<vmem>> -> memref<16xf32, #tpu.memory_space<vmem>>
          tpu.enqueue_dma source(%dma_start3A_118 : memref<16xf32, #tpu.memory_space<vmem>>) target(%dma_start3A_117 : memref<16xf32, #tpu.memory_space<vmem_shared>>) target_semaphore(%run_scoped3A : memref<!tpu.dma_semaphore, #tpu.memory_space<semaphore_mem>>)
          %dma_wait3A_119 = tpu.memref_slice %arg7[%mul3A_111] : memref<3856xf32, #tpu.memory_space<vmem>> -> memref<16xf32, #tpu.memory_space<vmem>>
          %dma_wait3A_120 = tpu.memref_slice %arg14[%multiple_of3A] : memref<61696xf32, #tpu.memory_space<vmem_shared>> -> memref<16xf32, #tpu.memory_space<vmem_shared>>
          %dma_wait3A_121 = tpu.memref_slice %arg14[%multiple_of3A] : memref<61696xf32, #tpu.memory_space<vmem_shared>> -> memref<16xf32, #tpu.memory_space<vmem_shared>>
          %dma_wait3A_122 = tpu.memref_slice %arg7[%mul3A_111] : memref<3856xf32, #tpu.memory_space<vmem>> -> memref<16xf32, #tpu.memory_space<vmem>>
          tpu.wait_dma2 semaphore(%run_scoped3A : memref<!tpu.dma_semaphore, #tpu.memory_space<semaphore_mem>>) src(%dma_wait3A_122 : memref<16xf32, #tpu.memory_space<vmem>>) dst(%dma_wait3A_121 : memref<16xf32, #tpu.memory_space<vmem_shared>>)
          tpu.yield
        }) : () -> ()
      }
      %swap3A = arith.constant 0 : index
      %swap3A_100 = tpu.vector_load %arg11[%swap3A] {strides = array<i32>} : memref<16xf32, #tpu.memory_space<vmem>>, vector<16xf32>,
      tpu.vector_store %arg11[%swap3A], %while3A_60#1 {strides = array<i32>} : memref<16xf32, #tpu.memory_space<vmem>>, vector<16xf32>,
      %mul3A_101 = arith.constant 16 : i32
      %mul3A_102 = arith.muli %arg1, %mul3A_101 : i32
      "tpu.region"() ({
        %run_scoped3A = tpu.sem_alloc : memref<!tpu.dma_semaphore, #tpu.memory_space<semaphore_mem>>
        %dma_start3A_109 = tpu.memref_slice %arg15[%mul3A_102] : memref<256xf32, #tpu.memory_space<vmem_shared>> -> memref<16xf32, #tpu.memory_space<vmem_shared>>
        %dma_start3A_110 = tpu.memref_slice %arg15[%mul3A_102] : memref<256xf32, #tpu.memory_space<vmem_shared>> -> memref<16xf32, #tpu.memory_space<vmem_shared>>
        tpu.enqueue_dma source(%arg11 : memref<16xf32, #tpu.memory_space<vmem>>) target(%dma_start3A_110 : memref<16xf32, #tpu.memory_space<vmem_shared>>) target_semaphore(%run_scoped3A : memref<!tpu.dma_semaphore, #tpu.memory_space<semaphore_mem>>)
        %dma_wait3A_111 = tpu.memref_slice %arg15[%mul3A_102] : memref<256xf32, #tpu.memory_space<vmem_shared>> -> memref<16xf32, #tpu.memory_space<vmem_shared>>
        %dma_wait3A_112 = tpu.memref_slice %arg15[%mul3A_102] : memref<256xf32, #tpu.memory_space<vmem_shared>> -> memref<16xf32, #tpu.memory_space<vmem_shared>>
        tpu.wait_dma2 semaphore(%run_scoped3A : memref<!tpu.dma_semaphore, #tpu.memory_space<semaphore_mem>>) src(%arg11 : memref<16xf32, #tpu.memory_space<vmem>>) dst(%dma_wait3A_112 : memref<16xf32, #tpu.memory_space<vmem_shared>>)
        tpu.yield
      }) : () -> ()
      %barrier3A_103 = arith.constant 0 : index
      tpu.barrier barrier_id(%barrier3A_103)
      %eq3A_104 = arith.constant 0 : i32
      %eq3A_105 = arith.cmpi eq, %arg1, %eq3A_104 : i32
      %convert_element_type3A_106 = arith.extui %eq3A_105 : i1 to i32
      %cond3A_107 = arith.constant 0 : i32
      %cond3A_108 = arith.cmpi ne, %convert_element_type3A_106, %cond3A_107 : i32
      scf.if %cond3A_108 {
        %get3A = arith.constant 0 : i32
        %get3A_109 = arith.index_cast %get3A : i32 to index
        %get3A_110 = memref.load %arg13[%get3A_109] : memref<4xi32, #tpu.memory_space<smem>>
        %get3A_111 = arith.constant 1 : i32
        %get3A_112 = arith.index_cast %get3A_111 : i32 to index
        %get3A_113 = memref.load %arg13[%get3A_112] : memref<4xi32, #tpu.memory_space<smem>>
        %get3A_114 = arith.constant 2 : i32
        %get3A_115 = arith.index_cast %get3A_114 : i32 to index
        %get3A_116 = memref.load %arg13[%get3A_115] : memref<4xi32, #tpu.memory_space<smem>>
        %shift_right_logical3A_117 = arith.constant 4 : i32
        %shift_right_logical3A_118 = arith.shrui %get3A_110, %shift_right_logical3A_117 : i32
        "tpu.region"() ({
          %run_scoped3A = tpu.sem_alloc : memref<!tpu.dma_semaphore, #tpu.memory_space<semaphore_mem>>
          tpu.enqueue_dma source(%arg15 : memref<256xf32, #tpu.memory_space<vmem_shared>>) target(%arg10 : memref<256xf32, #tpu.memory_space<vmem>>) target_semaphore(%run_scoped3A : memref<!tpu.dma_semaphore, #tpu.memory_space<semaphore_mem>>)
          tpu.wait_dma2 semaphore(%run_scoped3A : memref<!tpu.dma_semaphore, #tpu.memory_space<semaphore_mem>>) src(%arg15 : memref<256xf32, #tpu.memory_space<vmem_shared>>) dst(%arg10 : memref<256xf32, #tpu.memory_space<vmem>>)
          tpu.yield
        }) : () -> ()
        %le3A = arith.constant 512 : i32
        %le3A_119 = arith.cmpi sle, %get3A_110, %le3A : i32
        %convert_element_type3A_120 = arith.extui %le3A_119 : i1 to i32
        %cond3A_121 = arith.constant 0 : i32
        %cond3A_122 = arith.cmpi ne, %convert_element_type3A_120, %cond3A_121 : i32
        scf.if %cond3A_122 {
          "tpu.region"() ({
            %run_scoped3A = tpu.sem_alloc : memref<!tpu.dma_semaphore, #tpu.memory_space<semaphore_mem>>
            %dma_start3A_164 = arith.constant 0 : i32
            %dma_start3A_165 = tpu.memref_slice %arg9[%dma_start3A_164] : memref<61712xf32, #tpu.memory_space<vmem>> -> memref<512xf32, #tpu.memory_space<vmem>>
            %dma_start3A_166 = arith.constant 0 : i32
            %dma_start3A_167 = tpu.memref_slice %arg14[%dma_start3A_166] : memref<61696xf32, #tpu.memory_space<vmem_shared>> -> memref<512xf32, #tpu.memory_space<vmem_shared>>
            %dma_start3A_168 = arith.constant 0 : i32
            %dma_start3A_169 = tpu.memref_slice %arg9[%dma_start3A_168] : memref<61712xf32, #tpu.memory_space<vmem>> -> memref<512xf32, #tpu.memory_space<vmem>>
            %dma_start3A_170 = arith.constant 0 : i32
            %dma_start3A_171 = tpu.memref_slice %arg14[%dma_start3A_170] : memref<61696xf32, #tpu.memory_space<vmem_shared>> -> memref<512xf32, #tpu.memory_space<vmem_shared>>
            tpu.enqueue_dma source(%dma_start3A_171 : memref<512xf32, #tpu.memory_space<vmem_shared>>) target(%dma_start3A_169 : memref<512xf32, #tpu.memory_space<vmem>>) target_semaphore(%run_scoped3A : memref<!tpu.dma_semaphore, #tpu.memory_space<semaphore_mem>>)
            %dma_wait3A_172 = arith.constant 0 : i32
            %dma_wait3A_173 = tpu.memref_slice %arg9[%dma_wait3A_172] : memref<61712xf32, #tpu.memory_space<vmem>> -> memref<512xf32, #tpu.memory_space<vmem>>
            %dma_wait3A_174 = arith.constant 0 : i32
            %dma_wait3A_175 = tpu.memref_slice %arg14[%dma_wait3A_174] : memref<61696xf32, #tpu.memory_space<vmem_shared>> -> memref<512xf32, #tpu.memory_space<vmem_shared>>
            %dma_wait3A_176 = arith.constant 0 : i32
            %dma_wait3A_177 = tpu.memref_slice %arg9[%dma_wait3A_176] : memref<61712xf32, #tpu.memory_space<vmem>> -> memref<512xf32, #tpu.memory_space<vmem>>
            %dma_wait3A_178 = arith.constant 0 : i32
            %dma_wait3A_179 = tpu.memref_slice %arg14[%dma_wait3A_178] : memref<61696xf32, #tpu.memory_space<vmem_shared>> -> memref<512xf32, #tpu.memory_space<vmem_shared>>
            tpu.wait_dma2 semaphore(%run_scoped3A : memref<!tpu.dma_semaphore, #tpu.memory_space<semaphore_mem>>) src(%dma_wait3A_179 : memref<512xf32, #tpu.memory_space<vmem_shared>>) dst(%dma_wait3A_177 : memref<512xf32, #tpu.memory_space<vmem>>)
            tpu.yield
          }) : () -> ()
        } else {
        }
        %gt3A = arith.constant 512 : i32
        %gt3A_123 = arith.cmpi sgt, %get3A_110, %gt3A : i32
        %le3A_124 = arith.constant 4096 : i32
        %le3A_125 = arith.cmpi sle, %get3A_110, %le3A_124 : i32
        %and3A = arith.andi %gt3A_123, %le3A_125 : i1
        %convert_element_type3A_126 = arith.extui %and3A : i1 to i32
        %cond3A_127 = arith.constant 0 : i32
        %cond3A_128 = arith.cmpi ne, %convert_element_type3A_126, %cond3A_127 : i32
        scf.if %cond3A_128 {
          "tpu.region"() ({
            %run_scoped3A = tpu.sem_alloc : memref<!tpu.dma_semaphore, #tpu.memory_space<semaphore_mem>>
            %dma_start3A_164 = arith.constant 0 : i32
            %dma_start3A_165 = tpu.memref_slice %arg9[%dma_start3A_164] : memref<61712xf32, #tpu.memory_space<vmem>> -> memref<4096xf32, #tpu.memory_space<vmem>>
            %dma_start3A_166 = arith.constant 0 : i32
            %dma_start3A_167 = tpu.memref_slice %arg14[%dma_start3A_166] : memref<61696xf32, #tpu.memory_space<vmem_shared>> -> memref<4096xf32, #tpu.memory_space<vmem_shared>>
            %dma_start3A_168 = arith.constant 0 : i32
            %dma_start3A_169 = tpu.memref_slice %arg9[%dma_start3A_168] : memref<61712xf32, #tpu.memory_space<vmem>> -> memref<4096xf32, #tpu.memory_space<vmem>>
            %dma_start3A_170 = arith.constant 0 : i32
            %dma_start3A_171 = tpu.memref_slice %arg14[%dma_start3A_170] : memref<61696xf32, #tpu.memory_space<vmem_shared>> -> memref<4096xf32, #tpu.memory_space<vmem_shared>>
            tpu.enqueue_dma source(%dma_start3A_171 : memref<4096xf32, #tpu.memory_space<vmem_shared>>) target(%dma_start3A_169 : memref<4096xf32, #tpu.memory_space<vmem>>) target_semaphore(%run_scoped3A : memref<!tpu.dma_semaphore, #tpu.memory_space<semaphore_mem>>)
            %dma_wait3A_172 = arith.constant 0 : i32
            %dma_wait3A_173 = tpu.memref_slice %arg9[%dma_wait3A_172] : memref<61712xf32, #tpu.memory_space<vmem>> -> memref<4096xf32, #tpu.memory_space<vmem>>
            %dma_wait3A_174 = arith.constant 0 : i32
            %dma_wait3A_175 = tpu.memref_slice %arg14[%dma_wait3A_174] : memref<61696xf32, #tpu.memory_space<vmem_shared>> -> memref<4096xf32, #tpu.memory_space<vmem_shared>>
            %dma_wait3A_176 = arith.constant 0 : i32
            %dma_wait3A_177 = tpu.memref_slice %arg9[%dma_wait3A_176] : memref<61712xf32, #tpu.memory_space<vmem>> -> memref<4096xf32, #tpu.memory_space<vmem>>
            %dma_wait3A_178 = arith.constant 0 : i32
            %dma_wait3A_179 = tpu.memref_slice %arg14[%dma_wait3A_178] : memref<61696xf32, #tpu.memory_space<vmem_shared>> -> memref<4096xf32, #tpu.memory_space<vmem_shared>>
            tpu.wait_dma2 semaphore(%run_scoped3A : memref<!tpu.dma_semaphore, #tpu.memory_space<semaphore_mem>>) src(%dma_wait3A_179 : memref<4096xf32, #tpu.memory_space<vmem_shared>>) dst(%dma_wait3A_177 : memref<4096xf32, #tpu.memory_space<vmem>>)
            tpu.yield
          }) : () -> ()
        } else {
        }
        %gt3A_129 = arith.constant 4096 : i32
        %gt3A_130 = arith.cmpi sgt, %get3A_110, %gt3A_129 : i32
        %convert_element_type3A_131 = arith.extui %gt3A_130 : i1 to i32
        %cond3A_132 = arith.constant 0 : i32
        %cond3A_133 = arith.cmpi ne, %convert_element_type3A_131, %cond3A_132 : i32
        scf.if %cond3A_133 {
          "tpu.region"() ({
            %run_scoped3A = tpu.sem_alloc : memref<!tpu.dma_semaphore, #tpu.memory_space<semaphore_mem>>
            %dma_start3A_164 = arith.constant 0 : i32
            %dma_start3A_165 = tpu.memref_slice %arg9[%dma_start3A_164] : memref<61712xf32, #tpu.memory_space<vmem>> -> memref<61696xf32, #tpu.memory_space<vmem>>
            %dma_start3A_166 = arith.constant 0 : i32
            %dma_start3A_167 = tpu.memref_slice %arg9[%dma_start3A_166] : memref<61712xf32, #tpu.memory_space<vmem>> -> memref<61696xf32, #tpu.memory_space<vmem>>
            tpu.enqueue_dma source(%arg14 : memref<61696xf32, #tpu.memory_space<vmem_shared>>) target(%dma_start3A_167 : memref<61696xf32, #tpu.memory_space<vmem>>) target_semaphore(%run_scoped3A : memref<!tpu.dma_semaphore, #tpu.memory_space<semaphore_mem>>)
            %dma_wait3A_168 = arith.constant 0 : i32
            %dma_wait3A_169 = tpu.memref_slice %arg9[%dma_wait3A_168] : memref<61712xf32, #tpu.memory_space<vmem>> -> memref<61696xf32, #tpu.memory_space<vmem>>
            %dma_wait3A_170 = arith.constant 0 : i32
            %dma_wait3A_171 = tpu.memref_slice %arg9[%dma_wait3A_170] : memref<61712xf32, #tpu.memory_space<vmem>> -> memref<61696xf32, #tpu.memory_space<vmem>>
            tpu.wait_dma2 semaphore(%run_scoped3A : memref<!tpu.dma_semaphore, #tpu.memory_space<semaphore_mem>>) src(%arg14 : memref<61696xf32, #tpu.memory_space<vmem_shared>>) dst(%dma_wait3A_171 : memref<61696xf32, #tpu.memory_space<vmem>>)
            tpu.yield
          }) : () -> ()
        } else {
        }
        %while3A_134 = arith.constant 0 : i32
        %while3A_135 = arith.constant 16 : i32
        %while3A_136 = arith.subi %while3A_135, %while3A_134 : i32
        %while3A_137 = arith.addi %while3A_134, %while3A_136 : i32
        %while3A_138 = arith.constant 1 : i32
        %while3A_139 = arith.divsi %while3A_136, %while3A_138 : i32
        %while3A_140 = arith.muli %while3A_139, %while3A_138 : i32
        %while3A_141 = arith.addi %while3A_134, %while3A_140 : i32
        %while3A_142 = arith.constant 1 : i32
        %while3A_143 = scf.for %while3A_164 = %while3A_134 to %while3A_141 step %while3A_142 iter_args(%while3A_165 = %broadcast_in_dim3A_2) -> (vector<16xf32>)  : i32 {
          %mul3A_166 = arith.constant 16 : i32
          %mul3A_167 = arith.muli %while3A_164, %mul3A_166 : i32
          %get3A_168 = arith.index_cast %mul3A_167 : i32 to index
          %get3A_169 = tpu.vector_load %arg10[%get3A_168] {strides = array<i32>} : memref<256xf32, #tpu.memory_space<vmem>>, vector<16xf32>,
          %add3A_170 = arith.addf %while3A_165, %get3A_169 : vector<16xf32>
          scf.yield %add3A_170 : vector<16xf32>
        }
        %while3A_144 = arith.constant 1 : i32
        %while3A_145 = scf.for %while3A_164 = %while3A_141 to %while3A_137 step %while3A_144 iter_args(%while3A_165 = %while3A_143) -> (vector<16xf32>)  : i32 {
          %mul3A_166 = arith.constant 16 : i32
          %mul3A_167 = arith.muli %while3A_164, %mul3A_166 : i32
          %get3A_168 = arith.index_cast %mul3A_167 : i32 to index
          %get3A_169 = tpu.vector_load %arg10[%get3A_168] {strides = array<i32>} : memref<256xf32, #tpu.memory_space<vmem>>, vector<16xf32>,
          %add3A_170 = arith.addf %while3A_165, %get3A_169 : vector<16xf32>
          scf.yield %add3A_170 : vector<16xf32>
        }
        %reduce_sum3A_146 = arith.constant true
        %reduce_sum3A_147 = vector.broadcast %reduce_sum3A_146 : i1 to vector<16xi1>
        %reduce_sum3A_148 = tpu.scan <sum>, %while3A_145 masked %reduce_sum3A_147 : vector<16xf32>, vector<16xi1> -> vector<16xf32>
        %reduce_sum3A_149 = vector.extract %reduce_sum3A_148[15] : f32 from vector<16xf32>
        %sub3A_150 = arith.constant 300 : i32
        %sub3A_151 = arith.subi %sub3A_150, %get3A_116 : i32
        %broadcast_in_dim3A_152 = arith.constant 0xFF800000 : f32
        %broadcast_in_dim3A_153 = vector.broadcast %broadcast_in_dim3A_152 : f32 to vector<16xf32>
        %le3A_154 = arith.constant 16 : i32
        %le3A_155 = arith.cmpi sle, %shift_right_logical3A_118, %le3A_154 : i32
        %convert_element_type3A_156 = arith.extui %le3A_155 : i1 to i32
        %cond3A_157 = arith.constant 0 : i32
        %cond3A_158 = arith.cmpi ne, %convert_element_type3A_156, %cond3A_157 : i32
        scf.if %cond3A_158 {
          %lt3A = arith.constant 0 : i32
          %lt3A_164 = arith.cmpi slt, %lt3A, %shift_right_logical3A_118 : i32
          %get3A_165 = arith.constant 0 : index
          %get3A_166 = tpu.vector_load %arg9[%get3A_165] {strides = array<i32>} : memref<61712xf32, #tpu.memory_space<vmem>>, vector<16xf32>,
          %select_n3A_167 = arith.select %lt3A_164, %get3A_166, %broadcast_in_dim3A_153 : vector<16xf32>
          %lt3A_168 = arith.constant 1 : i32
          %lt3A_169 = arith.cmpi slt, %lt3A_168, %shift_right_logical3A_118 : i32
          %get3A_170 = arith.constant 16 : index
          %get3A_171 = tpu.vector_load %arg9[%get3A_170] {strides = array<i32>} : memref<61712xf32, #tpu.memory_space<vmem>>, vector<16xf32>,
          %select_n3A_172 = arith.select %lt3A_169, %get3A_171, %broadcast_in_dim3A_153 : vector<16xf32>
          %lt3A_173 = arith.constant 2 : i32
          %lt3A_174 = arith.cmpi slt, %lt3A_173, %shift_right_logical3A_118 : i32
          %get3A_175 = arith.constant 32 : index
          %get3A_176 = tpu.vector_load %arg9[%get3A_175] {strides = array<i32>} : memref<61712xf32, #tpu.memory_space<vmem>>, vector<16xf32>,
          %select_n3A_177 = arith.select %lt3A_174, %get3A_176, %broadcast_in_dim3A_153 : vector<16xf32>
          %lt3A_178 = arith.constant 3 : i32
          %lt3A_179 = arith.cmpi slt, %lt3A_178, %shift_right_logical3A_118 : i32
          %get3A_180 = arith.constant 48 : index
          %get3A_181 = tpu.vector_load %arg9[%get3A_180] {strides = array<i32>} : memref<61712xf32, #tpu.memory_space<vmem>>, vector<16xf32>,
          %select_n3A_182 = arith.select %lt3A_179, %get3A_181, %broadcast_in_dim3A_153 : vector<16xf32>
          %lt3A_183 = arith.constant 4 : i32
          %lt3A_184 = arith.cmpi slt, %lt3A_183, %shift_right_logical3A_118 : i32
          %get3A_185 = arith.constant 64 : index
          %get3A_186 = tpu.vector_load %arg9[%get3A_185] {strides = array<i32>} : memref<61712xf32, #tpu.memory_space<vmem>>, vector<16xf32>,
          %select_n3A_187 = arith.select %lt3A_184, %get3A_186, %broadcast_in_dim3A_153 : vector<16xf32>
          %lt3A_188 = arith.constant 5 : i32
          %lt3A_189 = arith.cmpi slt, %lt3A_188, %shift_right_logical3A_118 : i32
          %get3A_190 = arith.constant 80 : index
          %get3A_191 = tpu.vector_load %arg9[%get3A_190] {strides = array<i32>} : memref<61712xf32, #tpu.memory_space<vmem>>, vector<16xf32>,
          %select_n3A_192 = arith.select %lt3A_189, %get3A_191, %broadcast_in_dim3A_153 : vector<16xf32>
          %lt3A_193 = arith.constant 6 : i32
          %lt3A_194 = arith.cmpi slt, %lt3A_193, %shift_right_logical3A_118 : i32
          %get3A_195 = arith.constant 96 : index
          %get3A_196 = tpu.vector_load %arg9[%get3A_195] {strides = array<i32>} : memref<61712xf32, #tpu.memory_space<vmem>>, vector<16xf32>,
          %select_n3A_197 = arith.select %lt3A_194, %get3A_196, %broadcast_in_dim3A_153 : vector<16xf32>
          %lt3A_198 = arith.constant 7 : i32
          %lt3A_199 = arith.cmpi slt, %lt3A_198, %shift_right_logical3A_118 : i32
          %get3A_200 = arith.constant 112 : index
          %get3A_201 = tpu.vector_load %arg9[%get3A_200] {strides = array<i32>} : memref<61712xf32, #tpu.memory_space<vmem>>, vector<16xf32>,
          %select_n3A_202 = arith.select %lt3A_199, %get3A_201, %broadcast_in_dim3A_153 : vector<16xf32>
          %lt3A_203 = arith.constant 8 : i32
          %lt3A_204 = arith.cmpi slt, %lt3A_203, %shift_right_logical3A_118 : i32
          %get3A_205 = arith.constant 128 : index
          %get3A_206 = tpu.vector_load %arg9[%get3A_205] {strides = array<i32>} : memref<61712xf32, #tpu.memory_space<vmem>>, vector<16xf32>,
          %select_n3A_207 = arith.select %lt3A_204, %get3A_206, %broadcast_in_dim3A_153 : vector<16xf32>
          %lt3A_208 = arith.constant 9 : i32
          %lt3A_209 = arith.cmpi slt, %lt3A_208, %shift_right_logical3A_118 : i32
          %get3A_210 = arith.constant 144 : index
          %get3A_211 = tpu.vector_load %arg9[%get3A_210] {strides = array<i32>} : memref<61712xf32, #tpu.memory_space<vmem>>, vector<16xf32>,
          %select_n3A_212 = arith.select %lt3A_209, %get3A_211, %broadcast_in_dim3A_153 : vector<16xf32>
          %lt3A_213 = arith.constant 10 : i32
          %lt3A_214 = arith.cmpi slt, %lt3A_213, %shift_right_logical3A_118 : i32
          %get3A_215 = arith.constant 160 : index
          %get3A_216 = tpu.vector_load %arg9[%get3A_215] {strides = array<i32>} : memref<61712xf32, #tpu.memory_space<vmem>>, vector<16xf32>,
          %select_n3A_217 = arith.select %lt3A_214, %get3A_216, %broadcast_in_dim3A_153 : vector<16xf32>
          %lt3A_218 = arith.constant 11 : i32
          %lt3A_219 = arith.cmpi slt, %lt3A_218, %shift_right_logical3A_118 : i32
          %get3A_220 = arith.constant 176 : index
          %get3A_221 = tpu.vector_load %arg9[%get3A_220] {strides = array<i32>} : memref<61712xf32, #tpu.memory_space<vmem>>, vector<16xf32>,
          %select_n3A_222 = arith.select %lt3A_219, %get3A_221, %broadcast_in_dim3A_153 : vector<16xf32>
          %lt3A_223 = arith.constant 12 : i32
          %lt3A_224 = arith.cmpi slt, %lt3A_223, %shift_right_logical3A_118 : i32
          %get3A_225 = arith.constant 192 : index
          %get3A_226 = tpu.vector_load %arg9[%get3A_225] {strides = array<i32>} : memref<61712xf32, #tpu.memory_space<vmem>>, vector<16xf32>,
          %select_n3A_227 = arith.select %lt3A_224, %get3A_226, %broadcast_in_dim3A_153 : vector<16xf32>
          %lt3A_228 = arith.constant 13 : i32
          %lt3A_229 = arith.cmpi slt, %lt3A_228, %shift_right_logical3A_118 : i32
          %get3A_230 = arith.constant 208 : index
          %get3A_231 = tpu.vector_load %arg9[%get3A_230] {strides = array<i32>} : memref<61712xf32, #tpu.memory_space<vmem>>, vector<16xf32>,
          %select_n3A_232 = arith.select %lt3A_229, %get3A_231, %broadcast_in_dim3A_153 : vector<16xf32>
          %lt3A_233 = arith.constant 14 : i32
          %lt3A_234 = arith.cmpi slt, %lt3A_233, %shift_right_logical3A_118 : i32
          %get3A_235 = arith.constant 224 : index
          %get3A_236 = tpu.vector_load %arg9[%get3A_235] {strides = array<i32>} : memref<61712xf32, #tpu.memory_space<vmem>>, vector<16xf32>,
          %select_n3A_237 = arith.select %lt3A_234, %get3A_236, %broadcast_in_dim3A_153 : vector<16xf32>
          %lt3A_238 = arith.constant 15 : i32
          %lt3A_239 = arith.cmpi slt, %lt3A_238, %shift_right_logical3A_118 : i32
          %get3A_240 = arith.constant 240 : index
          %get3A_241 = tpu.vector_load %arg9[%get3A_240] {strides = array<i32>} : memref<61712xf32, #tpu.memory_space<vmem>>, vector<16xf32>,
          %select_n3A_242 = arith.select %lt3A_239, %get3A_241, %broadcast_in_dim3A_153 : vector<16xf32>
          %while3A_243 = arith.constant 0 : i32
          %while3A_244 = arith.constant 31 : i32
          %while3A_245 = arith.constant 0 : i32
          %while3A_246 = arith.constant 2139095040 : i32
          %while3A_247 = arith.subi %while3A_244, %while3A_243 : i32
          %while3A_248 = arith.addi %while3A_243, %while3A_247 : i32
          %while3A_249 = arith.constant 1 : i32
          %while3A_250 = arith.divsi %while3A_247, %while3A_249 : i32
          %while3A_251 = arith.muli %while3A_250, %while3A_249 : i32
          %while3A_252 = arith.addi %while3A_243, %while3A_251 : i32
          %while3A_253 = arith.constant 1 : i32
          %while3A_254:2 = scf.for %while3A_466 = %while3A_243 to %while3A_252 step %while3A_253 iter_args(%while3A_467 = %while3A_245, %while3A_468 = %while3A_246) -> (i32, i32)  : i32 {
            %sub3A_469 = arith.subi %while3A_468, %while3A_467 : i32
            %shift_right_logical3A_470 = arith.constant 1 : i32
            %shift_right_logical3A_471 = arith.shrui %sub3A_469, %shift_right_logical3A_470 : i32
            %add3A_472 = arith.addi %while3A_467, %shift_right_logical3A_471 : i32
            %add3A_473 = vector.broadcast %add3A_472 : i32 to vector<16xi32>
            %add3A_474 = arith.addi %broadcast_in_dim3A_4, %add3A_473 : vector<16xi32>
            %bitcast3A_475 = vector.bitcast %add3A_474 : vector<16xi32> to vector<16xf32>
            %ge3A = arith.cmpf oge, %select_n3A_167, %bitcast3A_475 : vector<16xf32>
            %jit3A_476 = arith.constant 1 : i32
            %jit3A_477 = arith.constant 0 : i32
            %broadcast_in_dim3A_478 = vector.broadcast %jit3A_476 : i32 to vector<16xi32>
            %broadcast_in_dim3A_479 = vector.broadcast %jit3A_477 : i32 to vector<16xi32>
            %select_n3A_480 = arith.select %ge3A, %broadcast_in_dim3A_478, %broadcast_in_dim3A_479 : vector<16xi1>, vector<16xi32>
            %add3A_481 = arith.addi %broadcast_in_dim3A_4, %select_n3A_480 : vector<16xi32>
            %ge3A_482 = arith.cmpf oge, %select_n3A_172, %bitcast3A_475 : vector<16xf32>
            %jit3A_483 = arith.constant 1 : i32
            %jit3A_484 = arith.constant 0 : i32
            %broadcast_in_dim3A_485 = vector.broadcast %jit3A_483 : i32 to vector<16xi32>
            %broadcast_in_dim3A_486 = vector.broadcast %jit3A_484 : i32 to vector<16xi32>
            %select_n3A_487 = arith.select %ge3A_482, %broadcast_in_dim3A_485, %broadcast_in_dim3A_486 : vector<16xi1>, vector<16xi32>
            %add3A_488 = arith.addi %add3A_481, %select_n3A_487 : vector<16xi32>
            %ge3A_489 = arith.cmpf oge, %select_n3A_177, %bitcast3A_475 : vector<16xf32>
            %jit3A_490 = arith.constant 1 : i32
            %jit3A_491 = arith.constant 0 : i32
            %broadcast_in_dim3A_492 = vector.broadcast %jit3A_490 : i32 to vector<16xi32>
            %broadcast_in_dim3A_493 = vector.broadcast %jit3A_491 : i32 to vector<16xi32>
            %select_n3A_494 = arith.select %ge3A_489, %broadcast_in_dim3A_492, %broadcast_in_dim3A_493 : vector<16xi1>, vector<16xi32>
            %add3A_495 = arith.addi %add3A_488, %select_n3A_494 : vector<16xi32>
            %ge3A_496 = arith.cmpf oge, %select_n3A_182, %bitcast3A_475 : vector<16xf32>
            %jit3A_497 = arith.constant 1 : i32
            %jit3A_498 = arith.constant 0 : i32
            %broadcast_in_dim3A_499 = vector.broadcast %jit3A_497 : i32 to vector<16xi32>
            %broadcast_in_dim3A_500 = vector.broadcast %jit3A_498 : i32 to vector<16xi32>
            %select_n3A_501 = arith.select %ge3A_496, %broadcast_in_dim3A_499, %broadcast_in_dim3A_500 : vector<16xi1>, vector<16xi32>
            %add3A_502 = arith.addi %add3A_495, %select_n3A_501 : vector<16xi32>
            %ge3A_503 = arith.cmpf oge, %select_n3A_187, %bitcast3A_475 : vector<16xf32>
            %jit3A_504 = arith.constant 1 : i32
            %jit3A_505 = arith.constant 0 : i32
            %broadcast_in_dim3A_506 = vector.broadcast %jit3A_504 : i32 to vector<16xi32>
            %broadcast_in_dim3A_507 = vector.broadcast %jit3A_505 : i32 to vector<16xi32>
            %select_n3A_508 = arith.select %ge3A_503, %broadcast_in_dim3A_506, %broadcast_in_dim3A_507 : vector<16xi1>, vector<16xi32>
            %add3A_509 = arith.addi %add3A_502, %select_n3A_508 : vector<16xi32>
            %ge3A_510 = arith.cmpf oge, %select_n3A_192, %bitcast3A_475 : vector<16xf32>
            %jit3A_511 = arith.constant 1 : i32
            %jit3A_512 = arith.constant 0 : i32
            %broadcast_in_dim3A_513 = vector.broadcast %jit3A_511 : i32 to vector<16xi32>
            %broadcast_in_dim3A_514 = vector.broadcast %jit3A_512 : i32 to vector<16xi32>
            %select_n3A_515 = arith.select %ge3A_510, %broadcast_in_dim3A_513, %broadcast_in_dim3A_514 : vector<16xi1>, vector<16xi32>
            %add3A_516 = arith.addi %add3A_509, %select_n3A_515 : vector<16xi32>
            %ge3A_517 = arith.cmpf oge, %select_n3A_197, %bitcast3A_475 : vector<16xf32>
            %jit3A_518 = arith.constant 1 : i32
            %jit3A_519 = arith.constant 0 : i32
            %broadcast_in_dim3A_520 = vector.broadcast %jit3A_518 : i32 to vector<16xi32>
            %broadcast_in_dim3A_521 = vector.broadcast %jit3A_519 : i32 to vector<16xi32>
            %select_n3A_522 = arith.select %ge3A_517, %broadcast_in_dim3A_520, %broadcast_in_dim3A_521 : vector<16xi1>, vector<16xi32>
            %add3A_523 = arith.addi %add3A_516, %select_n3A_522 : vector<16xi32>
            %ge3A_524 = arith.cmpf oge, %select_n3A_202, %bitcast3A_475 : vector<16xf32>
            %jit3A_525 = arith.constant 1 : i32
            %jit3A_526 = arith.constant 0 : i32
            %broadcast_in_dim3A_527 = vector.broadcast %jit3A_525 : i32 to vector<16xi32>
            %broadcast_in_dim3A_528 = vector.broadcast %jit3A_526 : i32 to vector<16xi32>
            %select_n3A_529 = arith.select %ge3A_524, %broadcast_in_dim3A_527, %broadcast_in_dim3A_528 : vector<16xi1>, vector<16xi32>
            %add3A_530 = arith.addi %add3A_523, %select_n3A_529 : vector<16xi32>
            %ge3A_531 = arith.cmpf oge, %select_n3A_207, %bitcast3A_475 : vector<16xf32>
            %jit3A_532 = arith.constant 1 : i32
            %jit3A_533 = arith.constant 0 : i32
            %broadcast_in_dim3A_534 = vector.broadcast %jit3A_532 : i32 to vector<16xi32>
            %broadcast_in_dim3A_535 = vector.broadcast %jit3A_533 : i32 to vector<16xi32>
            %select_n3A_536 = arith.select %ge3A_531, %broadcast_in_dim3A_534, %broadcast_in_dim3A_535 : vector<16xi1>, vector<16xi32>
            %add3A_537 = arith.addi %add3A_530, %select_n3A_536 : vector<16xi32>
            %ge3A_538 = arith.cmpf oge, %select_n3A_212, %bitcast3A_475 : vector<16xf32>
            %jit3A_539 = arith.constant 1 : i32
            %jit3A_540 = arith.constant 0 : i32
            %broadcast_in_dim3A_541 = vector.broadcast %jit3A_539 : i32 to vector<16xi32>
            %broadcast_in_dim3A_542 = vector.broadcast %jit3A_540 : i32 to vector<16xi32>
            %select_n3A_543 = arith.select %ge3A_538, %broadcast_in_dim3A_541, %broadcast_in_dim3A_542 : vector<16xi1>, vector<16xi32>
            %add3A_544 = arith.addi %add3A_537, %select_n3A_543 : vector<16xi32>
            %ge3A_545 = arith.cmpf oge, %select_n3A_217, %bitcast3A_475 : vector<16xf32>
            %jit3A_546 = arith.constant 1 : i32
            %jit3A_547 = arith.constant 0 : i32
            %broadcast_in_dim3A_548 = vector.broadcast %jit3A_546 : i32 to vector<16xi32>
            %broadcast_in_dim3A_549 = vector.broadcast %jit3A_547 : i32 to vector<16xi32>
            %select_n3A_550 = arith.select %ge3A_545, %broadcast_in_dim3A_548, %broadcast_in_dim3A_549 : vector<16xi1>, vector<16xi32>
            %add3A_551 = arith.addi %add3A_544, %select_n3A_550 : vector<16xi32>
            %ge3A_552 = arith.cmpf oge, %select_n3A_222, %bitcast3A_475 : vector<16xf32>
            %jit3A_553 = arith.constant 1 : i32
            %jit3A_554 = arith.constant 0 : i32
            %broadcast_in_dim3A_555 = vector.broadcast %jit3A_553 : i32 to vector<16xi32>
            %broadcast_in_dim3A_556 = vector.broadcast %jit3A_554 : i32 to vector<16xi32>
            %select_n3A_557 = arith.select %ge3A_552, %broadcast_in_dim3A_555, %broadcast_in_dim3A_556 : vector<16xi1>, vector<16xi32>
            %add3A_558 = arith.addi %add3A_551, %select_n3A_557 : vector<16xi32>
            %ge3A_559 = arith.cmpf oge, %select_n3A_227, %bitcast3A_475 : vector<16xf32>
            %jit3A_560 = arith.constant 1 : i32
            %jit3A_561 = arith.constant 0 : i32
            %broadcast_in_dim3A_562 = vector.broadcast %jit3A_560 : i32 to vector<16xi32>
            %broadcast_in_dim3A_563 = vector.broadcast %jit3A_561 : i32 to vector<16xi32>
            %select_n3A_564 = arith.select %ge3A_559, %broadcast_in_dim3A_562, %broadcast_in_dim3A_563 : vector<16xi1>, vector<16xi32>
            %add3A_565 = arith.addi %add3A_558, %select_n3A_564 : vector<16xi32>
            %ge3A_566 = arith.cmpf oge, %select_n3A_232, %bitcast3A_475 : vector<16xf32>
            %jit3A_567 = arith.constant 1 : i32
            %jit3A_568 = arith.constant 0 : i32
            %broadcast_in_dim3A_569 = vector.broadcast %jit3A_567 : i32 to vector<16xi32>
            %broadcast_in_dim3A_570 = vector.broadcast %jit3A_568 : i32 to vector<16xi32>
            %select_n3A_571 = arith.select %ge3A_566, %broadcast_in_dim3A_569, %broadcast_in_dim3A_570 : vector<16xi1>, vector<16xi32>
            %add3A_572 = arith.addi %add3A_565, %select_n3A_571 : vector<16xi32>
            %ge3A_573 = arith.cmpf oge, %select_n3A_237, %bitcast3A_475 : vector<16xf32>
            %jit3A_574 = arith.constant 1 : i32
            %jit3A_575 = arith.constant 0 : i32
            %broadcast_in_dim3A_576 = vector.broadcast %jit3A_574 : i32 to vector<16xi32>
            %broadcast_in_dim3A_577 = vector.broadcast %jit3A_575 : i32 to vector<16xi32>
            %select_n3A_578 = arith.select %ge3A_573, %broadcast_in_dim3A_576, %broadcast_in_dim3A_577 : vector<16xi1>, vector<16xi32>
            %add3A_579 = arith.addi %add3A_572, %select_n3A_578 : vector<16xi32>
            %ge3A_580 = arith.cmpf oge, %select_n3A_242, %bitcast3A_475 : vector<16xf32>
            %jit3A_581 = arith.constant 1 : i32
            %jit3A_582 = arith.constant 0 : i32
            %broadcast_in_dim3A_583 = vector.broadcast %jit3A_581 : i32 to vector<16xi32>
            %broadcast_in_dim3A_584 = vector.broadcast %jit3A_582 : i32 to vector<16xi32>
            %select_n3A_585 = arith.select %ge3A_580, %broadcast_in_dim3A_583, %broadcast_in_dim3A_584 : vector<16xi1>, vector<16xi32>
            %add3A_586 = arith.addi %add3A_579, %select_n3A_585 : vector<16xi32>
            %reduce_sum3A_587 = arith.constant true
            %reduce_sum3A_588 = vector.broadcast %reduce_sum3A_587 : i1 to vector<16xi1>
            %reduce_sum3A_589 = tpu.scan <sum>, %add3A_586 masked %reduce_sum3A_588 : vector<16xi32>, vector<16xi1> -> vector<16xi32>
            %reduce_sum3A_590 = vector.extract %reduce_sum3A_589[15] : i32 from vector<16xi32>
            %ge3A_591 = arith.cmpi sge, %reduce_sum3A_590, %sub3A_151 : i32
            %select_n3A_592 = arith.select %ge3A_591, %add3A_472, %while3A_467 : i32
            %select_n3A_593 = arith.select %ge3A_591, %while3A_468, %add3A_472 : i32
            scf.yield %select_n3A_592, %select_n3A_593 : i32, i32
          }
          %while3A_255 = arith.constant 1 : i32
          %while3A_256:2 = scf.for %while3A_466 = %while3A_252 to %while3A_248 step %while3A_255 iter_args(%while3A_467 = %while3A_254#0, %while3A_468 = %while3A_254#1) -> (i32, i32)  : i32 {
            %sub3A_469 = arith.subi %while3A_468, %while3A_467 : i32
            %shift_right_logical3A_470 = arith.constant 1 : i32
            %shift_right_logical3A_471 = arith.shrui %sub3A_469, %shift_right_logical3A_470 : i32
            %add3A_472 = arith.addi %while3A_467, %shift_right_logical3A_471 : i32
            %add3A_473 = vector.broadcast %add3A_472 : i32 to vector<16xi32>
            %add3A_474 = arith.addi %broadcast_in_dim3A_4, %add3A_473 : vector<16xi32>
            %bitcast3A_475 = vector.bitcast %add3A_474 : vector<16xi32> to vector<16xf32>
            %ge3A = arith.cmpf oge, %select_n3A_167, %bitcast3A_475 : vector<16xf32>
            %jit3A_476 = arith.constant 1 : i32
            %jit3A_477 = arith.constant 0 : i32
            %broadcast_in_dim3A_478 = vector.broadcast %jit3A_476 : i32 to vector<16xi32>
            %broadcast_in_dim3A_479 = vector.broadcast %jit3A_477 : i32 to vector<16xi32>
            %select_n3A_480 = arith.select %ge3A, %broadcast_in_dim3A_478, %broadcast_in_dim3A_479 : vector<16xi1>, vector<16xi32>
            %add3A_481 = arith.addi %broadcast_in_dim3A_4, %select_n3A_480 : vector<16xi32>
            %ge3A_482 = arith.cmpf oge, %select_n3A_172, %bitcast3A_475 : vector<16xf32>
            %jit3A_483 = arith.constant 1 : i32
            %jit3A_484 = arith.constant 0 : i32
            %broadcast_in_dim3A_485 = vector.broadcast %jit3A_483 : i32 to vector<16xi32>
            %broadcast_in_dim3A_486 = vector.broadcast %jit3A_484 : i32 to vector<16xi32>
            %select_n3A_487 = arith.select %ge3A_482, %broadcast_in_dim3A_485, %broadcast_in_dim3A_486 : vector<16xi1>, vector<16xi32>
            %add3A_488 = arith.addi %add3A_481, %select_n3A_487 : vector<16xi32>
            %ge3A_489 = arith.cmpf oge, %select_n3A_177, %bitcast3A_475 : vector<16xf32>
            %jit3A_490 = arith.constant 1 : i32
            %jit3A_491 = arith.constant 0 : i32
            %broadcast_in_dim3A_492 = vector.broadcast %jit3A_490 : i32 to vector<16xi32>
            %broadcast_in_dim3A_493 = vector.broadcast %jit3A_491 : i32 to vector<16xi32>
            %select_n3A_494 = arith.select %ge3A_489, %broadcast_in_dim3A_492, %broadcast_in_dim3A_493 : vector<16xi1>, vector<16xi32>
            %add3A_495 = arith.addi %add3A_488, %select_n3A_494 : vector<16xi32>
            %ge3A_496 = arith.cmpf oge, %select_n3A_182, %bitcast3A_475 : vector<16xf32>
            %jit3A_497 = arith.constant 1 : i32
            %jit3A_498 = arith.constant 0 : i32
            %broadcast_in_dim3A_499 = vector.broadcast %jit3A_497 : i32 to vector<16xi32>
            %broadcast_in_dim3A_500 = vector.broadcast %jit3A_498 : i32 to vector<16xi32>
            %select_n3A_501 = arith.select %ge3A_496, %broadcast_in_dim3A_499, %broadcast_in_dim3A_500 : vector<16xi1>, vector<16xi32>
            %add3A_502 = arith.addi %add3A_495, %select_n3A_501 : vector<16xi32>
            %ge3A_503 = arith.cmpf oge, %select_n3A_187, %bitcast3A_475 : vector<16xf32>
            %jit3A_504 = arith.constant 1 : i32
            %jit3A_505 = arith.constant 0 : i32
            %broadcast_in_dim3A_506 = vector.broadcast %jit3A_504 : i32 to vector<16xi32>
            %broadcast_in_dim3A_507 = vector.broadcast %jit3A_505 : i32 to vector<16xi32>
            %select_n3A_508 = arith.select %ge3A_503, %broadcast_in_dim3A_506, %broadcast_in_dim3A_507 : vector<16xi1>, vector<16xi32>
            %add3A_509 = arith.addi %add3A_502, %select_n3A_508 : vector<16xi32>
            %ge3A_510 = arith.cmpf oge, %select_n3A_192, %bitcast3A_475 : vector<16xf32>
            %jit3A_511 = arith.constant 1 : i32
            %jit3A_512 = arith.constant 0 : i32
            %broadcast_in_dim3A_513 = vector.broadcast %jit3A_511 : i32 to vector<16xi32>
            %broadcast_in_dim3A_514 = vector.broadcast %jit3A_512 : i32 to vector<16xi32>
            %select_n3A_515 = arith.select %ge3A_510, %broadcast_in_dim3A_513, %broadcast_in_dim3A_514 : vector<16xi1>, vector<16xi32>
            %add3A_516 = arith.addi %add3A_509, %select_n3A_515 : vector<16xi32>
            %ge3A_517 = arith.cmpf oge, %select_n3A_197, %bitcast3A_475 : vector<16xf32>
            %jit3A_518 = arith.constant 1 : i32
            %jit3A_519 = arith.constant 0 : i32
            %broadcast_in_dim3A_520 = vector.broadcast %jit3A_518 : i32 to vector<16xi32>
            %broadcast_in_dim3A_521 = vector.broadcast %jit3A_519 : i32 to vector<16xi32>
            %select_n3A_522 = arith.select %ge3A_517, %broadcast_in_dim3A_520, %broadcast_in_dim3A_521 : vector<16xi1>, vector<16xi32>
            %add3A_523 = arith.addi %add3A_516, %select_n3A_522 : vector<16xi32>
            %ge3A_524 = arith.cmpf oge, %select_n3A_202, %bitcast3A_475 : vector<16xf32>
            %jit3A_525 = arith.constant 1 : i32
            %jit3A_526 = arith.constant 0 : i32
            %broadcast_in_dim3A_527 = vector.broadcast %jit3A_525 : i32 to vector<16xi32>
            %broadcast_in_dim3A_528 = vector.broadcast %jit3A_526 : i32 to vector<16xi32>
            %select_n3A_529 = arith.select %ge3A_524, %broadcast_in_dim3A_527, %broadcast_in_dim3A_528 : vector<16xi1>, vector<16xi32>
            %add3A_530 = arith.addi %add3A_523, %select_n3A_529 : vector<16xi32>
            %ge3A_531 = arith.cmpf oge, %select_n3A_207, %bitcast3A_475 : vector<16xf32>
            %jit3A_532 = arith.constant 1 : i32
            %jit3A_533 = arith.constant 0 : i32
            %broadcast_in_dim3A_534 = vector.broadcast %jit3A_532 : i32 to vector<16xi32>
            %broadcast_in_dim3A_535 = vector.broadcast %jit3A_533 : i32 to vector<16xi32>
            %select_n3A_536 = arith.select %ge3A_531, %broadcast_in_dim3A_534, %broadcast_in_dim3A_535 : vector<16xi1>, vector<16xi32>
            %add3A_537 = arith.addi %add3A_530, %select_n3A_536 : vector<16xi32>
            %ge3A_538 = arith.cmpf oge, %select_n3A_212, %bitcast3A_475 : vector<16xf32>
            %jit3A_539 = arith.constant 1 : i32
            %jit3A_540 = arith.constant 0 : i32
            %broadcast_in_dim3A_541 = vector.broadcast %jit3A_539 : i32 to vector<16xi32>
            %broadcast_in_dim3A_542 = vector.broadcast %jit3A_540 : i32 to vector<16xi32>
            %select_n3A_543 = arith.select %ge3A_538, %broadcast_in_dim3A_541, %broadcast_in_dim3A_542 : vector<16xi1>, vector<16xi32>
            %add3A_544 = arith.addi %add3A_537, %select_n3A_543 : vector<16xi32>
            %ge3A_545 = arith.cmpf oge, %select_n3A_217, %bitcast3A_475 : vector<16xf32>
            %jit3A_546 = arith.constant 1 : i32
            %jit3A_547 = arith.constant 0 : i32
            %broadcast_in_dim3A_548 = vector.broadcast %jit3A_546 : i32 to vector<16xi32>
            %broadcast_in_dim3A_549 = vector.broadcast %jit3A_547 : i32 to vector<16xi32>
            %select_n3A_550 = arith.select %ge3A_545, %broadcast_in_dim3A_548, %broadcast_in_dim3A_549 : vector<16xi1>, vector<16xi32>
            %add3A_551 = arith.addi %add3A_544, %select_n3A_550 : vector<16xi32>
            %ge3A_552 = arith.cmpf oge, %select_n3A_222, %bitcast3A_475 : vector<16xf32>
            %jit3A_553 = arith.constant 1 : i32
            %jit3A_554 = arith.constant 0 : i32
            %broadcast_in_dim3A_555 = vector.broadcast %jit3A_553 : i32 to vector<16xi32>
            %broadcast_in_dim3A_556 = vector.broadcast %jit3A_554 : i32 to vector<16xi32>
            %select_n3A_557 = arith.select %ge3A_552, %broadcast_in_dim3A_555, %broadcast_in_dim3A_556 : vector<16xi1>, vector<16xi32>
            %add3A_558 = arith.addi %add3A_551, %select_n3A_557 : vector<16xi32>
            %ge3A_559 = arith.cmpf oge, %select_n3A_227, %bitcast3A_475 : vector<16xf32>
            %jit3A_560 = arith.constant 1 : i32
            %jit3A_561 = arith.constant 0 : i32
            %broadcast_in_dim3A_562 = vector.broadcast %jit3A_560 : i32 to vector<16xi32>
            %broadcast_in_dim3A_563 = vector.broadcast %jit3A_561 : i32 to vector<16xi32>
            %select_n3A_564 = arith.select %ge3A_559, %broadcast_in_dim3A_562, %broadcast_in_dim3A_563 : vector<16xi1>, vector<16xi32>
            %add3A_565 = arith.addi %add3A_558, %select_n3A_564 : vector<16xi32>
            %ge3A_566 = arith.cmpf oge, %select_n3A_232, %bitcast3A_475 : vector<16xf32>
            %jit3A_567 = arith.constant 1 : i32
            %jit3A_568 = arith.constant 0 : i32
            %broadcast_in_dim3A_569 = vector.broadcast %jit3A_567 : i32 to vector<16xi32>
            %broadcast_in_dim3A_570 = vector.broadcast %jit3A_568 : i32 to vector<16xi32>
            %select_n3A_571 = arith.select %ge3A_566, %broadcast_in_dim3A_569, %broadcast_in_dim3A_570 : vector<16xi1>, vector<16xi32>
            %add3A_572 = arith.addi %add3A_565, %select_n3A_571 : vector<16xi32>
            %ge3A_573 = arith.cmpf oge, %select_n3A_237, %bitcast3A_475 : vector<16xf32>
            %jit3A_574 = arith.constant 1 : i32
            %jit3A_575 = arith.constant 0 : i32
            %broadcast_in_dim3A_576 = vector.broadcast %jit3A_574 : i32 to vector<16xi32>
            %broadcast_in_dim3A_577 = vector.broadcast %jit3A_575 : i32 to vector<16xi32>
            %select_n3A_578 = arith.select %ge3A_573, %broadcast_in_dim3A_576, %broadcast_in_dim3A_577 : vector<16xi1>, vector<16xi32>
            %add3A_579 = arith.addi %add3A_572, %select_n3A_578 : vector<16xi32>
            %ge3A_580 = arith.cmpf oge, %select_n3A_242, %bitcast3A_475 : vector<16xf32>
            %jit3A_581 = arith.constant 1 : i32
            %jit3A_582 = arith.constant 0 : i32
            %broadcast_in_dim3A_583 = vector.broadcast %jit3A_581 : i32 to vector<16xi32>
            %broadcast_in_dim3A_584 = vector.broadcast %jit3A_582 : i32 to vector<16xi32>
            %select_n3A_585 = arith.select %ge3A_580, %broadcast_in_dim3A_583, %broadcast_in_dim3A_584 : vector<16xi1>, vector<16xi32>
            %add3A_586 = arith.addi %add3A_579, %select_n3A_585 : vector<16xi32>
            %reduce_sum3A_587 = arith.constant true
            %reduce_sum3A_588 = vector.broadcast %reduce_sum3A_587 : i1 to vector<16xi1>
            %reduce_sum3A_589 = tpu.scan <sum>, %add3A_586 masked %reduce_sum3A_588 : vector<16xi32>, vector<16xi1> -> vector<16xi32>
            %reduce_sum3A_590 = vector.extract %reduce_sum3A_589[15] : i32 from vector<16xi32>
            %ge3A_591 = arith.cmpi sge, %reduce_sum3A_590, %sub3A_151 : i32
            %select_n3A_592 = arith.select %ge3A_591, %add3A_472, %while3A_467 : i32
            %select_n3A_593 = arith.select %ge3A_591, %while3A_468, %add3A_472 : i32
            scf.yield %select_n3A_592, %select_n3A_593 : i32, i32
          }
          %add3A_257 = vector.broadcast %while3A_256#0 : i32 to vector<16xi32>
          %add3A_258 = arith.addi %broadcast_in_dim3A_4, %add3A_257 : vector<16xi32>
          %bitcast3A = vector.bitcast %add3A_258 : vector<16xi32> to vector<16xf32>
          %gt3A_259 = arith.cmpf ogt, %select_n3A_167, %bitcast3A : vector<16xf32>
          %jit3A_260 = arith.constant 1 : i32
          %jit3A_261 = arith.constant 0 : i32
          %broadcast_in_dim3A_262 = vector.broadcast %jit3A_260 : i32 to vector<16xi32>
          %broadcast_in_dim3A_263 = vector.broadcast %jit3A_261 : i32 to vector<16xi32>
          %select_n3A_264 = arith.select %gt3A_259, %broadcast_in_dim3A_262, %broadcast_in_dim3A_263 : vector<16xi1>, vector<16xi32>
          %add3A_265 = arith.addi %broadcast_in_dim3A_4, %select_n3A_264 : vector<16xi32>
          %jit3A_266 = arith.constant 0.000000e+00 : f32
          %broadcast_in_dim3A_267 = vector.broadcast %jit3A_266 : f32 to vector<16xf32>
          %select_n3A_268 = arith.select %gt3A_259, %select_n3A_167, %broadcast_in_dim3A_267 : vector<16xi1>, vector<16xf32>
          %add3A_269 = arith.addf %broadcast_in_dim3A_2, %select_n3A_268 : vector<16xf32>
          %gt3A_270 = arith.cmpf ogt, %select_n3A_172, %bitcast3A : vector<16xf32>
          %jit3A_271 = arith.constant 1 : i32
          %jit3A_272 = arith.constant 0 : i32
          %broadcast_in_dim3A_273 = vector.broadcast %jit3A_271 : i32 to vector<16xi32>
          %broadcast_in_dim3A_274 = vector.broadcast %jit3A_272 : i32 to vector<16xi32>
          %select_n3A_275 = arith.select %gt3A_270, %broadcast_in_dim3A_273, %broadcast_in_dim3A_274 : vector<16xi1>, vector<16xi32>
          %add3A_276 = arith.addi %add3A_265, %select_n3A_275 : vector<16xi32>
          %jit3A_277 = arith.constant 0.000000e+00 : f32
          %broadcast_in_dim3A_278 = vector.broadcast %jit3A_277 : f32 to vector<16xf32>
          %select_n3A_279 = arith.select %gt3A_270, %select_n3A_172, %broadcast_in_dim3A_278 : vector<16xi1>, vector<16xf32>
          %add3A_280 = arith.addf %add3A_269, %select_n3A_279 : vector<16xf32>
          %gt3A_281 = arith.cmpf ogt, %select_n3A_177, %bitcast3A : vector<16xf32>
          %jit3A_282 = arith.constant 1 : i32
          %jit3A_283 = arith.constant 0 : i32
          %broadcast_in_dim3A_284 = vector.broadcast %jit3A_282 : i32 to vector<16xi32>
          %broadcast_in_dim3A_285 = vector.broadcast %jit3A_283 : i32 to vector<16xi32>
          %select_n3A_286 = arith.select %gt3A_281, %broadcast_in_dim3A_284, %broadcast_in_dim3A_285 : vector<16xi1>, vector<16xi32>
          %add3A_287 = arith.addi %add3A_276, %select_n3A_286 : vector<16xi32>
          %jit3A_288 = arith.constant 0.000000e+00 : f32
          %broadcast_in_dim3A_289 = vector.broadcast %jit3A_288 : f32 to vector<16xf32>
          %select_n3A_290 = arith.select %gt3A_281, %select_n3A_177, %broadcast_in_dim3A_289 : vector<16xi1>, vector<16xf32>
          %add3A_291 = arith.addf %add3A_280, %select_n3A_290 : vector<16xf32>
          %gt3A_292 = arith.cmpf ogt, %select_n3A_182, %bitcast3A : vector<16xf32>
          %jit3A_293 = arith.constant 1 : i32
          %jit3A_294 = arith.constant 0 : i32
          %broadcast_in_dim3A_295 = vector.broadcast %jit3A_293 : i32 to vector<16xi32>
          %broadcast_in_dim3A_296 = vector.broadcast %jit3A_294 : i32 to vector<16xi32>
          %select_n3A_297 = arith.select %gt3A_292, %broadcast_in_dim3A_295, %broadcast_in_dim3A_296 : vector<16xi1>, vector<16xi32>
          %add3A_298 = arith.addi %add3A_287, %select_n3A_297 : vector<16xi32>
          %jit3A_299 = arith.constant 0.000000e+00 : f32
          %broadcast_in_dim3A_300 = vector.broadcast %jit3A_299 : f32 to vector<16xf32>
          %select_n3A_301 = arith.select %gt3A_292, %select_n3A_182, %broadcast_in_dim3A_300 : vector<16xi1>, vector<16xf32>
          %add3A_302 = arith.addf %add3A_291, %select_n3A_301 : vector<16xf32>
          %gt3A_303 = arith.cmpf ogt, %select_n3A_187, %bitcast3A : vector<16xf32>
          %jit3A_304 = arith.constant 1 : i32
          %jit3A_305 = arith.constant 0 : i32
          %broadcast_in_dim3A_306 = vector.broadcast %jit3A_304 : i32 to vector<16xi32>
          %broadcast_in_dim3A_307 = vector.broadcast %jit3A_305 : i32 to vector<16xi32>
          %select_n3A_308 = arith.select %gt3A_303, %broadcast_in_dim3A_306, %broadcast_in_dim3A_307 : vector<16xi1>, vector<16xi32>
          %add3A_309 = arith.addi %add3A_298, %select_n3A_308 : vector<16xi32>
          %jit3A_310 = arith.constant 0.000000e+00 : f32
          %broadcast_in_dim3A_311 = vector.broadcast %jit3A_310 : f32 to vector<16xf32>
          %select_n3A_312 = arith.select %gt3A_303, %select_n3A_187, %broadcast_in_dim3A_311 : vector<16xi1>, vector<16xf32>
          %add3A_313 = arith.addf %add3A_302, %select_n3A_312 : vector<16xf32>
          %gt3A_314 = arith.cmpf ogt, %select_n3A_192, %bitcast3A : vector<16xf32>
          %jit3A_315 = arith.constant 1 : i32
          %jit3A_316 = arith.constant 0 : i32
          %broadcast_in_dim3A_317 = vector.broadcast %jit3A_315 : i32 to vector<16xi32>
          %broadcast_in_dim3A_318 = vector.broadcast %jit3A_316 : i32 to vector<16xi32>
          %select_n3A_319 = arith.select %gt3A_314, %broadcast_in_dim3A_317, %broadcast_in_dim3A_318 : vector<16xi1>, vector<16xi32>
          %add3A_320 = arith.addi %add3A_309, %select_n3A_319 : vector<16xi32>
          %jit3A_321 = arith.constant 0.000000e+00 : f32
          %broadcast_in_dim3A_322 = vector.broadcast %jit3A_321 : f32 to vector<16xf32>
          %select_n3A_323 = arith.select %gt3A_314, %select_n3A_192, %broadcast_in_dim3A_322 : vector<16xi1>, vector<16xf32>
          %add3A_324 = arith.addf %add3A_313, %select_n3A_323 : vector<16xf32>
          %gt3A_325 = arith.cmpf ogt, %select_n3A_197, %bitcast3A : vector<16xf32>
          %jit3A_326 = arith.constant 1 : i32
          %jit3A_327 = arith.constant 0 : i32
          %broadcast_in_dim3A_328 = vector.broadcast %jit3A_326 : i32 to vector<16xi32>
          %broadcast_in_dim3A_329 = vector.broadcast %jit3A_327 : i32 to vector<16xi32>
          %select_n3A_330 = arith.select %gt3A_325, %broadcast_in_dim3A_328, %broadcast_in_dim3A_329 : vector<16xi1>, vector<16xi32>
          %add3A_331 = arith.addi %add3A_320, %select_n3A_330 : vector<16xi32>
          %jit3A_332 = arith.constant 0.000000e+00 : f32
          %broadcast_in_dim3A_333 = vector.broadcast %jit3A_332 : f32 to vector<16xf32>
          %select_n3A_334 = arith.select %gt3A_325, %select_n3A_197, %broadcast_in_dim3A_333 : vector<16xi1>, vector<16xf32>
          %add3A_335 = arith.addf %add3A_324, %select_n3A_334 : vector<16xf32>
          %gt3A_336 = arith.cmpf ogt, %select_n3A_202, %bitcast3A : vector<16xf32>
          %jit3A_337 = arith.constant 1 : i32
          %jit3A_338 = arith.constant 0 : i32
          %broadcast_in_dim3A_339 = vector.broadcast %jit3A_337 : i32 to vector<16xi32>
          %broadcast_in_dim3A_340 = vector.broadcast %jit3A_338 : i32 to vector<16xi32>
          %select_n3A_341 = arith.select %gt3A_336, %broadcast_in_dim3A_339, %broadcast_in_dim3A_340 : vector<16xi1>, vector<16xi32>
          %add3A_342 = arith.addi %add3A_331, %select_n3A_341 : vector<16xi32>
          %jit3A_343 = arith.constant 0.000000e+00 : f32
          %broadcast_in_dim3A_344 = vector.broadcast %jit3A_343 : f32 to vector<16xf32>
          %select_n3A_345 = arith.select %gt3A_336, %select_n3A_202, %broadcast_in_dim3A_344 : vector<16xi1>, vector<16xf32>
          %add3A_346 = arith.addf %add3A_335, %select_n3A_345 : vector<16xf32>
          %gt3A_347 = arith.cmpf ogt, %select_n3A_207, %bitcast3A : vector<16xf32>
          %jit3A_348 = arith.constant 1 : i32
          %jit3A_349 = arith.constant 0 : i32
          %broadcast_in_dim3A_350 = vector.broadcast %jit3A_348 : i32 to vector<16xi32>
          %broadcast_in_dim3A_351 = vector.broadcast %jit3A_349 : i32 to vector<16xi32>
          %select_n3A_352 = arith.select %gt3A_347, %broadcast_in_dim3A_350, %broadcast_in_dim3A_351 : vector<16xi1>, vector<16xi32>
          %add3A_353 = arith.addi %add3A_342, %select_n3A_352 : vector<16xi32>
          %jit3A_354 = arith.constant 0.000000e+00 : f32
          %broadcast_in_dim3A_355 = vector.broadcast %jit3A_354 : f32 to vector<16xf32>
          %select_n3A_356 = arith.select %gt3A_347, %select_n3A_207, %broadcast_in_dim3A_355 : vector<16xi1>, vector<16xf32>
          %add3A_357 = arith.addf %add3A_346, %select_n3A_356 : vector<16xf32>
          %gt3A_358 = arith.cmpf ogt, %select_n3A_212, %bitcast3A : vector<16xf32>
          %jit3A_359 = arith.constant 1 : i32
          %jit3A_360 = arith.constant 0 : i32
          %broadcast_in_dim3A_361 = vector.broadcast %jit3A_359 : i32 to vector<16xi32>
          %broadcast_in_dim3A_362 = vector.broadcast %jit3A_360 : i32 to vector<16xi32>
          %select_n3A_363 = arith.select %gt3A_358, %broadcast_in_dim3A_361, %broadcast_in_dim3A_362 : vector<16xi1>, vector<16xi32>
          %add3A_364 = arith.addi %add3A_353, %select_n3A_363 : vector<16xi32>
          %jit3A_365 = arith.constant 0.000000e+00 : f32
          %broadcast_in_dim3A_366 = vector.broadcast %jit3A_365 : f32 to vector<16xf32>
          %select_n3A_367 = arith.select %gt3A_358, %select_n3A_212, %broadcast_in_dim3A_366 : vector<16xi1>, vector<16xf32>
          %add3A_368 = arith.addf %add3A_357, %select_n3A_367 : vector<16xf32>
          %gt3A_369 = arith.cmpf ogt, %select_n3A_217, %bitcast3A : vector<16xf32>
          %jit3A_370 = arith.constant 1 : i32
          %jit3A_371 = arith.constant 0 : i32
          %broadcast_in_dim3A_372 = vector.broadcast %jit3A_370 : i32 to vector<16xi32>
          %broadcast_in_dim3A_373 = vector.broadcast %jit3A_371 : i32 to vector<16xi32>
          %select_n3A_374 = arith.select %gt3A_369, %broadcast_in_dim3A_372, %broadcast_in_dim3A_373 : vector<16xi1>, vector<16xi32>
          %add3A_375 = arith.addi %add3A_364, %select_n3A_374 : vector<16xi32>
          %jit3A_376 = arith.constant 0.000000e+00 : f32
          %broadcast_in_dim3A_377 = vector.broadcast %jit3A_376 : f32 to vector<16xf32>
          %select_n3A_378 = arith.select %gt3A_369, %select_n3A_217, %broadcast_in_dim3A_377 : vector<16xi1>, vector<16xf32>
          %add3A_379 = arith.addf %add3A_368, %select_n3A_378 : vector<16xf32>
          %gt3A_380 = arith.cmpf ogt, %select_n3A_222, %bitcast3A : vector<16xf32>
          %jit3A_381 = arith.constant 1 : i32
          %jit3A_382 = arith.constant 0 : i32
          %broadcast_in_dim3A_383 = vector.broadcast %jit3A_381 : i32 to vector<16xi32>
          %broadcast_in_dim3A_384 = vector.broadcast %jit3A_382 : i32 to vector<16xi32>
          %select_n3A_385 = arith.select %gt3A_380, %broadcast_in_dim3A_383, %broadcast_in_dim3A_384 : vector<16xi1>, vector<16xi32>
          %add3A_386 = arith.addi %add3A_375, %select_n3A_385 : vector<16xi32>
          %jit3A_387 = arith.constant 0.000000e+00 : f32
          %broadcast_in_dim3A_388 = vector.broadcast %jit3A_387 : f32 to vector<16xf32>
          %select_n3A_389 = arith.select %gt3A_380, %select_n3A_222, %broadcast_in_dim3A_388 : vector<16xi1>, vector<16xf32>
          %add3A_390 = arith.addf %add3A_379, %select_n3A_389 : vector<16xf32>
          %gt3A_391 = arith.cmpf ogt, %select_n3A_227, %bitcast3A : vector<16xf32>
          %jit3A_392 = arith.constant 1 : i32
          %jit3A_393 = arith.constant 0 : i32
          %broadcast_in_dim3A_394 = vector.broadcast %jit3A_392 : i32 to vector<16xi32>
          %broadcast_in_dim3A_395 = vector.broadcast %jit3A_393 : i32 to vector<16xi32>
          %select_n3A_396 = arith.select %gt3A_391, %broadcast_in_dim3A_394, %broadcast_in_dim3A_395 : vector<16xi1>, vector<16xi32>
          %add3A_397 = arith.addi %add3A_386, %select_n3A_396 : vector<16xi32>
          %jit3A_398 = arith.constant 0.000000e+00 : f32
          %broadcast_in_dim3A_399 = vector.broadcast %jit3A_398 : f32 to vector<16xf32>
          %select_n3A_400 = arith.select %gt3A_391, %select_n3A_227, %broadcast_in_dim3A_399 : vector<16xi1>, vector<16xf32>
          %add3A_401 = arith.addf %add3A_390, %select_n3A_400 : vector<16xf32>
          %gt3A_402 = arith.cmpf ogt, %select_n3A_232, %bitcast3A : vector<16xf32>
          %jit3A_403 = arith.constant 1 : i32
          %jit3A_404 = arith.constant 0 : i32
          %broadcast_in_dim3A_405 = vector.broadcast %jit3A_403 : i32 to vector<16xi32>
          %broadcast_in_dim3A_406 = vector.broadcast %jit3A_404 : i32 to vector<16xi32>
          %select_n3A_407 = arith.select %gt3A_402, %broadcast_in_dim3A_405, %broadcast_in_dim3A_406 : vector<16xi1>, vector<16xi32>
          %add3A_408 = arith.addi %add3A_397, %select_n3A_407 : vector<16xi32>
          %jit3A_409 = arith.constant 0.000000e+00 : f32
          %broadcast_in_dim3A_410 = vector.broadcast %jit3A_409 : f32 to vector<16xf32>
          %select_n3A_411 = arith.select %gt3A_402, %select_n3A_232, %broadcast_in_dim3A_410 : vector<16xi1>, vector<16xf32>
          %add3A_412 = arith.addf %add3A_401, %select_n3A_411 : vector<16xf32>
          %gt3A_413 = arith.cmpf ogt, %select_n3A_237, %bitcast3A : vector<16xf32>
          %jit3A_414 = arith.constant 1 : i32
          %jit3A_415 = arith.constant 0 : i32
          %broadcast_in_dim3A_416 = vector.broadcast %jit3A_414 : i32 to vector<16xi32>
          %broadcast_in_dim3A_417 = vector.broadcast %jit3A_415 : i32 to vector<16xi32>
          %select_n3A_418 = arith.select %gt3A_413, %broadcast_in_dim3A_416, %broadcast_in_dim3A_417 : vector<16xi1>, vector<16xi32>
          %add3A_419 = arith.addi %add3A_408, %select_n3A_418 : vector<16xi32>
          %jit3A_420 = arith.constant 0.000000e+00 : f32
          %broadcast_in_dim3A_421 = vector.broadcast %jit3A_420 : f32 to vector<16xf32>
          %select_n3A_422 = arith.select %gt3A_413, %select_n3A_237, %broadcast_in_dim3A_421 : vector<16xi1>, vector<16xf32>
          %add3A_423 = arith.addf %add3A_412, %select_n3A_422 : vector<16xf32>
          %gt3A_424 = arith.cmpf ogt, %select_n3A_242, %bitcast3A : vector<16xf32>
          %jit3A_425 = arith.constant 1 : i32
          %jit3A_426 = arith.constant 0 : i32
          %broadcast_in_dim3A_427 = vector.broadcast %jit3A_425 : i32 to vector<16xi32>
          %broadcast_in_dim3A_428 = vector.broadcast %jit3A_426 : i32 to vector<16xi32>
          %select_n3A_429 = arith.select %gt3A_424, %broadcast_in_dim3A_427, %broadcast_in_dim3A_428 : vector<16xi1>, vector<16xi32>
          %add3A_430 = arith.addi %add3A_419, %select_n3A_429 : vector<16xi32>
          %jit3A_431 = arith.constant 0.000000e+00 : f32
          %broadcast_in_dim3A_432 = vector.broadcast %jit3A_431 : f32 to vector<16xf32>
          %select_n3A_433 = arith.select %gt3A_424, %select_n3A_242, %broadcast_in_dim3A_432 : vector<16xi1>, vector<16xf32>
          %add3A_434 = arith.addf %add3A_423, %select_n3A_433 : vector<16xf32>
          %reduce_sum3A_435 = arith.constant true
          %reduce_sum3A_436 = vector.broadcast %reduce_sum3A_435 : i1 to vector<16xi1>
          %reduce_sum3A_437 = tpu.scan <sum>, %add3A_430 masked %reduce_sum3A_436 : vector<16xi32>, vector<16xi1> -> vector<16xi32>
          %reduce_sum3A_438 = vector.extract %reduce_sum3A_437[15] : i32 from vector<16xi32>
          %reduce_sum3A_439 = arith.constant true
          %reduce_sum3A_440 = vector.broadcast %reduce_sum3A_439 : i1 to vector<16xi1>
          %reduce_sum3A_441 = tpu.scan <sum>, %add3A_434 masked %reduce_sum3A_440 : vector<16xf32>, vector<16xi1> -> vector<16xf32>
          %reduce_sum3A_442 = vector.extract %reduce_sum3A_441[15] : f32 from vector<16xf32>
          %reduce_max3A_443 = arith.constant true
          %reduce_max3A_444 = vector.broadcast %reduce_max3A_443 : i1 to vector<16xi1>
          %reduce_max3A_445 = tpu.scan <max>, %bitcast3A masked %reduce_max3A_444 : vector<16xf32>, vector<16xi1> -> vector<16xf32>
          %reduce_max3A_446 = vector.extract %reduce_max3A_445[15] : f32 from vector<16xf32>
          %sub3A_447 = arith.subi %sub3A_151, %reduce_sum3A_438 : i32
          %convert_element_type3A_448 = arith.sitofp %sub3A_447 : i32 to f32
          %mul3A_449 = arith.mulf %convert_element_type3A_448, %reduce_max3A_446 : f32
          %add3A_450 = arith.addf %reduce_sum3A_442, %mul3A_449 : f32
          %le3A_451 = arith.constant 0 : i32
          %le3A_452 = arith.cmpi sle, %sub3A_151, %le3A_451 : i32
          %gt3A_453 = arith.cmpi sgt, %sub3A_151, %get3A_113 : i32
          %jit3A_454 = arith.constant 0xFF800000 : f32
          %select_n3A_455 = arith.select %gt3A_453, %jit3A_454, %add3A_450 : f32
          %jit3A_456 = arith.constant 0.000000e+00 : f32
          %select_n3A_457 = arith.select %le3A_452, %jit3A_456, %select_n3A_455 : f32
          %add3A_458 = arith.addf %reduce_sum3A_149, %select_n3A_457 : f32
          %add3A_459 = vector.broadcast %add3A_458 : f32 to vector<16xf32>
          %add3A_460 = arith.addf %broadcast_in_dim3A_2, %add3A_459 : vector<16xf32>
          %add3A_461 = arith.constant 3.000000e+02 : f32
          %add3A_462 = vector.broadcast %add3A_461 : f32 to vector<16xf32>
          %add3A_463 = arith.addf %broadcast_in_dim3A_2, %add3A_462 : vector<16xf32>
          %div3A = arith.divf %add3A_460, %add3A_463 : vector<16xf32>
          %swap3A_464 = arith.constant 0 : index
          %swap3A_465 = tpu.vector_load %arg12[%swap3A_464] {strides = array<i32>} : memref<16xf32, #tpu.memory_space<vmem>>, vector<16xf32>,
          tpu.vector_store %arg12[%swap3A_464], %div3A {strides = array<i32>} : memref<16xf32, #tpu.memory_space<vmem>>, vector<16xf32>,
          "tpu.region"() ({
            %run_scoped3A = tpu.sem_alloc : memref<!tpu.dma_semaphore, #tpu.memory_space<semaphore_mem>>
            tpu.enqueue_dma source(%arg12 : memref<16xf32, #tpu.memory_space<vmem>>) target(%arg4 : memref<16xf32, #tpu.memory_space<hbm>>) target_semaphore(%run_scoped3A : memref<!tpu.dma_semaphore, #tpu.memory_space<semaphore_mem>>)
            tpu.wait_dma2 semaphore(%run_scoped3A : memref<!tpu.dma_semaphore, #tpu.memory_space<semaphore_mem>>) src(%arg12 : memref<16xf32, #tpu.memory_space<vmem>>) dst(%arg4 : memref<16xf32, #tpu.memory_space<hbm>>)
            tpu.yield
          }) : () -> ()
        } else {
        }
        %gt3A_159 = arith.constant 16 : i32
        %gt3A_160 = arith.cmpi sgt, %shift_right_logical3A_118, %gt3A_159 : i32
        %convert_element_type3A_161 = arith.extui %gt3A_160 : i1 to i32
        %cond3A_162 = arith.constant 0 : i32
        %cond3A_163 = arith.cmpi ne, %convert_element_type3A_161, %cond3A_162 : i32
        scf.if %cond3A_163 {
          %mul3A_164 = arith.constant 16 : i32
          %mul3A_165 = arith.muli %shift_right_logical3A_118, %mul3A_164 : i32
          %swap3A_166 = arith.index_cast %mul3A_165 : i32 to index
          %swap3A_167 = tpu.vector_load %arg9[%swap3A_166] {strides = array<i32>} : memref<61712xf32, #tpu.memory_space<vmem>>, vector<16xf32>,
          tpu.vector_store %arg9[%swap3A_166], %broadcast_in_dim3A_153 {strides = array<i32>} : memref<61712xf32, #tpu.memory_space<vmem>>, vector<16xf32>,
          %add3A_168 = arith.constant 1 : i32
          %add3A_169 = arith.addi %shift_right_logical3A_118, %add3A_168 : i32
          %shift_right_logical3A_170 = arith.constant 1 : i32
          %shift_right_logical3A_171 = arith.shrui %add3A_169, %shift_right_logical3A_170 : i32
          %while3A_172 = arith.constant 0 : i32
          %while3A_173 = arith.constant 31 : i32
          %while3A_174 = arith.constant 0 : i32
          %while3A_175 = arith.constant 2139095040 : i32
          %while3A_176 = arith.subi %while3A_173, %while3A_172 : i32
          %while3A_177 = arith.addi %while3A_172, %while3A_176 : i32
          %while3A_178 = arith.constant 1 : i32
          %while3A_179 = arith.divsi %while3A_176, %while3A_178 : i32
          %while3A_180 = arith.muli %while3A_179, %while3A_178 : i32
          %while3A_181 = arith.addi %while3A_172, %while3A_180 : i32
          %while3A_182 = arith.constant 1 : i32
          %while3A_183:2 = scf.for %while3A_230 = %while3A_172 to %while3A_181 step %while3A_182 iter_args(%while3A_231 = %while3A_174, %while3A_232 = %while3A_175) -> (i32, i32)  : i32 {
            %sub3A_233 = arith.subi %while3A_232, %while3A_231 : i32
            %shift_right_logical3A_234 = arith.constant 1 : i32
            %shift_right_logical3A_235 = arith.shrui %sub3A_233, %shift_right_logical3A_234 : i32
            %add3A_236 = arith.addi %while3A_231, %shift_right_logical3A_235 : i32
            %add3A_237 = vector.broadcast %add3A_236 : i32 to vector<16xi32>
            %add3A_238 = arith.addi %broadcast_in_dim3A_4, %add3A_237 : vector<16xi32>
            %bitcast3A_239 = vector.bitcast %add3A_238 : vector<16xi32> to vector<16xf32>
            %while3A_240 = arith.constant 0 : i32
            %while3A_241 = arith.subi %shift_right_logical3A_171, %while3A_240 : i32
            %while3A_242 = arith.addi %while3A_240, %while3A_241 : i32
            %while3A_243 = arith.constant 1 : i32
            %while3A_244 = arith.divsi %while3A_241, %while3A_243 : i32
            %while3A_245 = arith.muli %while3A_244, %while3A_243 : i32
            %while3A_246 = arith.addi %while3A_240, %while3A_245 : i32
            %while3A_247 = arith.constant 1 : i32
            %while3A_248 = scf.for %while3A_257 = %while3A_240 to %while3A_246 step %while3A_247 iter_args(%while3A_258 = %broadcast_in_dim3A_4) -> (vector<16xi32>)  : i32 {
              %mul3A_259 = arith.constant 32 : i32
              %mul3A_260 = arith.muli %while3A_257, %mul3A_259 : i32
              %get3A_261 = arith.index_cast %mul3A_260 : i32 to index
              %get3A_262 = tpu.vector_load %arg9[%get3A_261] {strides = array<i32>} : memref<61712xf32, #tpu.memory_space<vmem>>, vector<16xf32>,
              %mul3A_263 = arith.constant 32 : i32
              %mul3A_264 = arith.muli %while3A_257, %mul3A_263 : i32
              %add3A_265 = arith.constant 16 : i32
              %add3A_266 = arith.addi %mul3A_264, %add3A_265 : i32
              %get3A_267 = arith.index_cast %add3A_266 : i32 to index
              %get3A_268 = tpu.vector_load %arg9[%get3A_267] {strides = array<i32>} : memref<61712xf32, #tpu.memory_space<vmem>>, vector<16xf32>,
              %ge3A_269 = arith.cmpf oge, %get3A_262, %bitcast3A_239 : vector<16xf32>
              %jit3A_270 = arith.constant 1 : i32
              %jit3A_271 = arith.constant 0 : i32
              %broadcast_in_dim3A_272 = vector.broadcast %jit3A_270 : i32 to vector<16xi32>
              %broadcast_in_dim3A_273 = vector.broadcast %jit3A_271 : i32 to vector<16xi32>
              %select_n3A_274 = arith.select %ge3A_269, %broadcast_in_dim3A_272, %broadcast_in_dim3A_273 : vector<16xi1>, vector<16xi32>
              %add3A_275 = arith.addi %while3A_258, %select_n3A_274 : vector<16xi32>
              %ge3A_276 = arith.cmpf oge, %get3A_268, %bitcast3A_239 : vector<16xf32>
              %jit3A_277 = arith.constant 1 : i32
              %jit3A_278 = arith.constant 0 : i32
              %broadcast_in_dim3A_279 = vector.broadcast %jit3A_277 : i32 to vector<16xi32>
              %broadcast_in_dim3A_280 = vector.broadcast %jit3A_278 : i32 to vector<16xi32>
              %select_n3A_281 = arith.select %ge3A_276, %broadcast_in_dim3A_279, %broadcast_in_dim3A_280 : vector<16xi1>, vector<16xi32>
              %add3A_282 = arith.addi %add3A_275, %select_n3A_281 : vector<16xi32>
              scf.yield %add3A_282 : vector<16xi32>
            }
            %while3A_249 = arith.constant 1 : i32
            %while3A_250 = scf.for %while3A_257 = %while3A_246 to %while3A_242 step %while3A_249 iter_args(%while3A_258 = %while3A_248) -> (vector<16xi32>)  : i32 {
              %mul3A_259 = arith.constant 32 : i32
              %mul3A_260 = arith.muli %while3A_257, %mul3A_259 : i32
              %get3A_261 = arith.index_cast %mul3A_260 : i32 to index
              %get3A_262 = tpu.vector_load %arg9[%get3A_261] {strides = array<i32>} : memref<61712xf32, #tpu.memory_space<vmem>>, vector<16xf32>,
              %mul3A_263 = arith.constant 32 : i32
              %mul3A_264 = arith.muli %while3A_257, %mul3A_263 : i32
              %add3A_265 = arith.constant 16 : i32
              %add3A_266 = arith.addi %mul3A_264, %add3A_265 : i32
              %get3A_267 = arith.index_cast %add3A_266 : i32 to index
              %get3A_268 = tpu.vector_load %arg9[%get3A_267] {strides = array<i32>} : memref<61712xf32, #tpu.memory_space<vmem>>, vector<16xf32>,
              %ge3A_269 = arith.cmpf oge, %get3A_262, %bitcast3A_239 : vector<16xf32>
              %jit3A_270 = arith.constant 1 : i32
              %jit3A_271 = arith.constant 0 : i32
              %broadcast_in_dim3A_272 = vector.broadcast %jit3A_270 : i32 to vector<16xi32>
              %broadcast_in_dim3A_273 = vector.broadcast %jit3A_271 : i32 to vector<16xi32>
              %select_n3A_274 = arith.select %ge3A_269, %broadcast_in_dim3A_272, %broadcast_in_dim3A_273 : vector<16xi1>, vector<16xi32>
              %add3A_275 = arith.addi %while3A_258, %select_n3A_274 : vector<16xi32>
              %ge3A_276 = arith.cmpf oge, %get3A_268, %bitcast3A_239 : vector<16xf32>
              %jit3A_277 = arith.constant 1 : i32
              %jit3A_278 = arith.constant 0 : i32
              %broadcast_in_dim3A_279 = vector.broadcast %jit3A_277 : i32 to vector<16xi32>
              %broadcast_in_dim3A_280 = vector.broadcast %jit3A_278 : i32 to vector<16xi32>
              %select_n3A_281 = arith.select %ge3A_276, %broadcast_in_dim3A_279, %broadcast_in_dim3A_280 : vector<16xi1>, vector<16xi32>
              %add3A_282 = arith.addi %add3A_275, %select_n3A_281 : vector<16xi32>
              scf.yield %add3A_282 : vector<16xi32>
            }
            %reduce_sum3A_251 = arith.constant true
            %reduce_sum3A_252 = vector.broadcast %reduce_sum3A_251 : i1 to vector<16xi1>
            %reduce_sum3A_253 = tpu.scan <sum>, %while3A_250 masked %reduce_sum3A_252 : vector<16xi32>, vector<16xi1> -> vector<16xi32>
            %reduce_sum3A_254 = vector.extract %reduce_sum3A_253[15] : i32 from vector<16xi32>
            %ge3A = arith.cmpi sge, %reduce_sum3A_254, %sub3A_151 : i32
            %select_n3A_255 = arith.select %ge3A, %add3A_236, %while3A_231 : i32
            %select_n3A_256 = arith.select %ge3A, %while3A_232, %add3A_236 : i32
            scf.yield %select_n3A_255, %select_n3A_256 : i32, i32
          }
          %while3A_184 = arith.constant 1 : i32
          %while3A_185:2 = scf.for %while3A_230 = %while3A_181 to %while3A_177 step %while3A_184 iter_args(%while3A_231 = %while3A_183#0, %while3A_232 = %while3A_183#1) -> (i32, i32)  : i32 {
            %sub3A_233 = arith.subi %while3A_232, %while3A_231 : i32
            %shift_right_logical3A_234 = arith.constant 1 : i32
            %shift_right_logical3A_235 = arith.shrui %sub3A_233, %shift_right_logical3A_234 : i32
            %add3A_236 = arith.addi %while3A_231, %shift_right_logical3A_235 : i32
            %add3A_237 = vector.broadcast %add3A_236 : i32 to vector<16xi32>
            %add3A_238 = arith.addi %broadcast_in_dim3A_4, %add3A_237 : vector<16xi32>
            %bitcast3A_239 = vector.bitcast %add3A_238 : vector<16xi32> to vector<16xf32>
            %while3A_240 = arith.constant 0 : i32
            %while3A_241 = arith.subi %shift_right_logical3A_171, %while3A_240 : i32
            %while3A_242 = arith.addi %while3A_240, %while3A_241 : i32
            %while3A_243 = arith.constant 1 : i32
            %while3A_244 = arith.divsi %while3A_241, %while3A_243 : i32
            %while3A_245 = arith.muli %while3A_244, %while3A_243 : i32
            %while3A_246 = arith.addi %while3A_240, %while3A_245 : i32
            %while3A_247 = arith.constant 1 : i32
            %while3A_248 = scf.for %while3A_257 = %while3A_240 to %while3A_246 step %while3A_247 iter_args(%while3A_258 = %broadcast_in_dim3A_4) -> (vector<16xi32>)  : i32 {
              %mul3A_259 = arith.constant 32 : i32
              %mul3A_260 = arith.muli %while3A_257, %mul3A_259 : i32
              %get3A_261 = arith.index_cast %mul3A_260 : i32 to index
              %get3A_262 = tpu.vector_load %arg9[%get3A_261] {strides = array<i32>} : memref<61712xf32, #tpu.memory_space<vmem>>, vector<16xf32>,
              %mul3A_263 = arith.constant 32 : i32
              %mul3A_264 = arith.muli %while3A_257, %mul3A_263 : i32
              %add3A_265 = arith.constant 16 : i32
              %add3A_266 = arith.addi %mul3A_264, %add3A_265 : i32
              %get3A_267 = arith.index_cast %add3A_266 : i32 to index
              %get3A_268 = tpu.vector_load %arg9[%get3A_267] {strides = array<i32>} : memref<61712xf32, #tpu.memory_space<vmem>>, vector<16xf32>,
              %ge3A_269 = arith.cmpf oge, %get3A_262, %bitcast3A_239 : vector<16xf32>
              %jit3A_270 = arith.constant 1 : i32
              %jit3A_271 = arith.constant 0 : i32
              %broadcast_in_dim3A_272 = vector.broadcast %jit3A_270 : i32 to vector<16xi32>
              %broadcast_in_dim3A_273 = vector.broadcast %jit3A_271 : i32 to vector<16xi32>
              %select_n3A_274 = arith.select %ge3A_269, %broadcast_in_dim3A_272, %broadcast_in_dim3A_273 : vector<16xi1>, vector<16xi32>
              %add3A_275 = arith.addi %while3A_258, %select_n3A_274 : vector<16xi32>
              %ge3A_276 = arith.cmpf oge, %get3A_268, %bitcast3A_239 : vector<16xf32>
              %jit3A_277 = arith.constant 1 : i32
              %jit3A_278 = arith.constant 0 : i32
              %broadcast_in_dim3A_279 = vector.broadcast %jit3A_277 : i32 to vector<16xi32>
              %broadcast_in_dim3A_280 = vector.broadcast %jit3A_278 : i32 to vector<16xi32>
              %select_n3A_281 = arith.select %ge3A_276, %broadcast_in_dim3A_279, %broadcast_in_dim3A_280 : vector<16xi1>, vector<16xi32>
              %add3A_282 = arith.addi %add3A_275, %select_n3A_281 : vector<16xi32>
              scf.yield %add3A_282 : vector<16xi32>
            }
            %while3A_249 = arith.constant 1 : i32
            %while3A_250 = scf.for %while3A_257 = %while3A_246 to %while3A_242 step %while3A_249 iter_args(%while3A_258 = %while3A_248) -> (vector<16xi32>)  : i32 {
              %mul3A_259 = arith.constant 32 : i32
              %mul3A_260 = arith.muli %while3A_257, %mul3A_259 : i32
              %get3A_261 = arith.index_cast %mul3A_260 : i32 to index
              %get3A_262 = tpu.vector_load %arg9[%get3A_261] {strides = array<i32>} : memref<61712xf32, #tpu.memory_space<vmem>>, vector<16xf32>,
              %mul3A_263 = arith.constant 32 : i32
              %mul3A_264 = arith.muli %while3A_257, %mul3A_263 : i32
              %add3A_265 = arith.constant 16 : i32
              %add3A_266 = arith.addi %mul3A_264, %add3A_265 : i32
              %get3A_267 = arith.index_cast %add3A_266 : i32 to index
              %get3A_268 = tpu.vector_load %arg9[%get3A_267] {strides = array<i32>} : memref<61712xf32, #tpu.memory_space<vmem>>, vector<16xf32>,
              %ge3A_269 = arith.cmpf oge, %get3A_262, %bitcast3A_239 : vector<16xf32>
              %jit3A_270 = arith.constant 1 : i32
              %jit3A_271 = arith.constant 0 : i32
              %broadcast_in_dim3A_272 = vector.broadcast %jit3A_270 : i32 to vector<16xi32>
              %broadcast_in_dim3A_273 = vector.broadcast %jit3A_271 : i32 to vector<16xi32>
              %select_n3A_274 = arith.select %ge3A_269, %broadcast_in_dim3A_272, %broadcast_in_dim3A_273 : vector<16xi1>, vector<16xi32>
              %add3A_275 = arith.addi %while3A_258, %select_n3A_274 : vector<16xi32>
              %ge3A_276 = arith.cmpf oge, %get3A_268, %bitcast3A_239 : vector<16xf32>
              %jit3A_277 = arith.constant 1 : i32
              %jit3A_278 = arith.constant 0 : i32
              %broadcast_in_dim3A_279 = vector.broadcast %jit3A_277 : i32 to vector<16xi32>
              %broadcast_in_dim3A_280 = vector.broadcast %jit3A_278 : i32 to vector<16xi32>
              %select_n3A_281 = arith.select %ge3A_276, %broadcast_in_dim3A_279, %broadcast_in_dim3A_280 : vector<16xi1>, vector<16xi32>
              %add3A_282 = arith.addi %add3A_275, %select_n3A_281 : vector<16xi32>
              scf.yield %add3A_282 : vector<16xi32>
            }
            %reduce_sum3A_251 = arith.constant true
            %reduce_sum3A_252 = vector.broadcast %reduce_sum3A_251 : i1 to vector<16xi1>
            %reduce_sum3A_253 = tpu.scan <sum>, %while3A_250 masked %reduce_sum3A_252 : vector<16xi32>, vector<16xi1> -> vector<16xi32>
            %reduce_sum3A_254 = vector.extract %reduce_sum3A_253[15] : i32 from vector<16xi32>
            %ge3A = arith.cmpi sge, %reduce_sum3A_254, %sub3A_151 : i32
            %select_n3A_255 = arith.select %ge3A, %add3A_236, %while3A_231 : i32
            %select_n3A_256 = arith.select %ge3A, %while3A_232, %add3A_236 : i32
            scf.yield %select_n3A_255, %select_n3A_256 : i32, i32
          }
          %add3A_186 = vector.broadcast %while3A_185#0 : i32 to vector<16xi32>
          %add3A_187 = arith.addi %broadcast_in_dim3A_4, %add3A_186 : vector<16xi32>
          %bitcast3A = vector.bitcast %add3A_187 : vector<16xi32> to vector<16xf32>
          %while3A_188 = arith.constant 0 : i32
          %while3A_189 = arith.subi %shift_right_logical3A_171, %while3A_188 : i32
          %while3A_190 = arith.addi %while3A_188, %while3A_189 : i32
          %while3A_191 = arith.constant 1 : i32
          %while3A_192 = arith.divsi %while3A_189, %while3A_191 : i32
          %while3A_193 = arith.muli %while3A_192, %while3A_191 : i32
          %while3A_194 = arith.addi %while3A_188, %while3A_193 : i32
          %while3A_195 = arith.constant 1 : i32
          %while3A_196:2 = scf.for %while3A_230 = %while3A_188 to %while3A_194 step %while3A_195 iter_args(%while3A_231 = %broadcast_in_dim3A_4, %while3A_232 = %broadcast_in_dim3A_2) -> (vector<16xi32>, vector<16xf32>)  : i32 {
            %mul3A_233 = arith.constant 32 : i32
            %mul3A_234 = arith.muli %while3A_230, %mul3A_233 : i32
            %get3A_235 = arith.index_cast %mul3A_234 : i32 to index
            %get3A_236 = tpu.vector_load %arg9[%get3A_235] {strides = array<i32>} : memref<61712xf32, #tpu.memory_space<vmem>>, vector<16xf32>,
            %mul3A_237 = arith.constant 32 : i32
            %mul3A_238 = arith.muli %while3A_230, %mul3A_237 : i32
            %add3A_239 = arith.constant 16 : i32
            %add3A_240 = arith.addi %mul3A_238, %add3A_239 : i32
            %get3A_241 = arith.index_cast %add3A_240 : i32 to index
            %get3A_242 = tpu.vector_load %arg9[%get3A_241] {strides = array<i32>} : memref<61712xf32, #tpu.memory_space<vmem>>, vector<16xf32>,
            %gt3A_243 = arith.cmpf ogt, %get3A_236, %bitcast3A : vector<16xf32>
            %gt3A_244 = arith.cmpf ogt, %get3A_242, %bitcast3A : vector<16xf32>
            %jit3A_245 = arith.constant 1 : i32
            %jit3A_246 = arith.constant 0 : i32
            %broadcast_in_dim3A_247 = vector.broadcast %jit3A_245 : i32 to vector<16xi32>
            %broadcast_in_dim3A_248 = vector.broadcast %jit3A_246 : i32 to vector<16xi32>
            %select_n3A_249 = arith.select %gt3A_243, %broadcast_in_dim3A_247, %broadcast_in_dim3A_248 : vector<16xi1>, vector<16xi32>
            %add3A_250 = arith.addi %while3A_231, %select_n3A_249 : vector<16xi32>
            %jit3A_251 = arith.constant 1 : i32
            %jit3A_252 = arith.constant 0 : i32
            %broadcast_in_dim3A_253 = vector.broadcast %jit3A_251 : i32 to vector<16xi32>
            %broadcast_in_dim3A_254 = vector.broadcast %jit3A_252 : i32 to vector<16xi32>
            %select_n3A_255 = arith.select %gt3A_244, %broadcast_in_dim3A_253, %broadcast_in_dim3A_254 : vector<16xi1>, vector<16xi32>
            %add3A_256 = arith.addi %add3A_250, %select_n3A_255 : vector<16xi32>
            %jit3A_257 = arith.constant 0.000000e+00 : f32
            %broadcast_in_dim3A_258 = vector.broadcast %jit3A_257 : f32 to vector<16xf32>
            %select_n3A_259 = arith.select %gt3A_243, %get3A_236, %broadcast_in_dim3A_258 : vector<16xi1>, vector<16xf32>
            %add3A_260 = arith.addf %while3A_232, %select_n3A_259 : vector<16xf32>
            %jit3A_261 = arith.constant 0.000000e+00 : f32
            %broadcast_in_dim3A_262 = vector.broadcast %jit3A_261 : f32 to vector<16xf32>
            %select_n3A_263 = arith.select %gt3A_244, %get3A_242, %broadcast_in_dim3A_262 : vector<16xi1>, vector<16xf32>
            %add3A_264 = arith.addf %add3A_260, %select_n3A_263 : vector<16xf32>
            scf.yield %add3A_256, %add3A_264 : vector<16xi32>, vector<16xf32>
          }
          %while3A_197 = arith.constant 1 : i32
          %while3A_198:2 = scf.for %while3A_230 = %while3A_194 to %while3A_190 step %while3A_197 iter_args(%while3A_231 = %while3A_196#0, %while3A_232 = %while3A_196#1) -> (vector<16xi32>, vector<16xf32>)  : i32 {
            %mul3A_233 = arith.constant 32 : i32
            %mul3A_234 = arith.muli %while3A_230, %mul3A_233 : i32
            %get3A_235 = arith.index_cast %mul3A_234 : i32 to index
            %get3A_236 = tpu.vector_load %arg9[%get3A_235] {strides = array<i32>} : memref<61712xf32, #tpu.memory_space<vmem>>, vector<16xf32>,
            %mul3A_237 = arith.constant 32 : i32
            %mul3A_238 = arith.muli %while3A_230, %mul3A_237 : i32
            %add3A_239 = arith.constant 16 : i32
            %add3A_240 = arith.addi %mul3A_238, %add3A_239 : i32
            %get3A_241 = arith.index_cast %add3A_240 : i32 to index
            %get3A_242 = tpu.vector_load %arg9[%get3A_241] {strides = array<i32>} : memref<61712xf32, #tpu.memory_space<vmem>>, vector<16xf32>,
            %gt3A_243 = arith.cmpf ogt, %get3A_236, %bitcast3A : vector<16xf32>
            %gt3A_244 = arith.cmpf ogt, %get3A_242, %bitcast3A : vector<16xf32>
            %jit3A_245 = arith.constant 1 : i32
            %jit3A_246 = arith.constant 0 : i32
            %broadcast_in_dim3A_247 = vector.broadcast %jit3A_245 : i32 to vector<16xi32>
            %broadcast_in_dim3A_248 = vector.broadcast %jit3A_246 : i32 to vector<16xi32>
            %select_n3A_249 = arith.select %gt3A_243, %broadcast_in_dim3A_247, %broadcast_in_dim3A_248 : vector<16xi1>, vector<16xi32>
            %add3A_250 = arith.addi %while3A_231, %select_n3A_249 : vector<16xi32>
            %jit3A_251 = arith.constant 1 : i32
            %jit3A_252 = arith.constant 0 : i32
            %broadcast_in_dim3A_253 = vector.broadcast %jit3A_251 : i32 to vector<16xi32>
            %broadcast_in_dim3A_254 = vector.broadcast %jit3A_252 : i32 to vector<16xi32>
            %select_n3A_255 = arith.select %gt3A_244, %broadcast_in_dim3A_253, %broadcast_in_dim3A_254 : vector<16xi1>, vector<16xi32>
            %add3A_256 = arith.addi %add3A_250, %select_n3A_255 : vector<16xi32>
            %jit3A_257 = arith.constant 0.000000e+00 : f32
            %broadcast_in_dim3A_258 = vector.broadcast %jit3A_257 : f32 to vector<16xf32>
            %select_n3A_259 = arith.select %gt3A_243, %get3A_236, %broadcast_in_dim3A_258 : vector<16xi1>, vector<16xf32>
            %add3A_260 = arith.addf %while3A_232, %select_n3A_259 : vector<16xf32>
            %jit3A_261 = arith.constant 0.000000e+00 : f32
            %broadcast_in_dim3A_262 = vector.broadcast %jit3A_261 : f32 to vector<16xf32>
            %select_n3A_263 = arith.select %gt3A_244, %get3A_242, %broadcast_in_dim3A_262 : vector<16xi1>, vector<16xf32>
            %add3A_264 = arith.addf %add3A_260, %select_n3A_263 : vector<16xf32>
            scf.yield %add3A_256, %add3A_264 : vector<16xi32>, vector<16xf32>
          }
          %reduce_sum3A_199 = arith.constant true
          %reduce_sum3A_200 = vector.broadcast %reduce_sum3A_199 : i1 to vector<16xi1>
          %reduce_sum3A_201 = tpu.scan <sum>, %while3A_198#0 masked %reduce_sum3A_200 : vector<16xi32>, vector<16xi1> -> vector<16xi32>
          %reduce_sum3A_202 = vector.extract %reduce_sum3A_201[15] : i32 from vector<16xi32>
          %reduce_sum3A_203 = arith.constant true
          %reduce_sum3A_204 = vector.broadcast %reduce_sum3A_203 : i1 to vector<16xi1>
          %reduce_sum3A_205 = tpu.scan <sum>, %while3A_198#1 masked %reduce_sum3A_204 : vector<16xf32>, vector<16xi1> -> vector<16xf32>
          %reduce_sum3A_206 = vector.extract %reduce_sum3A_205[15] : f32 from vector<16xf32>
          %reduce_max3A_207 = arith.constant true
          %reduce_max3A_208 = vector.broadcast %reduce_max3A_207 : i1 to vector<16xi1>
          %reduce_max3A_209 = tpu.scan <max>, %bitcast3A masked %reduce_max3A_208 : vector<16xf32>, vector<16xi1> -> vector<16xf32>
          %reduce_max3A_210 = vector.extract %reduce_max3A_209[15] : f32 from vector<16xf32>
          %sub3A_211 = arith.subi %sub3A_151, %reduce_sum3A_202 : i32
          %convert_element_type3A_212 = arith.sitofp %sub3A_211 : i32 to f32
          %mul3A_213 = arith.mulf %convert_element_type3A_212, %reduce_max3A_210 : f32
          %add3A_214 = arith.addf %reduce_sum3A_206, %mul3A_213 : f32
          %le3A_215 = arith.constant 0 : i32
          %le3A_216 = arith.cmpi sle, %sub3A_151, %le3A_215 : i32
          %gt3A_217 = arith.cmpi sgt, %sub3A_151, %get3A_113 : i32
          %jit3A_218 = arith.constant 0xFF800000 : f32
          %select_n3A_219 = arith.select %gt3A_217, %jit3A_218, %add3A_214 : f32
          %jit3A_220 = arith.constant 0.000000e+00 : f32
          %select_n3A_221 = arith.select %le3A_216, %jit3A_220, %select_n3A_219 : f32
          %add3A_222 = arith.addf %reduce_sum3A_149, %select_n3A_221 : f32
          %add3A_223 = vector.broadcast %add3A_222 : f32 to vector<16xf32>
          %add3A_224 = arith.addf %broadcast_in_dim3A_2, %add3A_223 : vector<16xf32>
          %add3A_225 = arith.constant 3.000000e+02 : f32
          %add3A_226 = vector.broadcast %add3A_225 : f32 to vector<16xf32>
          %add3A_227 = arith.addf %broadcast_in_dim3A_2, %add3A_226 : vector<16xf32>
          %div3A = arith.divf %add3A_224, %add3A_227 : vector<16xf32>
          %swap3A_228 = arith.constant 0 : index
          %swap3A_229 = tpu.vector_load %arg12[%swap3A_228] {strides = array<i32>} : memref<16xf32, #tpu.memory_space<vmem>>, vector<16xf32>,
          tpu.vector_store %arg12[%swap3A_228], %div3A {strides = array<i32>} : memref<16xf32, #tpu.memory_space<vmem>>, vector<16xf32>,
          "tpu.region"() ({
            %run_scoped3A = tpu.sem_alloc : memref<!tpu.dma_semaphore, #tpu.memory_space<semaphore_mem>>
            tpu.enqueue_dma source(%arg12 : memref<16xf32, #tpu.memory_space<vmem>>) target(%arg4 : memref<16xf32, #tpu.memory_space<hbm>>) target_semaphore(%run_scoped3A : memref<!tpu.dma_semaphore, #tpu.memory_space<semaphore_mem>>)
            tpu.wait_dma2 semaphore(%run_scoped3A : memref<!tpu.dma_semaphore, #tpu.memory_space<semaphore_mem>>) src(%arg12 : memref<16xf32, #tpu.memory_space<vmem>>) dst(%arg4 : memref<16xf32, #tpu.memory_space<hbm>>)
            tpu.yield
          }) : () -> ()
        } else {
        }
      } else {
      }
    } else {
    }
    return
  }
}

</mosaic_0001>

<sc_bundles>
// kernel: kernel.3.cloned.1.call-start
scs
__scs_entry_jumppad:
0x0: {  	(pc) =	sbr.rel $0x88, $3  }
0x1: {  	(tag) =	ssettag $0x0;
	lr =	simm.s32 $0x1  }
0x2: {  	[smem:$0x3F9F] =	sst lr;
	_ =	strace $0xD0000000  }
0x3: {  	_ = 	snop  }
0x4: {  	_ = 	snop  }
0x5: {  	_ = 	snop  }
0x6: {  	_ = 	snop  }
0x7: {  	_ = 	snop  }
__scs_overlays_trampoline_lowered:
0x8: {  	[smem:$0x3FAE] =	sst s0  }
0x9: {  	[smem:$0x3FAF] =	sst s1  }
0xa: {  	[smem:$0x3FB0] =	sst s2  }
0xb: {  	[smem:$0x3FB1] =	sst s3  }
0xc: {  	[smem:$0x3FB2] =	sst s4  }
0xd: {  	[smem:$0x3FB3] =	sst s5  }
0xe: {  	[smem:$0x3FB4] =	sst s6  }
0xf: {  	[smem:$0x3FB5] =	sst s7  }
0x10: {  	[smem:$0x3FB6] =	sst s8  }
0x11: {  	[smem:$0x3FB7] =	sst s9;
	s0 =	simm.s32 @!p0 $0x0  }
0x12: {  	s1 =	sld [smem:$0x3F9D];
	s0 =	simm.s32 @p0 $0x1  }
0x13: {  	[smem:$0x3FB8] =	sst s0;
	s0 =	simm.s32 @!p1 $0x0  }
0x14: {  	s2 =	sld [smem:$0x3F9C];
	s0 =	simm.s32 @p1 $0x1  }
0x15: {  	[smem:$0x3FB9] =	sst s0;
	s0 =	simm.s32 @!p2 $0x0  }
0x16: {  	s3 =	sld [smem:$0x3FDB];
	s0 =	simm.s32 @p2 $0x1  }
0x17: {  	s4 =	simm.s32 $0x1BF5;
	[smem:$0x3FBB] =	sst s0  }
0x18: {  	s0 =	sld [smem:$0x3F9E];
	_ =	swait.ge [sflag:s4], $0x0  }
0x19: {  	s7 =	sld [smem:$0x3F9F]  }
0x1a: {  	s8 =	sadd.s32 $0xFFFFE003, lr  }
0x1b: {  	s9 =	sadd.s32 $0xFFFFFEF7, lr;
	s5 =	simm.s32 $0xFFFFFFFF;
	p2 =	slt.u32 s8, $0xFFFFF086  }
0x1c: {  	p1 =	slt.u32 s9, $0xF7A;
	s5 =	simm.s32 @!p2 $0x0  }
0x1d: {  	s5 =	simm.s32 @p1 $0x1;
	p0 =	seq.s32 s7, s2  }
0x1e: {  	s7 =	smul.u32 @!p0 $0xF7A, s2;
	p2 =	seq.s32 @!p0 s5, $0x0  }
0x1f: {  	s9 =	smul.u32 $0xF7A, s1;
	s8 =	simm.s32 @!p0 $0x1BF5;
	p2 =	por !p2, p0  }
0x20: {  	[sflag:s8] =	ssyncset.s32 @!p0 $0xFFFFF086;
	s6 =	sadd.s32 @!p0 s3, s7;
	s7 =	simm.s32 @!p0 $0x108  }
0x21: {  	s3 =	sadd.s32 s3, s9;
	s6 =	sadd.s32 @!p0 $0x88, s6;
	s7 =	simm.s32 @p2 $0x1082  }
0x22: {  	[simem:s7], [sflag:s8] =	dma.local @!p0 [hbm:s6], $0xF7A  }
0x23: {  	s9 =	sor.u32 $0xD0000000, s2;
	s6 =	simm.s32 $0x108;
	_ =	swait.ge @!p0 [sflag:s8], $0x0  }
0x24: {  	s3 =	sadd.s32 $0x88, s3;
	s6 =	simm.s32 @!p1 $0x1082;
	[sflag:s4] =	ssyncset.s32 $0xFFFFF086  }
0x25: {  	[simem:s6], [sflag:s4] =	dma.local [hbm:s3], $0xF7A  }
0x26: {  	[smem:$0x3F9F] =	sst s1;
	(tag) =	ssettag s2;
	_ =	strace s9  }
0x27: {  	s1 =	sld [smem:$0x3FAF]  }
0x28: {  	s2 =	sld [smem:$0x3FB0]  }
0x29: {  	s4 =	sld [smem:$0x3FB2]  }
0x2a: {  	p0 =	seq.s32 s5, $0x0;
	s5 =	sld [smem:$0x3FB3]  }
0x2b: {  	s6 =	sld [smem:$0x3FB4]  }
0x2c: {  	s7 =	sld [smem:$0x3FB5]  }
0x2d: {  	s3 =	simm.s32 $0x108;
	s8 =	sld [smem:$0x3FB6]  }
0x2e: {  	s3 =	simm.s32 @!p0 $0x1082;
	s9 =	sld [smem:$0x3FB7]  }
0x2f: {  	lr =	sadd.s32 s0, s3;
	s0 =	sld [smem:$0x3FAE]  }
0x30: {  	s3 =	sld [smem:$0x3FB1]  }
0x31: {  	[smem:$0x3FBA] =	sst s10  }
0x32: {  	s10 =	sld [smem:$0x3FB8];
	_ =	sdelay $0x3  }
0x33: {  	p0 =	seq.s32 s10, $0x1;
	s10 =	sld [smem:$0x3FBA];
	_ =	sdelay $0x3  }
0x34: {  	[smem:$0x3FBA] =	sst s10  }
0x35: {  	s10 =	sld [smem:$0x3FB9];
	_ =	sdelay $0x3  }
0x36: {  	p1 =	seq.s32 s10, $0x1;
	s10 =	sld [smem:$0x3FBA];
	_ =	sdelay $0x3  }
0x37: {  	[smem:$0x3FBA] =	sst s10  }
0x38: {  	s10 =	sld [smem:$0x3FBB]  }
0x39: {  	_ = 	snop;
	(pc) =	sbr.ind lr, $3  }
0x3a: {  	_ = 	snop  }
0x3b: {  	_ = 	snop  }
0x3c: {  	p2 =	seq.s32 s10, $0x1;
	s10 =	sld [smem:$0x3FBA]  }
0x3d: {  	_ =	shalt  }
0x3e: {  	_ =	shalt  }
0x3f: {  	_ =	shalt  }
0x40: {  	_ =	shalt  }
0x41: {  	_ =	shalt  }
0x42: {  	_ =	shalt  }
0x43: {  	_ =	shalt  }
0x44: {  	_ =	shalt  }
0x45: {  	_ =	shalt  }
0x46: {  	_ =	shalt  }
0x47: {  	_ =	shalt  }
0x48: {  	_ =	shalt  }
0x49: {  	_ =	shalt  }
0x4a: {  	_ =	shalt  }
0x4b: {  	_ =	shalt  }
0x4c: {  	_ =	shalt  }
0x4d: {  	_ =	shalt  }
0x4e: {  	_ =	shalt  }
0x4f: {  	_ =	shalt  }
0x50: {  	_ =	shalt  }
0x51: {  	_ =	shalt  }
0x52: {  	_ =	shalt  }
0x53: {  	_ =	shalt  }
0x54: {  	_ =	shalt  }
0x55: {  	_ =	shalt  }
0x56: {  	_ =	shalt  }
0x57: {  	_ =	shalt  }
0x58: {  	_ =	shalt  }
0x59: {  	_ =	shalt  }
0x5a: {  	_ =	shalt  }
0x5b: {  	_ =	shalt  }
0x5c: {  	_ =	shalt  }
0x5d: {  	_ =	shalt  }
0x5e: {  	_ =	shalt  }
0x5f: {  	_ =	shalt  }
0x60: {  	_ =	shalt  }
0x61: {  	_ =	shalt  }
0x62: {  	_ =	shalt  }
0x63: {  	_ =	shalt  }
0x64: {  	_ =	shalt  }
0x65: {  	_ =	shalt  }
0x66: {  	_ =	shalt  }
0x67: {  	_ =	shalt  }
0x68: {  	_ =	shalt  }
0x69: {  	_ =	shalt  }
0x6a: {  	_ =	shalt  }
0x6b: {  	_ =	shalt  }
0x6c: {  	_ =	shalt  }
0x6d: {  	_ =	shalt  }
0x6e: {  	_ =	shalt  }
0x6f: {  	_ =	shalt  }
0x70: {  	_ =	shalt  }
0x71: {  	_ =	shalt  }
0x72: {  	_ =	shalt  }
0x73: {  	_ =	shalt  }
0x74: {  	_ =	shalt  }
0x75: {  	_ =	shalt  }
0x76: {  	_ =	shalt  }
0x77: {  	_ =	shalt  }
0x78: {  	_ =	shalt  }
0x79: {  	_ =	shalt  }
0x7a: {  	_ =	shalt  }
0x7b: {  	_ =	shalt  }
0x7c: {  	_ =	shalt  }
0x7d: {  	_ =	shalt  }
0x7e: {  	_ =	shalt  }
0x7f: {  	_ =	shalt  }
0x80: {  	_ =	shalt  }
0x81: {  	_ =	shalt  }
0x82: {  	_ =	shalt  }
0x83: {  	_ =	shalt  }
0x84: {  	_ =	shalt  }
0x85: {  	_ =	shalt  }
0x86: {  	_ =	shalt  }
0x87: {  	_ =	shalt  }
.Lfunc_end0:
.L_simem_size_0:
called_computation_lowered:
.L_overlay_start_0:
0x88: {  	s0 =	sld [smem:$0x3FD9]  }
0x89: {  	s1 =	sld [smem:$0x3FFE];
	_ =	sdelay $0x3  }
0x8a: {  	s0 =	sadd.s32 s1, s0  }
0x8b: {  	[smem:$0x3FC6] =	sst s0  }
0x8c: {  	_ = 	snop  }
0x8d: {  	s0 =	sld [smem:$0x3FD0];
	(tm) =	ssettm $0x1  }
0x8e: {  	s16 =	sld [smem:$0x3FFB];
	_ =	sdelay $0x3  }
0x8f: {  	_ =	strace s16  }
0x90: {  	s1 =	sld [smem:$0x3FFC];
	_ =	sdelay $0x3  }
0x91: {  	_ =	strace s1  }
0x92: {  	s1 =	sld [smem:$0x3FFD];
	_ =	sdelay $0x3  }
0x93: {  	_ =	strace s1  }
0x94: {  	_ =	strace $0x8FFFFFFF  }
0x95: {  	s17 =	sld [smem:$0x3FDB];
	_ =	sdelay $0x1  }
0x96: {  	s2 =	simm.s32 $_scs_section_size  }
0x97: {  	s3 =	simm.s32 $_size__tile_overlayer_lowered;
	s4 =	simm.s32 $_tile_overlayer_lowered  }
0x98: {  	s20 =	simm.s32 $0x1BFF;
	s19 =	sshll.u32 s4, $0x1;
	s1 =	sadd.s32 s2, s17  }
0x99: {  	s5 =	simm.s32 $0x0;
	s18 =	sshll.u32 s3, $0x1;
	s3 =	sadd.s32 s19, s1  }
0x9a: {  	[timem:s5], [sflag:s20] =	dma.local [hbm:s3], s18  }
0x9b: {  	_ =	swait.ge [sflag:s20], s18  }
0x9c: {  	s2 =	ssub.s32 $0x0, s18;
	[sflag:s20] =	ssyncset.done $0x0  }
0x9d: {  	[sflag:s20] =	ssyncadd.s32 s2;
	_ =	sdelay $0x1  }
0x9e: {  	s21 =	simm.s32 $0x1B8B  }
0x9f: {  	_ =	swait.ge [sflag:s21], $0x1  }
0xa0: {  	[sflag:s21] =	ssyncset.done $0x0  }
0xa1: {  	s23 =	simm.s32 $0x1B8E;
	s22 =	sld [smem:$0x3FFE];
	[sflag:s21] =	ssyncadd.s32 $0xFFFFFFFF  }
0xa2: {  	s24 =	simm.s32 $execute0_lowered;
	[smem:$0x3FD2] =	sst s23  }
0xa3: {  	s3 =	sshll.u32 s24, $0x1;
	_ =	strace $0x80000046;
	[dreg:$0x1] =	wrdreg $0xFFFFFFFF  }
0xa4: {  	s25 =	simm.s32 $_size_execute0_lowered;
	s1 =	sadd.s32 s1, s3;
	[dreg:$0x0] =	wrdreg $0x0  }
0xa5: {  	s3 =	sshll.u32 s25, $0x1;
	[dreg:$0x2] =	wrdreg s1  }
0xa6: {  	[dreg:$0x3] =	wrdreg s3  }
0xa7: {  	[dreg:$0x4] =	wrdreg $0xC0  }
0xa8: {  	_ =	task [dreg:s5], $0x5FFFF  }
0xa9: {  	[dreg:$0x1] =	wrdreg $0xFFFFFFFF  }
0xaa: {  	[dreg:$0x0] =	wrdreg $0x60  }
0xab: {  	[dreg:$0x2] =	wrdreg s22  }
0xac: {  	[dreg:$0x3] =	wrdreg s0  }
0xad: {  	[dreg:$0x4] =	wrdreg $0x13F800  }
0xae: {  	[dreg:$0x5] =	wrdreg $0x14E900  }
0xaf: {  	[dreg:$0x6] =	wrdreg $0x9  }
0xb0: {  	_ =	task.clear_ibuf [dreg:s5], $0x7FFFF;
	_ =	strace $0x90000046  }
0xb1: {  	s26 =	simm.s32 $0x9;
	_ =	strace $0x80000048  }
0xb2: {  	_ =	swait.ge [sflag:s26], $0x1  }
0xb3: {  	[sflag:s26] =	ssyncadd.s32 $0xFFFFFFFF  }
0xb4: {  	_ =	strace $0x90000048  }
0xb5: {  	_ =	sfence  }
0xb6: {  	s28 =	sld [smem:$0x0];
	_ =	sdelay $0x1  }
0xb7: {  	s29 =	srdreg.scid  }
0xb8: {  	s30 =	sshll.u32 s29, $0xD;
	s31 =	sshrl.u32 s29, $0x2  }
0xb9: {  	s2 =	sand.u32 $0x4000, s30;
	s1 =	sand.u32 $0x1, s29;
	s0 =	sadd.s32 s31, s28  }
0xba: {  	s1 =	sor.u32 s2, s1;
	s0 =	sshll.u32 s0, $0x11  }
0xbb: {  	s0 =	sor.u32 s0, s1  }
0xbc: {  	s0 =	sadd.s32 $0x8F2B, s0  }
0xbd: {  	[sflag:s0] =	ssyncadd.remote.s32 $0x1  }
0xbe: {  	_ =	sfence.sel $0xFFFF  }
0xbf: {  	[dreg:$0x0] =	wrdreg $0xFFFFFFFF;
	(pc) =	sbr.abs _section_cstart, $3  }
0xc0: {  	[dreg:$0x1] =	wrdreg $0xFFFFFFFF  }
0xc1: {  	_ =	task.clear_ibuf [dreg:s5], $0x2FFFF;
	_ =	strace $0x9FFFFFFF  }
0xc2: {  	(tm) =	ssettm $0x7FFFFFFF  }
0xc3: {  	_ =	shalt  }
tec
execute0_lowered:
.L_overlay_start_1:
0x0: {  	(tag) =	ssettag $0x1  }
0x1: {  	s4 =	rddreg [dreg:$0x0]  }
0x2: {  	s1 =	rddreg [dreg:$0x1]  }
0x3: {  	s2 =	rddreg [dreg:$0x2]  }
0x4: {  	s3 =	rddreg [dreg:$0x3];
	s5 =	simm.s32 $0x0  }
0x5: {  	[smem:$0x7FF] =	sst s5  }
0x6: {  	s0 =	rddreg [dreg:$0x4];
	s6 =	stileid.u32;
	v0 =	vimm.f32 $3.000000000e+02;
	_ =	strace $0x80000047  }
0x7: {  	s7 =	smul.u32 $0xEA0, s6;
	(erf) = vrcp.f32 v0  }
0x8: {  	s8 =	smul.u32 $0x3A8, s6  }
0x9: {  	s9 =	sshrl.u32 s7, $0x3  }
0xa: {  	p0 =	sne.s32 s6, $0x0;
	s9 =	sadd.s32 s9, s4;
	s4 =	sadd.s32 s4, s8  }
0xb: {  	[tilespmem:s5], [sflag:$0x1] =	stream.linear.gather [hbm4b:s4+s5], $0x1E00, $0x38;
	[tilespmem:$0x14EA0] =	vst v63  }
0xc: {  	s4 =	simm.s32 @!p0 $0x0  }
0xd: {  	s29 =	simm.s32 $0x1E00;
	s28 =	sadd.s32 $0x3C00, s9;
	[smem:$0x0] =	sst @!p0 s4  }
0xe: {  	[tilespmem:s29], [sflag:$0x2] =	stream.linear.gather [hbm4b:s28+s5], $0xF00, $0x38;
	[tilespmem:$0x14EA0] =	vst v63  }
0xf: {  	[smem:$0x1] =	sst @!p0 s4  }
0x10: {  	s30 =	simm.s32 $0x1;
	[smem:$0x2] =	sst @!p0 s4;
	v0 =	vpop (erf)  }
0x11: {  	_ =	swait.ge [sflag:s30], $0x1E00  }
0x12: {  	[sflag:s30] =	ssyncset.done $0x0  }
0x13: {  	s31 =	simm.s32 $0x2;
	p1 =	seq.s32 s6, $0xF;
	[sflag:s30] =	ssyncadd.s32 $0xFFFFE200  }
0x14: {  	s6 =	sshll.u32 s6, $0x4;
	s5 =	sadd.s32 $0xEA0, s7;
	_ =	swait.ge [sflag:s31], $0xF00  }
0x15: {  	s5 =	simm.s32 @p1 $0xEA60;
	s4 =	sadd.s32 s6, s3;
	[sflag:s31] =	ssyncset.done $0x0  }
0x16: {  	v2 =	vimm.s32 $0x0;
	s6 =	simm.s32 $0x1E40;
	s5 =	ssub.s32 s5, s7;
	[sflag:s31] =	ssyncadd.s32 $0xFFFFF100  }
0x17: {  	v3 =	vlaneseq.u32;
	v4 =	vimm.s32 $0x0;
	s7 =	simm.s32 $0x3C80;
	v1 =	vmov s5;
	s5 =	simm.s32 $0x70;
	[bflag:$0x0] =	sbarrier.arrive $0xFFFF  }
.LBB2_1:
0x18: {  	v5 =	vld [tilespmem:s6+$0xFFFFFFC0];
	_ =	sdelay $0x2  }
0x19: {  	s8 =	sadd.s32 $0xFFFFFF90, s5  }
0x1a: {  	v6 =	vor.u32 s8, v3  }
0x1b: {  	vm1 =	vlt.s32 v6, v1;
	vm0 =	vlt.s32 v5, $0x2  }
0x1c: {  	vm0 =	vmand vm1, vm0  }
0x1d: {  	v5 =	vsel vm0, $0x1, v2  }
0x1e: {  	(xrf0) =	vadd.scan.msk.s32 $0xffff, v5;
	_ =	sdelay $0x5  }
0x1f: {  	v5, _, _ =	vpop (xrf0)  }
0x20: {  	v5 =	vadd.s32 v5, v4  }
0x21: {  	v5 =	vadd.s32 $0xFFFFFFFF, v5;
	_ =	sdelay $0x4  }
0x22: {  	[tilespmem:v5+s7+$0x0] =	vst.idx.msk vm0, v6  }
0x23: {  	v5 =	vld [tilespmem:s6+$0xFFFFFFD0];
	_ =	sdelay $0x2  }
0x24: {  	s25 =	sadd.s32 $0xFFFFFFA0, s5  }
0x25: {  	v6 =	vor.u32 s25, v3  }
0x26: {  	vm2 =	vlt.s32 v6, v1;
	vm15 =	vlt.s32 v5, $0x2  }
0x27: {  	vm1 =	vmand vm2, vm15  }
0x28: {  	v5 =	vsel vm1, $0x1, v2  }
0x29: {  	(xrf0) =	vadd.scan.msk.s32 $0xffff, v5;
	_ =	sdelay $0x1  }
0x2a: {  	v5 =	vmpcnt.ones.xlane vm0;
	_ =	sdelay $0x3  }
0x2b: {  	v4 =	vadd.s32 v4, v5;
	v5, _, _ =	vpop (xrf0)  }
0x2c: {  	v5 =	vadd.s32 v5, v4  }
0x2d: {  	v5 =	vadd.s32 $0xFFFFFFFF, v5;
	_ =	sdelay $0x4  }
0x2e: {  	[tilespmem:v5+s7+$0x0] =	vst.idx.msk vm1, v6  }
0x2f: {  	v5 =	vld [tilespmem:s6+$0xFFFFFFE0];
	_ =	sdelay $0x2  }
0x30: {  	s26 =	sadd.s32 $0xFFFFFFB0, s5  }
0x31: {  	v6 =	vor.u32 s26, v3  }
0x32: {  	vm5 =	vlt.s32 v6, v1;
	vm4 =	vlt.s32 v5, $0x2  }
0x33: {  	vm0 =	vmand vm5, vm4  }
0x34: {  	v5 =	vsel vm0, $0x1, v2  }
0x35: {  	(xrf0) =	vadd.scan.msk.s32 $0xffff, v5;
	_ =	sdelay $0x1  }
0x36: {  	v5 =	vmpcnt.ones.xlane vm1;
	_ =	sdelay $0x3  }
0x37: {  	v4 =	vadd.s32 v4, v5;
	v5, _, _ =	vpop (xrf0)  }
0x38: {  	v5 =	vadd.s32 v5, v4  }
0x39: {  	v5 =	vadd.s32 $0xFFFFFFFF, v5;
	_ =	sdelay $0x4  }
0x3a: {  	[tilespmem:v5+s7+$0x0] =	vst.idx.msk vm0, v6  }
0x3b: {  	v5 =	vld [tilespmem:s6+$0xFFFFFFF0];
	_ =	sdelay $0x2  }
0x3c: {  	s28 =	sadd.s32 $0xFFFFFFC0, s5  }
0x3d: {  	v6 =	vor.u32 s28, v3  }
0x3e: {  	vm7 =	vlt.s32 v6, v1;
	vm6 =	vlt.s32 v5, $0x2  }
0x3f: {  	vm1 =	vmand vm7, vm6  }
0x40: {  	v5 =	vsel vm1, $0x1, v2  }
0x41: {  	(xrf0) =	vadd.scan.msk.s32 $0xffff, v5;
	_ =	sdelay $0x1  }
0x42: {  	v5 =	vmpcnt.ones.xlane vm0;
	_ =	sdelay $0x3  }
0x43: {  	v4 =	vadd.s32 v4, v5;
	v5, _, _ =	vpop (xrf0)  }
0x44: {  	v5 =	vadd.s32 v5, v4  }
0x45: {  	v5 =	vadd.s32 $0xFFFFFFFF, v5;
	_ =	sdelay $0x4  }
0x46: {  	[tilespmem:v5+s7+$0x0] =	vst.idx.msk vm1, v6  }
0x47: {  	v5 =	vld [tilespmem:s6+$0x0];
	_ =	sdelay $0x2  }
0x48: {  	s29 =	sadd.s32 $0xFFFFFFD0, s5  }
0x49: {  	v6 =	vor.u32 s29, v3  }
0x4a: {  	vm9 =	vlt.s32 v6, v1;
	vm8 =	vlt.s32 v5, $0x2  }
0x4b: {  	vm0 =	vmand vm9, vm8  }
0x4c: {  	v5 =	vsel vm0, $0x1, v2  }
0x4d: {  	(xrf0) =	vadd.scan.msk.s32 $0xffff, v5;
	_ =	sdelay $0x1  }
0x4e: {  	v5 =	vmpcnt.ones.xlane vm1;
	_ =	sdelay $0x3  }
0x4f: {  	v4 =	vadd.s32 v4, v5;
	v5, _, _ =	vpop (xrf0)  }
0x50: {  	v5 =	vadd.s32 v5, v4  }
0x51: {  	v5 =	vadd.s32 $0xFFFFFFFF, v5;
	_ =	sdelay $0x4  }
0x52: {  	[tilespmem:v5+s7+$0x0] =	vst.idx.msk vm0, v6  }
0x53: {  	v5 =	vld [tilespmem:s6+$0x10];
	_ =	sdelay $0x2  }
0x54: {  	s30 =	sadd.s32 $0xFFFFFFE0, s5  }
0x55: {  	v6 =	vor.u32 s30, v3  }
0x56: {  	vm11 =	vlt.s32 v6, v1;
	vm10 =	vlt.s32 v5, $0x2  }
0x57: {  	vm1 =	vmand vm11, vm10  }
0x58: {  	v5 =	vsel vm1, $0x1, v2  }
0x59: {  	(xrf0) =	vadd.scan.msk.s32 $0xffff, v5;
	_ =	sdelay $0x1  }
0x5a: {  	v5 =	vmpcnt.ones.xlane vm0;
	_ =	sdelay $0x3  }
0x5b: {  	v4 =	vadd.s32 v4, v5;
	v5, _, _ =	vpop (xrf0)  }
0x5c: {  	v5 =	vadd.s32 v5, v4  }
0x5d: {  	v5 =	vadd.s32 $0xFFFFFFFF, v5;
	_ =	sdelay $0x4  }
0x5e: {  	[tilespmem:v5+s7+$0x0] =	vst.idx.msk vm1, v6  }
0x5f: {  	v5 =	vld [tilespmem:s6+$0x20];
	_ =	sdelay $0x2  }
0x60: {  	s31 =	sadd.s32 $0xFFFFFFF0, s5  }
0x61: {  	v6 =	vor.u32 s31, v3  }
0x62: {  	vm13 =	vlt.s32 v6, v1;
	vm12 =	vlt.s32 v5, $0x2  }
0x63: {  	vm0 =	vmand vm13, vm12  }
0x64: {  	v5 =	vsel vm0, $0x1, v2  }
0x65: {  	(xrf0) =	vadd.scan.msk.s32 $0xffff, v5;
	_ =	sdelay $0x1  }
0x66: {  	v5 =	vmpcnt.ones.xlane vm1;
	_ =	sdelay $0x3  }
0x67: {  	v4 =	vadd.s32 v4, v5;
	v5, _, _ =	vpop (xrf0)  }
0x68: {  	v5 =	vadd.s32 v5, v4  }
0x69: {  	v5 =	vadd.s32 $0xFFFFFFFF, v5;
	_ =	sdelay $0x4  }
0x6a: {  	[tilespmem:v5+s7+$0x0] =	vst.idx.msk vm0, v6  }
0x6b: {  	v5 =	vld [tilespmem:s6+$0x30];
	_ =	sdelay $0x3  }
0x6c: {  	v6 =	vor.u32 s5, v3  }
0x6d: {  	vm15 =	vlt.s32 v6, v1;
	vm14 =	vlt.s32 v5, $0x2  }
0x6e: {  	vm1 =	vmand vm15, vm14  }
0x6f: {  	v5 =	vsel vm1, $0x1, v2  }
0x70: {  	(xrf0) =	vadd.scan.msk.s32 $0xffff, v5;
	_ =	sdelay $0x1  }
0x71: {  	v5 =	vmpcnt.ones.xlane vm0;
	_ =	sdelay $0x3  }
0x72: {  	v4 =	vadd.s32 v4, v5;
	v5, _, _ =	vpop (xrf0)  }
0x73: {  	v5 =	vadd.s32 v5, v4  }
0x74: {  	p1 =	sne.s32 s5, $0xEF0;
	v5 =	vadd.s32 $0xFFFFFFFF, v5  }
.Ltmp0:
0x75: {  	_ = 	snop;
	(pc) =	sbr.rel @p1 .LBB2_1-.Ltmp0, $3  }
0x76: {  	_ = 	snop  }
0x77: {  	v7 =	vmpcnt.ones.xlane vm1;
	_ =	sdelay $0x1  }
0x78: {  	s5 =	sadd.s32 $0x80, s5;
	s6 =	sadd.s32 $0x80, s6;
	v4 =	vadd.s32 v4, v7;
	[tilespmem:v5+s7+$0x0] =	vst.idx.msk vm1, v6  }
0x79: {  	v1 =	vxor.u32 $0x80000000, v4  }
0x7a: {  	(xrf0) =	vmax.scan.msk.u32 $0xffff, v1;
	_ =	sdelay $0x5  }
0x7b: {  	v1, _, _ =	vpop (xrf0)  }
0x7c: {  	(v2sf) =	vpush v1, $0xF;
	_ =	sdelay $0xe  }
0x7d: {  	s5 =	spop (v2sf)  }
0x7e: {  	s6 =	sxor.u32 $0x80000000, s5;
	s5 =	sadd.s32 $0x8000000F, s5  }
0x7f: {  	v3 =	vlaneseq.u32;
	s9 =	sshrl.u32 s5, $0x4  }
0x80: {  	v1 =	vadd.s32 s6, v3;
	p1 =	seq.s32 s9, $0x0  }
.Ltmp1:
0x81: {  	_ = 	snop;
	(pc) =	sbr.rel @p1 .LBB2_3-.Ltmp1, $3  }
0x82: {  	_ =	sdelay $0x1  }
0x83: {  	v2 =	vimm.s32 $0x0;
	s10 =	simm.s32 $0x3C80  }
0x84: {  	[tilespmem:v1+s10+$0x0] =	vst.idx.msk $0xffff, v2;
	v1 =	vimm.f32 $0.0e+00  }
0x85: {  	p2 =	sne.s32 s9, $0x1  }
.Ltmp2:
0x86: {  	_ = 	snop;
	(pc) =	sbr.rel @!p2 .LBB2_5-.Ltmp2, $3  }
0x87: {  	_ =	sdelay $0x1  }
0x88: {  	s6 =	simm.s32 $0x0;
	s7 =	simm.s32 $0x1E00;
	s8 =	simm.s32 $0x0  }
0x89: {  	s5 =	simm.s32 $0x2D00;
	s9 =	sadd.s32 $0xFFFFFFFF, s9;
	p1 =	por $0x0, $0x0  }
0x8a: {  	v5 =	vld [tilespmem:s10+$0x0];
	_ =	sdelay $0x4  }
0x8b: {  	v6 =	vshll.u32 v5, $0x1  }
0x8c: {  	v7 =	vor.u32 $0x1, v6;
	_ =	sdelay $0x3  }
0x8d: {  	v6 =	vld.idx.msk [tilespmem:v6+s8+$0x0], $0xffff  }
0x8e: {  	v7 =	vld.idx.msk [tilespmem:v7+s8+$0x0], $0xffff;
	_ =	sdelay $0x2  }
0x8f: {  	v5 =	vld.idx.msk [tilespmem:v5+s7+$0x0], $0xffff;
	_ =	sdelay $0x1  }
0x90: {  	v6 =	vsub.f32 v7, v6;
	_ =	sdelay $0x1  }
0x91: {  	v7 =	vsub.f32 $0.0e+00, v6  }
0x92: {  	vm0 =	veq.s32 v5, $0x1  }
0x93: {  	v6 =	vsel vm0, v7, v6  }
0x94: {  	v7 =	vand.u32 $0x7FFFFFFF, v6  }
0x95: {  	v7 =	vsub.f32 $0.0e+00, v7;
	_ =	sdelay $0x1  }
0x96: {  	v7 =	vmul.f32 $1.442695020e+00, v7;
	_ =	sdelay $0x1  }
0x97: {  	(erf) = vpow2.f32 v7;
	_ =	sdelay $0x8  }
0x98: {  	v7 =	vpop (erf)  }
0x99: {  	v8 =	vadd.f32 $2.000000000e+00, v7;
	_ =	sdelay $0x1  }
0x9a: {  	(erf) = vrcp.f32 v8;
	_ =	sdelay $0x8  }
0x9b: {  	v8 =	vpop (erf)  }
0x9c: {  	v7 =	vmul.f32 v8, v7;
	_ =	sdelay $0x1  }
0x9d: {  	v8 =	vmul.f32 v7, v7;
	_ =	sdelay $0x1  }
0x9e: {  	v9 =	vmul.f32 $7.692307980e-02, v8;
	_ =	sdelay $0x1  }
0x9f: {  	v9 =	vadd.f32 $9.090909360e-02, v9;
	_ =	sdelay $0x1  }
0xa0: {  	v9 =	vmul.f32 v9, v8;
	_ =	sdelay $0x1  }
0xa1: {  	v9 =	vadd.f32 $1.111111120e-01, v9;
	_ =	sdelay $0x1  }
0xa2: {  	v9 =	vmul.f32 v9, v8;
	_ =	sdelay $0x1  }
0xa3: {  	v9 =	vadd.f32 $1.428571490e-01, v9  }
0xa4: {  	v10 =	vor.u32 s6, v3  }
0xa5: {  	vm1 =	vlt.s32 v10, v4;
	vm2 =	veq.s32 v5, $0x0;
	v9 =	vmul.f32 v9, v8  }
0xa6: {  	vm2 =	vmand vm1, vm2  }
0xa7: {  	v5 =	vadd.f32 $2.000000030e-01, v9;
	v9 =	vsel vm2, $0x1, v2  }
0xa8: {  	(xrf0) =	vadd.scan.msk.s32 $0xffff, v9  }
0xa9: {  	v5 =	vmul.f32 v5, v8;
	_ =	sdelay $0x1  }
0xaa: {  	v5 =	vadd.f32 $3.333333430e-01, v5;
	_ =	sdelay $0x1  }
0xab: {  	v5 =	vmul.f32 v5, v8  }
0xac: {  	v8, _, _ =	vpop (xrf0)  }
0xad: {  	v7 =	vadd.f32 v7, v7;
	v5 =	vadd.f32 $1.000000000e+00, v5;
	v8 =	vadd.s32 v8, v2  }
0xae: {  	p2 =	sne.s32 s9, $0x1;
	v8 =	vadd.s32 $0xFFFFFFFF, v8  }
.Ltmp3:
0xaf: {  	v5 =	vmul.f32 v5, v7;
	(pc) =	sbr.rel @!p2 .LBB2_31-.Ltmp3, $4  }
0xb0: {  	v6 =	vmax.f32 v6, $0.0e+00;
	v7 =	vmpcnt.ones.xlane vm2  }
0xb1: {  	vm0 =	vmand vm1, vm0;
	v10 =	vadd.f32 v5, v6  }
0xb2: {  	s11 =	sadd.s32 $0xFFFFFFFF, s9;
	v5 =	vsel vm0, $0x1, v2;
	v6 =	vadd.s32 v2, v7  }
0xb3: {  	s10 =	simm.s32 $0x3C90;
	p1 =	por $0x1, $0x1;
	s9 =	simm.s32 $0x0;
	v7 =	vimm.f32 $0.0e+00;
	v5 =	vadd.s32 v5, v2;
	v9 =	vnsel vm0, $0x0, v10;
	[tilespmem:v8+s5+$0x0] =	vst.idx.msk vm2, v10  }
0xb4: {  	v8 =	vmov v6  }
.LBB2_8:
0xb5: {  	p2 =	sne.s32 s11, $0x1;
	v10 =	vld [tilespmem:s10+$0x0];
	v7 =	vadd.f32 v9, v7;
	_ =	sdelay $0x4  }
0xb6: {  	v9 =	vshll.u32 v10, $0x1  }
0xb7: {  	v11 =	vor.u32 $0x1, v9;
	_ =	sdelay $0x3  }
0xb8: {  	v9 =	vld.idx.msk [tilespmem:v9+s8+$0x0], $0xffff  }
0xb9: {  	v11 =	vld.idx.msk [tilespmem:v11+s8+$0x0], $0xffff;
	_ =	sdelay $0x2  }
0xba: {  	v10 =	vld.idx.msk [tilespmem:v10+s7+$0x0], $0xffff;
	_ =	sdelay $0x2  }
0xbb: {  	v9 =	vsub.f32 v11, v9;
	_ =	sdelay $0x1  }
0xbc: {  	v11 =	vsub.f32 $0.0e+00, v9  }
0xbd: {  	vm0 =	veq.s32 v10, $0x1  }
0xbe: {  	v9 =	vsel vm0, v11, v9  }
0xbf: {  	v11 =	vand.u32 $0x7FFFFFFF, v9  }
0xc0: {  	v11 =	vsub.f32 $0.0e+00, v11;
	_ =	sdelay $0x1  }
0xc1: {  	v11 =	vmul.f32 $1.442695020e+00, v11;
	_ =	sdelay $0x1  }
0xc2: {  	(erf) = vpow2.f32 v11;
	_ =	sdelay $0x8  }
0xc3: {  	v11 =	vpop (erf)  }
0xc4: {  	v12 =	vadd.f32 $2.000000000e+00, v11;
	_ =	sdelay $0x1  }
0xc5: {  	(erf) = vrcp.f32 v12;
	_ =	sdelay $0x8  }
0xc6: {  	v12 =	vpop (erf)  }
0xc7: {  	v11 =	vmul.f32 v12, v11;
	_ =	sdelay $0x1  }
0xc8: {  	v12 =	vmul.f32 v11, v11;
	_ =	sdelay $0x1  }
0xc9: {  	v13 =	vmul.f32 $7.692307980e-02, v12;
	_ =	sdelay $0x1  }
0xca: {  	v13 =	vadd.f32 $9.090909360e-02, v13;
	_ =	sdelay $0x1  }
0xcb: {  	v13 =	vmul.f32 v13, v12;
	_ =	sdelay $0x1  }
0xcc: {  	v13 =	vadd.f32 $1.111111120e-01, v13;
	_ =	sdelay $0x1  }
0xcd: {  	v13 =	vmul.f32 v13, v12;
	_ =	sdelay $0x1  }
0xce: {  	s9 =	sadd.s32 $0x10, s9;
	v13 =	vadd.f32 $1.428571490e-01, v13  }
0xcf: {  	v14 =	vor.u32 s9, v3  }
0xd0: {  	vm1 =	vlt.s32 v14, v4;
	vm2 =	veq.s32 v10, $0x0;
	v13 =	vmul.f32 v13, v12  }
0xd1: {  	vm0 =	vmand vm1, vm0;
	vm1 =	vmand vm1, vm2  }
0xd2: {  	v14 =	vmpcnt.ones.xlane vm1;
	v10 =	vadd.f32 $2.000000030e-01, v13;
	v13 =	vsel vm1, $0x1, v2  }
0xd3: {  	v15 =	vsel vm0, $0x1, v2;
	(xrf0) =	vadd.scan.msk.s32 $0xffff, v13  }
0xd4: {  	v5 =	vadd.s32 v15, v5;
	v6 =	vadd.s32 v6, v14;
	v10 =	vmul.f32 v10, v12;
	_ =	sdelay $0x1  }
0xd5: {  	v10 =	vadd.f32 $3.333333430e-01, v10;
	_ =	sdelay $0x1  }
0xd6: {  	v10 =	vmul.f32 v10, v12  }
0xd7: {  	v12, _, _ =	vpop (xrf0)  }
0xd8: {  	v11 =	vadd.f32 v11, v11;
	v10 =	vadd.f32 $1.000000000e+00, v10;
	v12 =	vadd.s32 v12, v8;
	v8 =	vmovc v6  }
0xd9: {  	v12 =	vadd.s32 $0xFFFFFFFF, v12  }
.Ltmp4:
0xda: {  	v10 =	vmul.f32 v10, v11;
	(pc) =	sbr.rel @p2 .LBB2_8-.Ltmp4, $3  }
0xdb: {  	v9 =	vmax.f32 v9, $0.0e+00  }
0xdc: {  	v10 =	vadd.f32 v10, v9;
	_ =	sdelay $0x1  }
0xdd: {  	s11 =	sadd.s32 $0xFFFFFFFF, s11;
	s10 =	sadd.s32 $0x10, s10;
	v9 =	vnsel vm0, $0x0, v10;
	[tilespmem:v12+s5+$0x0] =	vst.idx.msk vm1, v10  }
.LBB2_9:
0xde: {  	v10 =	vld [tilespmem:s10+$0x0];
	_ =	sdelay $0x4  }
0xdf: {  	v11 =	vshll.u32 v10, $0x1  }
0xe0: {  	v12 =	vor.u32 $0x1, v11;
	_ =	sdelay $0x3  }
0xe1: {  	v11 =	vld.idx.msk [tilespmem:v11+s8+$0x0], $0xffff  }
0xe2: {  	v12 =	vld.idx.msk [tilespmem:v12+s8+$0x0], $0xffff;
	_ =	sdelay $0x2  }
0xe3: {  	v10 =	vld.idx.msk [tilespmem:v10+s7+$0x0], $0xffff;
	_ =	sdelay $0x1  }
0xe4: {  	v11 =	vsub.f32 v12, v11;
	_ =	sdelay $0x1  }
0xe5: {  	v12 =	vsub.f32 $0.0e+00, v11  }
0xe6: {  	vm0 =	veq.s32 v10, $0x1  }
0xe7: {  	v11 =	vsel vm0, v12, v11  }
0xe8: {  	v12 =	vand.u32 $0x7FFFFFFF, v11  }
0xe9: {  	v12 =	vsub.f32 $0.0e+00, v12;
	_ =	sdelay $0x1  }
0xea: {  	v12 =	vmul.f32 $1.442695020e+00, v12;
	_ =	sdelay $0x1  }
0xeb: {  	(erf) = vpow2.f32 v12;
	_ =	sdelay $0x8  }
0xec: {  	v12 =	vpop (erf)  }
0xed: {  	v13 =	vadd.f32 $2.000000000e+00, v12;
	_ =	sdelay $0x1  }
0xee: {  	(erf) = vrcp.f32 v13;
	_ =	sdelay $0x8  }
0xef: {  	v13 =	vpop (erf)  }
0xf0: {  	v12 =	vmul.f32 v13, v12;
	_ =	sdelay $0x1  }
0xf1: {  	v13 =	vmul.f32 v12, v12;
	_ =	sdelay $0x1  }
0xf2: {  	v14 =	vmul.f32 $7.692307980e-02, v13;
	_ =	sdelay $0x1  }
0xf3: {  	v14 =	vadd.f32 $9.090909360e-02, v14;
	_ =	sdelay $0x1  }
0xf4: {  	v14 =	vmul.f32 v14, v13;
	_ =	sdelay $0x1  }
0xf5: {  	v14 =	vadd.f32 $1.111111120e-01, v14;
	_ =	sdelay $0x1  }
0xf6: {  	v14 =	vmul.f32 v14, v13;
	_ =	sdelay $0x1  }
0xf7: {  	s7 =	sadd.s32 @p1 $0x10, s9;
	v14 =	vadd.f32 $1.428571490e-01, v14  }
0xf8: {  	s6 =	smov.u32 @p1 s7  }
0xf9: {  	v15 =	vor.u32 s6, v3;
	v14 =	vmul.f32 v14, v13  }
0xfa: {  	vm1 =	vlt.s32 v15, v4;
	vm2 =	veq.s32 v10, $0x0  }
0xfb: {  	vm2 =	vmand vm1, vm2;
	v4 =	vadd.f32 $2.000000030e-01, v14  }
0xfc: {  	v61 =	vsel vm2, $0x1, v2  }
0xfd: {  	(xrf0) =	vadd.scan.msk.s32 $0xffff, v61;
	v4 =	vmul.f32 v4, v13;
	_ =	sdelay $0x1  }
0xfe: {  	v4 =	vadd.f32 $3.333333430e-01, v4;
	_ =	sdelay $0x1  }
0xff: {  	v4 =	vmul.f32 v4, v13;
	_ =	sdelay $0x1  }
0x100: {  	v10, _, _ =	vpop (xrf0);
	v12 =	vadd.f32 v12, v12;
	v4 =	vadd.f32 $1.000000000e+00, v4  }
0x101: {  	v8 =	vadd.s32 v10, v8  }
0x102: {  	v8 =	vadd.s32 $0xFFFFFFFF, v8;
	v4 =	vmul.f32 v4, v12  }
.Ltmp5:
0x103: {  	v7 =	vadd.f32 @p1 v9, v7;
	v62 =	vmax.f32 v11, $0.0e+00;
	(pc) =	sbr.rel .LBB2_10-.Ltmp5, $4  }
0x104: {  	v63 =	vmpcnt.ones.xlane vm2;
	v4 =	vadd.f32 v4, v62  }
0x105: {  	v1 =	vpsel p1, v7, v1;
	vm0 =	vmand vm1, vm0  }
0x106: {  	v6 =	vadd.s32 v6, v63;
	v2 =	vsel vm0, $0x1, v2;
	v9 =	vnsel vm0, $0x0, v4  }
0x107: {  	v2 =	vadd.s32 v2, v5;
	[tilespmem:v8+s5+$0x0] =	vst.idx.msk vm2, v4;
	v4 =	vxor.u32 $0x80000000, v6;
	v1 =	vadd.f32 v9, v1  }
.LBB2_3:
0x108: {  	v4 =	vimm.s32 $0x80000000  }
.LBB2_10:
0x109: {  	(xrf0) =	vmax.scan.msk.u32 $0xffff, v4;
	_ =	sdelay $0x5  }
0x10a: {  	v4, _, _ =	vpop (xrf0)  }
0x10b: {  	(v2sf) =	vpush v4, $0xF;
	_ =	sdelay $0xe  }
0x10c: {  	s6 =	spop (v2sf)  }
0x10d: {  	s7 =	sxor.u32 $0x80000000, s6  }
0x10e: {  	v3 =	vadd.s32 s7, v3;
	_ =	sdelay $0x3  }
0x10f: {  	v63 =	vimm.f32 $-Inf;
	s5 =	simm.s32 $0x2D00;
	s9 =	simm.s32 $0x3;
	s8 =	sadd.s32 $0x8000000F, s6  }
0x110: {  	s10 =	simm.s32 $0x0;
	s6 =	sand.u32 $0xFFFFFFF0, s8;
	[tilespmem:v3+s5+$0x0] =	vst.idx.msk $0xffff, v63;
	[sflag:s9] =	ssyncset.done $0x0  }
0x111: {  	[smem:s10], [sflag:$0x3] =	smem.add.s32 s6  }
0x112: {  	_ =	swait.done [sflag:s9]  }
0x113: {  	s6 =	ssyncread [sflag:$0x3]  }
0x114: {  	[sflag:s9] =	ssyncset.s32 $0x0  }
0x115: {  	s26 =	simm.s32 $0x4;
	[sflag:s9] =	ssyncset.done $0x0  }
0x116: {  	s28 =	simm.s32 $0x1;
	[sflag:s26] =	ssyncset.done $0x0  }
0x117: {  	[smem:s28], [sflag:$0x4] =	smem.add.s32 s7  }
0x118: {  	_ =	swait.done [sflag:s26]  }
0x119: {  	(xrf0) =	vadd.scan.msk.s32 $0xffff, v2;
	_ =	sdelay $0x5  }
0x11a: {  	v2, _, _ =	vpop (xrf0)  }
0x11b: {  	(v2sf) =	vpush v2, $0xF;
	_ =	sdelay $0xc  }
0x11c: {  	s29 =	simm.s32 $0x5;
	s8 =	sshrl.u32 s8, $0x4;
	[sflag:s26] =	ssyncset.s32 $0x0  }
0x11d: {  	s31 =	simm.s32 $0x2;
	p1 =	seq.s32 s8, $0x0;
	[sflag:s26] =	ssyncset.done $0x0  }
.Ltmp6:
0x11e: {  	[sflag:s29] =	ssyncset.done $0x0;
	s30 =	spop (v2sf);
	(pc) =	sbr.rel @p1 .LBB2_14-.Ltmp6, $4  }
0x11f: {  	[smem:s31], [sflag:$0x5] =	smem.add.s32 s30  }
0x120: {  	_ =	swait.done [sflag:s29]  }
0x121: {  	[sflag:s29] =	ssyncset.s32 $0x0  }
0x122: {  	[sflag:s29] =	ssyncset.done $0x0  }
0x123: {  	p1 =	sne.s32 s8, $0x1  }
.Ltmp7:
0x124: {  	_ = 	snop;
	(pc) =	sbr.rel @!p1 .LBB2_13-.Ltmp7, $4  }
0x125: {  	s7 =	sadd.s32 s6, s2;
	s6 =	simm.s32 $0x6  }
0x126: {  	[spmem:s7] =	stream.linear.scatter [tilespmem:s5], [sflag:$0x6], $0x10, $0x38;
	[tilespmem:$0x14EA0] =	vst v63  }
0x127: {  	_ =	swait.ge [sflag:s6], $0x10  }
0x128: {  	s8 =	sadd.s32 $0xFFFFFFFF, s8;
	[sflag:s6] =	ssyncset.done $0x0  }
.LBB2_12:
0x129: {  	[sflag:s6] =	ssyncadd.s32 $0xFFFFFFF0  }
0x12a: {  	s7 =	sadd.s32 $0x10, s7;
	s5 =	sadd.s32 $0x10, s5;
	p1 =	sne.s32 s8, $0x1  }
.Ltmp8:
0x12b: {  	s8 =	sadd.s32 $0xFFFFFFFF, s8;
	(pc) =	sbr.rel @p1 .LBB2_12-.Ltmp8, $4  }
0x12c: {  	_ = 	snop  }
0x12d: {  	[spmem:s7] =	stream.linear.scatter [tilespmem:s5], [sflag:$0x6], $0x10, $0x38;
	[tilespmem:$0x14EA0] =	vst v63  }
0x12e: {  	_ =	swait.ge [sflag:s6], $0x10  }
0x12f: {  	[sflag:s6] =	ssyncset.done $0x0  }
.LBB2_13:
0x130: {  	[sflag:s6] =	ssyncadd.s32 $0xFFFFFFF0  }
.LBB2_14:
0x131: {  	[tilespmem:$0x13E80] =	vst v1;
	s5 =	simm.s32 $0x13E80;
	s6 =	simm.s32 $0x6  }
0x132: {  	[spmem:s4] =	stream.linear.scatter [tilespmem:s5], [sflag:$0x6], $0x10, $0x38;
	[tilespmem:$0x14EA0] =	vst v63  }
0x133: {  	_ =	swait.ge [sflag:s6], $0x10  }
0x134: {  	[sflag:s6] =	ssyncset.done $0x0  }
0x135: {  	[sflag:s6] =	ssyncadd.s32 $0xFFFFFFF0  }
0x136: {  	[bflag:$0x0] =	sbarrier.arrive $0xFFFF  }
0x137: {  	_ =	sfence.sel @p0 $0x180000  }
0x138: {  	[bflag:$0x0] =	sbarrier.arrive @p0 $0xFFFF  }
0x139: {  	_ =	strace @p0 $0x90000047  }
0x13a: {  	[bflag:$0x2] =	sbarrier.arrive @p0 $0xFFFF  }
0x13b: {  	_ =	shalt @p0  }
.LBB2_15:
0x13c: {  	s5 =	sld [smem:$0x0]  }
0x13d: {  	s7 =	simm.s32 $0x13D80  }
0x13e: {  	[tilespmem:s7], [sflag:$0x6] =	stream.linear.gather [spmem:s3], $0x100, $0x38;
	[tilespmem:$0x14EA0] =	vst v63  }
0x13f: {  	s4 =	sld [smem:$0x1];
	p0 =	sgt.s32 s5, $0x200  }
0x140: {  	s31 =	sld [smem:$0x2];
	_ =	swait.ge [sflag:s6], $0x100;
	p1 =	sgt.u32 @p0 s5, $0x1000  }
0x141: {  	[sflag:s6] =	ssyncset.done $0x0;
	p2 =	por !p1, !p0  }
0x142: {  	[sflag:s6] =	ssyncadd.s32 $0xFFFFFF00;
	s6 =	simm.s32 @!p2 $0x4C00  }
0x143: {  	[tilespmem:s6], [sflag:$0x6] =	stream.linear.gather @!p2 [spmem:s2], $0xF100, $0x38;
	[tilespmem:$0x14EA0] =	vst v63  }
0x144: {  	s6 =	simm.s32 @!p2 $0x6  }
0x145: {  	_ =	swait.ge @!p2 [sflag:s6], $0xF100  }
0x146: {  	p1 =	por p1, !p0;
	[sflag:s6] =	ssyncset.done @!p2 $0x0  }
0x147: {  	[sflag:s6] =	ssyncadd.s32 @!p2 $0xFFFF0F00;
	s6 =	simm.s32 @!p1 $0x4C00  }
0x148: {  	[tilespmem:s6], [sflag:$0x6] =	stream.linear.gather @!p1 [spmem:s2], $0x1000, $0x38;
	[tilespmem:$0x14EA0] =	vst v63  }
0x149: {  	s6 =	simm.s32 @!p1 $0x6  }
0x14a: {  	_ =	swait.ge @!p1 [sflag:s6], $0x1000  }
0x14b: {  	[sflag:s6] =	ssyncset.done @!p1 $0x0  }
0x14c: {  	[sflag:s6] =	ssyncadd.s32 @!p1 $0xFFFFF000;
	s6 =	simm.s32 @!p0 $0x4C00  }
0x14d: {  	[tilespmem:s6], [sflag:$0x6] =	stream.linear.gather @!p0 [spmem:s2], $0x200, $0x38;
	[tilespmem:$0x14EA0] =	vst v63  }
0x14e: {  	s2 =	simm.s32 @!p0 $0x6  }
0x14f: {  	_ =	swait.ge @!p0 [sflag:s2], $0x200  }
0x150: {  	[sflag:s2] =	ssyncset.done @!p0 $0x0  }
0x151: {  	[sflag:s2] =	ssyncadd.s32 @!p0 $0xFFFFFE00  }
0x152: {  	v1 =	vld [tilespmem:$0x13D80];
	_ =	sdelay $0x1  }
0x153: {  	v2 =	vld [tilespmem:$0x13D90];
	_ =	sdelay $0x1  }
0x154: {  	v3 =	vld [tilespmem:$0x13DA0]  }
0x155: {  	v1 =	vadd.f32 $0.0e+00, v1  }
0x156: {  	v4 =	vld [tilespmem:$0x13DB0]  }
0x157: {  	v1 =	vadd.f32 v2, v1  }
0x158: {  	v2 =	vld [tilespmem:$0x13DC0]  }
0x159: {  	v1 =	vadd.f32 v3, v1  }
0x15a: {  	v3 =	vld [tilespmem:$0x13DD0]  }
0x15b: {  	v1 =	vadd.f32 v4, v1  }
0x15c: {  	v60 =	vld [tilespmem:$0x13DE0]  }
0x15d: {  	v1 =	vadd.f32 v2, v1  }
0x15e: {  	v2 =	vld [tilespmem:$0x13DF0]  }
0x15f: {  	v1 =	vadd.f32 v3, v1  }
0x160: {  	v3 =	vld [tilespmem:$0x13E00]  }
0x161: {  	v1 =	vadd.f32 v60, v1  }
0x162: {  	v61 =	vld [tilespmem:$0x13E10]  }
0x163: {  	v1 =	vadd.f32 v2, v1  }
0x164: {  	v2 =	vld [tilespmem:$0x13E20]  }
0x165: {  	v1 =	vadd.f32 v3, v1  }
0x166: {  	v3 =	vld [tilespmem:$0x13E30]  }
0x167: {  	v1 =	vadd.f32 v61, v1  }
0x168: {  	v62 =	vld [tilespmem:$0x13E40]  }
0x169: {  	v1 =	vadd.f32 v2, v1  }
0x16a: {  	v2 =	vld [tilespmem:$0x13E50]  }
0x16b: {  	v1 =	vadd.f32 v3, v1  }
0x16c: {  	v3 =	vld [tilespmem:$0x13E60]  }
0x16d: {  	v1 =	vadd.f32 v62, v1  }
0x16e: {  	v63 =	vld [tilespmem:$0x13E70]  }
0x16f: {  	v1 =	vadd.f32 v2, v1;
	_ =	sdelay $0x1  }
0x170: {  	v1 =	vadd.f32 v3, v1;
	_ =	sdelay $0x1  }
0x171: {  	v1 =	vadd.f32 v63, v1;
	_ =	sdelay $0x1  }
0x172: {  	(xrf2) =	vadd.scan.msk.f32 $0xffff, v1;
	_ =	sdelay $0x9  }
0x173: {  	v1, _, _ =	vpop (xrf2)  }
0x174: {  	(v2sf) =	vpush v1, $0xF;
	_ =	sdelay $0x9  }
0x175: {  	p0 =	sgt.u32 s5, $0x10F  }
.Ltmp9:
0x176: {  	_ = 	snop;
	(pc) =	sbr.rel @p0 .LBB2_19-.Ltmp9, $2  }
0x177: {  	_ =	sdelay $0x2  }
0x178: {  	s3 =	ssub.s32 $0x12C, s31;
	s6 =	sshrl.u32 s5, $0x4;
	s2 =	spop (v2sf)  }
0x179: {  	v1 =	vld [tilespmem:$0x4C00]  }
0x17a: {  	v2 =	vld [tilespmem:$0x4C10]  }
0x17b: {  	v3 =	vld [tilespmem:$0x4C20]  }
0x17c: {  	v4 =	vld [tilespmem:$0x4C30]  }
0x17d: {  	v5 =	vld [tilespmem:$0x4C40]  }
0x17e: {  	v6 =	vld [tilespmem:$0x4C50]  }
0x17f: {  	v7 =	vld [tilespmem:$0x4C60]  }
0x180: {  	v8 =	vld [tilespmem:$0x4C70]  }
0x181: {  	v17 =	vld [tilespmem:$0x4C80]  }
0x182: {  	v18 =	vld [tilespmem:$0x4C90]  }
0x183: {  	v19 =	vld [tilespmem:$0x4CA0]  }
0x184: {  	v20 =	vld [tilespmem:$0x4CB0]  }
0x185: {  	v21 =	vld [tilespmem:$0x4CC0]  }
0x186: {  	v22 =	vld [tilespmem:$0x4CD0]  }
0x187: {  	p0 =	seq.s32 s6, $0x0;
	p1 =	sgt.u32 s5, $0x1F;
	v23 =	vld [tilespmem:$0x4CE0]  }
0x188: {  	p5 =	sgt.u32 s5, $0x2F;
	p6 =	sgt.u32 s5, $0x3F;
	p2 =	sgt.u32 s5, $0x4F;
	v16 =	vpsel p0, $0xFF800000, v1;
	v14 =	vpsel !p1, $0xFF800000, v2;
	v1 =	vld [tilespmem:$0x4CF0]  }
0x189: {  	p3 =	sgt.u32 s5, $0x7F;
	p4 =	sgt.u32 s5, $0x8F;
	s9 =	simm.s32 $0x0;
	v15 =	vpsel !p5, $0xFF800000, v3;
	v13 =	vpsel !p6, $0xFF800000, v4;
	v12 =	vpsel !p2, $0xFF800000, v5  }
0x18a: {  	p1 =	sgt.u32 s5, $0x5F;
	p2 =	sgt.u32 s5, $0x6F;
	v9 =	vpsel !p3, $0xFF800000, v8;
	p5 =	sgt.u32 s5, $0x9F;
	v8 =	vpsel !p4, $0xFF800000, v17;
	v17 =	vimm.s32 $0x0  }
0x18b: {  	p6 =	sgt.u32 s5, $0xAF;
	p3 =	sgt.u32 s5, $0xCF;
	p4 =	sgt.u32 s5, $0xDF;
	v11 =	vpsel !p1, $0xFF800000, v6;
	v10 =	vpsel !p2, $0xFF800000, v7;
	v7 =	vpsel !p5, $0xFF800000, v18  }
0x18c: {  	v6 =	vpsel !p6, $0xFF800000, v19;
	p2 =	sgt.u32 s5, $0xBF;
	v4 =	vpsel !p3, $0xFF800000, v21;
	v3 =	vpsel !p4, $0xFF800000, v22;
	p5 =	sgt.u32 s5, $0xEF;
	p6 =	sgt.u32 s5, $0xFF  }
0x18d: {  	s8 =	simm.s32 $0x7F800000;
	s6 =	simm.s32 $0x1E;
	s5 =	simm.s32 $0x7F800000;
	v5 =	vpsel !p2, $0xFF800000, v20;
	v2 =	vpsel !p5, $0xFF800000, v23;
	v1 =	vpsel !p6, $0xFF800000, v1  }
.LBB2_17:
0x18e: {  	s7 =	smov.u32 s9  }
0x18f: {  	p0 =	sne.s32 s6, $0x1;
	s8 =	sshrl.u32 s8, $0x1  }
0x190: {  	s8 =	sadd.s32 s9, s8  }
0x191: {  	v18 =	vmov s8  }
0x192: {  	v18 =	vbroadcast v18, $0x0;
	_ =	sdelay $0x1  }
0x193: {  	vm0 =	vge.f32 v16, v18;
	vm1 =	vge.f32 v14, v18  }
0x194: {  	v19 =	vsel vm0, $0x1, v17;
	v20 =	vsel vm1, $0x1, v17;
	vm0 =	vge.f32 v15, v18  }
0x195: {  	v19 =	vadd.s32 v20, v19;
	v20 =	vsel vm0, $0x1, v17;
	vm0 =	vge.f32 v13, v18  }
0x196: {  	v19 =	vadd.s32 v20, v19;
	v20 =	vsel vm0, $0x1, v17;
	vm0 =	vge.f32 v12, v18  }
0x197: {  	v19 =	vadd.s32 v20, v19;
	v20 =	vsel vm0, $0x1, v17;
	vm0 =	vge.f32 v11, v18  }
0x198: {  	v19 =	vadd.s32 v20, v19;
	v20 =	vsel vm0, $0x1, v17;
	vm0 =	vge.f32 v10, v18  }
0x199: {  	v19 =	vadd.s32 v20, v19;
	v20 =	vsel vm0, $0x1, v17;
	vm0 =	vge.f32 v9, v18  }
0x19a: {  	v19 =	vadd.s32 v20, v19;
	v20 =	vsel vm0, $0x1, v17;
	vm0 =	vge.f32 v8, v18  }
0x19b: {  	v19 =	vadd.s32 v20, v19;
	v20 =	vsel vm0, $0x1, v17;
	vm0 =	vge.f32 v7, v18  }
0x19c: {  	v19 =	vadd.s32 v20, v19;
	v20 =	vsel vm0, $0x1, v17;
	vm0 =	vge.f32 v6, v18  }
0x19d: {  	v19 =	vadd.s32 v20, v19;
	v20 =	vsel vm0, $0x1, v17;
	vm0 =	vge.f32 v5, v18  }
0x19e: {  	v19 =	vadd.s32 v20, v19;
	v20 =	vsel vm0, $0x1, v17;
	vm0 =	vge.f32 v4, v18  }
0x19f: {  	v19 =	vadd.s32 v20, v19;
	v20 =	vsel vm0, $0x1, v17;
	vm0 =	vge.f32 v3, v18  }
0x1a0: {  	v19 =	vadd.s32 v20, v19;
	v20 =	vsel vm0, $0x1, v17;
	vm0 =	vge.f32 v2, v18  }
0x1a1: {  	v19 =	vadd.s32 v20, v19;
	v20 =	vsel vm0, $0x1, v17;
	vm0 =	vge.f32 v1, v18  }
0x1a2: {  	v18 =	vadd.s32 v20, v19;
	v19 =	vsel vm0, $0x1, v17  }
0x1a3: {  	v18 =	vadd.s32 v19, v18  }
0x1a4: {  	(xrf0) =	vadd.scan.msk.s32 $0xffff, v18;
	_ =	sdelay $0x5  }
0x1a5: {  	v18, _, _ =	vpop (xrf0)  }
0x1a6: {  	(v2sf) =	vpush v18, $0xF;
	_ =	sdelay $0xd  }
.Ltmp10:
0x1a7: {  	(pc) =	sbr.rel @p0 .LBB2_17-.Ltmp10, $4  }
0x1a8: {  	s9 =	spop (v2sf)  }
0x1a9: {  	p1 =	slt.s32 s9, s3;
	s9 =	smov.u32 s8  }
0x1aa: {  	s9 =	smov.u32 @p1 s7;
	s5 =	smov.u32 @p1 s8  }
0x1ab: {  	s6 =	sadd.s32 $0xFFFFFFFF, s6;
	s8 =	ssub.s32 s5, s9  }
0x1ac: {  	s5 =	sshrl.u32 s8, $0x1  }
0x1ad: {  	s5 =	sadd.s32 s9, s5  }
0x1ae: {  	v18 =	vmov s5  }
0x1af: {  	v18 =	vbroadcast v18, $0x0;
	_ =	sdelay $0x1  }
0x1b0: {  	vm0 =	vge.f32 v16, v18;
	vm1 =	vge.f32 v14, v18  }
0x1b1: {  	vm10 =	vge.f32 v15, v18;
	v19 =	vsel vm0, $0x1, v17;
	v20 =	vsel vm1, $0x1, v17  }
0x1b2: {  	vm11 =	vge.f32 v13, v18;
	v27 =	vsel vm10, $0x1, v17;
	v19 =	vadd.s32 v20, v19  }
0x1b3: {  	vm12 =	vge.f32 v12, v18;
	v28 =	vsel vm11, $0x1, v17;
	v19 =	vadd.s32 v27, v19  }
0x1b4: {  	vm13 =	vge.f32 v11, v18;
	v29 =	vsel vm12, $0x1, v17;
	v19 =	vadd.s32 v28, v19  }
0x1b5: {  	vm14 =	vge.f32 v10, v18;
	v30 =	vsel vm13, $0x1, v17;
	v19 =	vadd.s32 v29, v19  }
0x1b6: {  	vm15 =	vge.f32 v9, v18;
	v31 =	vsel vm14, $0x1, v17;
	v19 =	vadd.s32 v30, v19  }
0x1b7: {  	vm4 =	vge.f32 v8, v18;
	v32 =	vsel vm15, $0x1, v17;
	v19 =	vadd.s32 v31, v19  }
0x1b8: {  	vm5 =	vge.f32 v7, v18;
	v33 =	vsel vm4, $0x1, v17;
	v19 =	vadd.s32 v32, v19  }
0x1b9: {  	vm6 =	vge.f32 v6, v18;
	v34 =	vsel vm5, $0x1, v17;
	v19 =	vadd.s32 v33, v19  }
0x1ba: {  	vm7 =	vge.f32 v5, v18;
	v35 =	vsel vm6, $0x1, v17;
	v19 =	vadd.s32 v34, v19  }
0x1bb: {  	vm8 =	vge.f32 v4, v18;
	v36 =	vsel vm7, $0x1, v17;
	v19 =	vadd.s32 v35, v19  }
0x1bc: {  	vm9 =	vge.f32 v3, v18;
	v37 =	vsel vm8, $0x1, v17;
	v19 =	vadd.s32 v36, v19  }
0x1bd: {  	v38 =	vsel vm9, $0x1, v17;
	vm10 =	vge.f32 v2, v18;
	v19 =	vadd.s32 v37, v19  }
0x1be: {  	vm11 =	vge.f32 v1, v18;
	v39 =	vsel vm10, $0x1, v17;
	v19 =	vadd.s32 v38, v19  }
0x1bf: {  	v17 =	vsel vm11, $0x1, v17;
	v18 =	vadd.s32 v39, v19  }
0x1c0: {  	v17 =	vadd.s32 v17, v18  }
0x1c1: {  	(xrf0) =	vadd.scan.msk.s32 $0xffff, v17;
	_ =	sdelay $0x5  }
0x1c2: {  	v17, _, _ =	vpop (xrf0)  }
0x1c3: {  	(v2sf) =	vpush v17, $0xF;
	_ =	sdelay $0xe  }
0x1c4: {  	s6 =	spop (v2sf)  }
0x1c5: {  	p0 =	slt.s32 s6, s3  }
0x1c6: {  	s5 =	smov.u32 @p0 s9  }
0x1c7: {  	v17 =	vmov s5  }
0x1c8: {  	v17 =	vbroadcast v17, $0x0  }
0x1c9: {  	v18 =	vadd.f32 $0.0e+00, v16  }
0x1ca: {  	vm12 =	vgt.f32 v16, v17;
	vm13 =	vgt.f32 v14, v17  }
0x1cb: {  	v18 =	vnsel vm12, $0x0, v18;
	v14 =	vnsel vm13, $0x0, v14  }
0x1cc: {  	vm14 =	vgt.f32 v15, v17;
	v14 =	vadd.f32 v14, v18  }
0x1cd: {  	v15 =	vnsel vm14, $0x0, v15  }
0x1ce: {  	vm15 =	vgt.f32 v13, v17;
	v14 =	vadd.f32 v14, v15  }
0x1cf: {  	v13 =	vnsel vm15, $0x0, v13  }
0x1d0: {  	vm4 =	vgt.f32 v12, v17;
	v13 =	vadd.f32 v14, v13  }
0x1d1: {  	v12 =	vnsel vm4, $0x0, v12  }
0x1d2: {  	vm5 =	vgt.f32 v11, v17;
	v12 =	vadd.f32 v13, v12  }
0x1d3: {  	v16 =	vimm.s32 $0x0;
	v11 =	vnsel vm5, $0x0, v11  }
0x1d4: {  	vm6 =	vgt.f32 v10, v17;
	vm7 =	vgt.f32 v9, v17;
	v11 =	vadd.f32 v12, v11  }
0x1d5: {  	vm8 =	vgt.f32 v8, v17;
	vm9 =	vgt.f32 v7, v17;
	v10 =	vnsel vm6, $0x0, v10  }
0x1d6: {  	vm10 =	vgt.f32 v6, v17;
	vm11 =	vgt.f32 v5, v17;
	v10 =	vadd.f32 v11, v10  }
0x1d7: {  	v19 =	vsel vm12, $0x1, v16;
	v40 =	vsel vm13, $0x1, v16;
	v9 =	vnsel vm7, $0x0, v9  }
0x1d8: {  	v43 =	vsel vm5, $0x1, v16;
	v45 =	vsel vm6, $0x1, v16;
	v9 =	vadd.f32 v10, v9  }
0x1d9: {  	v47 =	vsel vm7, $0x1, v16;
	v8 =	vnsel vm8, $0x0, v8;
	v49 =	vsel vm8, $0x1, v16  }
0x1da: {  	v18 =	vadd.s32 v40, v19;
	v19 =	vsel vm14, $0x1, v16;
	v8 =	vadd.f32 v9, v8  }
0x1db: {  	v7 =	vnsel vm9, $0x0, v7;
	v15 =	vadd.s32 v19, v18;
	v18 =	vsel vm15, $0x1, v16  }
0x1dc: {  	v41 =	vadd.s32 v18, v15;
	v15 =	vsel vm4, $0x1, v16;
	v7 =	vadd.f32 v8, v7  }
0x1dd: {  	v51 =	vsel vm9, $0x1, v16;
	v6 =	vnsel vm10, $0x0, v6;
	v42 =	vadd.s32 v15, v41  }
0x1de: {  	v53 =	vsel vm10, $0x1, v16;
	v44 =	vadd.s32 v43, v42;
	v6 =	vadd.f32 v7, v6  }
0x1df: {  	v5 =	vnsel vm11, $0x0, v5;
	v55 =	vsel vm11, $0x1, v16;
	v46 =	vadd.s32 v45, v44  }
0x1e0: {  	vm12 =	vgt.f32 v4, v17;
	v48 =	vadd.s32 v47, v46;
	v5 =	vadd.f32 v6, v5  }
0x1e1: {  	vm13 =	vgt.f32 v3, v17;
	v4 =	vnsel vm12, $0x0, v4;
	v50 =	vadd.s32 v49, v48  }
0x1e2: {  	v57 =	vsel vm12, $0x1, v16;
	v52 =	vadd.s32 v51, v50;
	v4 =	vadd.f32 v5, v4  }
0x1e3: {  	v3 =	vnsel vm13, $0x0, v3;
	v59 =	vsel vm13, $0x1, v16;
	v54 =	vadd.s32 v53, v52  }
.Ltmp11:
0x1e4: {  	vm14 =	vgt.f32 v2, v17;
	v56 =	vadd.s32 v55, v54;
	v3 =	vadd.f32 v4, v3;
	(pc) =	sbr.rel .LBB2_30-.Ltmp11, $4  }
0x1e5: {  	v2 =	vnsel vm14, $0x0, v2;
	v61 =	vsel vm14, $0x1, v16;
	v58 =	vadd.s32 v57, v56  }
0x1e6: {  	vm15 =	vgt.f32 v1, v17;
	v60 =	vadd.s32 v59, v58;
	v2 =	vadd.f32 v3, v2  }
0x1e7: {  	v62 =	vsel vm15, $0x1, v16;
	v63 =	vnsel vm15, $0x0, v1;
	v3 =	vadd.s32 v61, v60  }
0x1e8: {  	v1 =	vadd.s32 v62, v3;
	v2 =	vadd.f32 v2, v63  }
.LBB2_19:
.Ltmp12:
0x1e9: {  	(pc) =	sbr.rel .LBB2_20-.Ltmp12, $4  }
0x1ea: {  	_ = 	snop  }
0x1eb: {  	s6 =	sadd.s32 $0x1, s6  }
0x1ec: {  	s8 =	sand.u32 $0xFFFFFFF0, s5;
	v1 =	vimm.f32 $-Inf;
	s7 =	simm.s32 $0x0;
	s5 =	sshrl.u32 s6, $0x1  }
0x1ed: {  	[tilespmem:s8+$0x4C00] =	vst v1;
	s6 =	simm.s32 $0x7F800000;
	v1 =	vimm.s32 $0x0;
	s8 =	simm.s32 $0x0;
	p0 =	seq.s32 s5, $0x0  }
.LBB2_23:
0x1ee: {  	v5 =	vsel vm0, $0x1, v1;
	vm15 =	vge.f32 v3, v2  }
0x1ef: {  	v2 =	vadd.s32 v5, v4;
	v3 =	vsel vm15, $0x1, v1  }
0x1f0: {  	v2 =	vadd.s32 v3, v2  }
.LBB2_24:
0x1f1: {  	(xrf0) =	vadd.scan.msk.s32 $0xffff, v2;
	_ =	sdelay $0x5  }
0x1f2: {  	v2, _, _ =	vpop (xrf0)  }
0x1f3: {  	(v2sf) =	vpush v2, $0xF;
	_ =	sdelay $0xb  }
0x1f4: {  	s8 =	sadd.s32 $0x1, s8  }
0x1f5: {  	p2 =	sne.s32 s8, $0x1F  }
.Ltmp13:
0x1f6: {  	_ = 	snop;
	(pc) =	sbr.rel @!p2 .LBB2_25-.Ltmp13, $4  }
0x1f7: {  	s10 =	spop (v2sf)  }
0x1f8: {  	p1 =	slt.s32 s10, s3;
	s10 =	smov.u32 s9  }
0x1f9: {  	s10 =	smov.u32 @p1 s7  }
0x1fa: {  	s6 =	smov.u32 @p1 s9;
	s7 =	smov.u32 s10  }
.LBB2_20:
.Ltmp14:
0x1fb: {  	(pc) =	sbr.rel @p0 .LBB2_24-.Ltmp14, $4  }
0x1fc: {  	_ = 	snop  }
0x1fd: {  	s9 =	ssub.s32 s6, s7  }
0x1fe: {  	s9 =	sshrl.u32 s9, $0x1  }
0x1ff: {  	v2 =	vimm.s32 $0x0;
	s9 =	sadd.s32 s7, s9  }
0x200: {  	s11 =	simm.s32 $0x4C10  }
0x201: {  	p1 =	sne.s32 s5, $0x1;
	v4 =	vld [tilespmem:s11+$0xFFFFFFF0]  }
.Ltmp15:
0x202: {  	v3 =	vld [tilespmem:s11+$0x0];
	(pc) =	sbr.rel @!p1 .LBB2_23-.Ltmp15, $3  }
0x203: {  	v2 =	vmov s9  }
0x204: {  	v2 =	vbroadcast v2, $0x0;
	_ =	sdelay $0x1  }
0x205: {  	s10 =	sadd.s32 $0xFFFFFFFF, s5;
	s11 =	simm.s32 $0x4C30;
	vm0 =	vge.f32 v4, v2;
	v4 =	vimm.s32 $0x0  }
.LBB2_22:
0x206: {  	v5 =	vld [tilespmem:s11+$0xFFFFFFF0];
	p1 =	sne.s32 s10, $0x1;
	s10 =	sadd.s32 $0xFFFFFFFF, s10;
	v6 =	vsel vm0, $0x1, v1;
	vm0 =	vge.f32 v3, v2  }
.Ltmp16:
0x207: {  	v3 =	vld [tilespmem:s11+$0x0];
	v4 =	vadd.s32 v6, v4;
	v6 =	vsel vm0, $0x1, v1;
	(pc) =	sbr.rel @p1 .LBB2_22-.Ltmp16, $2  }
0x208: {  	v4 =	vadd.s32 v6, v4;
	_ =	sdelay $0x2  }
0x209: {  	s11 =	sadd.s32 $0x20, s11;
	vm0 =	vge.f32 v5, v2  }
.Ltmp17:
0x20a: {  	_ = 	snop;
	(pc) =	sbr.rel .LBB2_23-.Ltmp17, $1  }
0x20b: {  	_ =	sdelay $0x3  }
.LBB2_25:
.Ltmp18:
0x20c: {  	(pc) =	sbr.rel @p0 .LBB2_26-.Ltmp18, $3  }
0x20d: {  	_ =	sdelay $0x1  }
0x20e: {  	v1 =	vmov s10  }
0x20f: {  	v17 =	vbroadcast v1, $0x0  }
0x210: {  	s6 =	simm.s32 $0x4C10  }
0x211: {  	p0 =	sne.s32 s5, $0x1;
	v3 =	vld [tilespmem:s6+$0xFFFFFFF0]  }
.Ltmp19:
0x212: {  	_ = 	snop;
	(pc) =	sbr.rel @!p0 .LBB2_29-.Ltmp19, $3  }
0x213: {  	v2 =	vld [tilespmem:s6+$0x0];
	_ =	sdelay $0x1  }
0x214: {  	v1 =	vimm.s32 $0x0  }
0x215: {  	v4 =	vimm.f32 $0.0e+00;
	s5 =	sadd.s32 $0xFFFFFFFF, s5;
	v5 =	vimm.s32 $0x0;
	s6 =	simm.s32 $0x4C30;
	vm0 =	vgt.f32 v3, v17  }
.LBB2_28:
0x216: {  	p0 =	sne.s32 s5, $0x1;
	s5 =	sadd.s32 $0xFFFFFFFF, s5;
	v6 =	vnsel vm0, $0x0, v3;
	v3 =	vld [tilespmem:s6+$0xFFFFFFF0]  }
.Ltmp20:
0x217: {  	v7 =	vsel vm0, $0x1, v1;
	vm1 =	vgt.f32 v2, v17;
	v4 =	vadd.f32 v6, v4;
	(pc) =	sbr.rel @p0 .LBB2_28-.Ltmp20, $3  }
0x218: {  	v5 =	vadd.s32 v7, v5;
	v6 =	vsel vm1, $0x1, v1;
	v7 =	vnsel vm1, $0x0, v2;
	v2 =	vld [tilespmem:s6+$0x0]  }
0x219: {  	v5 =	vadd.s32 v6, v5;
	v4 =	vadd.f32 v7, v4;
	_ =	sdelay $0x1  }
0x21a: {  	s6 =	sadd.s32 $0x20, s6;
	vm0 =	vgt.f32 v3, v17  }
.LBB2_29:
.Ltmp21:
0x21b: {  	(pc) =	sbr.rel .LBB2_30-.Ltmp21, $4  }
0x21c: {  	v3 =	vnsel vm0, $0x0, v3  }
0x21d: {  	v6 =	vsel vm0, $0x1, v1;
	vm1 =	vgt.f32 v2, v17;
	v3 =	vadd.f32 v3, v4  }
0x21e: {  	v63 =	vadd.s32 v6, v5;
	v1 =	vsel vm1, $0x1, v1;
	v2 =	vnsel vm1, $0x0, v2  }
0x21f: {  	v1 =	vadd.s32 v1, v63;
	v2 =	vadd.f32 v2, v3  }
.LBB2_26:
0x220: {  	v2 =	vimm.f32 $0.0e+00;
	v1 =	vimm.s32 $0x0  }
.LBB2_30:
0x221: {  	_ = 	snop  }
0x222: {  	(xrf2) =	vadd.scan.msk.f32 $0xffff, v2;
	_ =	sdelay $0x1  }
0x223: {  	(xrf0) =	vadd.scan.msk.s32 $0xffff, v1;
	_ =	sdelay $0x2  }
0x224: {  	(xrf0) =	vmax.scan.msk.f32 $0xffff, v17;
	_ =	sdelay $0x2  }
0x225: {  	v1, _, _ =	vpop (xrf0)  }
0x226: {  	(v2sf) =	vpush v1, $0xF  }
0x227: {  	v61, _, _ =	vpop (xrf2)  }
0x228: {  	v62, _, _ =	vpop (xrf0);
	(v2sf) =	vpush v61, $0xF  }
0x229: {  	(v2sf) =	vpush v62, $0xF;
	_ =	sdelay $0xb  }
0x22a: {  	s5 =	spop (v2sf)  }
0x22b: {  	s5 =	ssub.s32 s3, s5  }
0x22c: {  	s5 =	scvt.s32.f32 s5;
	s6 =	spop (v2sf)  }
0x22d: {  	s7 =	spop (v2sf)  }
0x22e: {  	s5 =	smul.f32 s5, s7;
	_ =	sdelay $0x1  }
0x22f: {  	s5 =	sadd.f32 s5, s6  }
0x230: {  	p0 =	sgt.s32 s3, s4  }
0x231: {  	p1 =	slt.s32 s3, $0x1;
	s5 =	simm.s32 @p0 $0xFF800000  }
0x232: {  	s5 =	simm.s32 @p1 $0x0  }
0x233: {  	s2 =	sadd.f32 s5, s2;
	_ =	sdelay $0x1  }
0x234: {  	v63 =	vmov s2  }
0x235: {  	v1 =	vadd.f32 $0.0e+00, v63;
	_ =	sdelay $0x1  }
0x236: {  	v1 =	vbroadcast v1, $0x0;
	_ =	sdelay $0x1  }
0x237: {  	v0 =	vmul.f32 v1, v0;
	_ =	sdelay $0x1  }
0x238: {  	s29 =	simm.s32 $0x0;
	s30 =	simm.s32 $0x13F00;
	s31 =	simm.s32 $0x6;
	[tilespmem:$0x13F00] =	vst v0  }
0x239: {  	[hbm4b:s1+s29] =	stream.linear.scatter [tilespmem:s30], [sflag:$0x6], $0x80, $0x38;
	[tilespmem:$0x14EA0] =	vst v63  }
0x23a: {  	_ =	swait.ge [sflag:s31], $0x80  }
0x23b: {  	[sflag:s31] =	ssyncset.done $0x0  }
0x23c: {  	[sflag:s31] =	ssyncadd.s32 $0xFFFFFF80  }
0x23d: {  	_ =	sfence.sel $0x180000  }
0x23e: {  	[bflag:$0x0] =	sbarrier.arrive $0xFFFF  }
0x23f: {  	_ =	strace $0x90000047  }
0x240: {  	s0 =	sadd.s32 $0x100000, s0;
	[bflag:$0x2] =	sbarrier.arrive $0xFFFF  }
0x241: {  	[sflag:s0] =	ssyncadd.tile.s32 $0x1;
	_ =	shalt  }
.LBB2_5:
.Ltmp22:
0x242: {  	(pc) =	sbr.rel .LBB2_9-.Ltmp22, $3  }
0x243: {  	_ =	sdelay $0x1  }
0x244: {  	v7 =	vimm.f32 $0.0e+00  }
0x245: {  	s9 =	simm.s32 $0x0;
	v5 =	vimm.s32 $0x0;
	v6 =	vimm.s32 $0x0;
	v8 =	vimm.s32 $0x0  }
.LBB2_31:
.Ltmp23:
0x246: {  	(pc) =	sbr.rel .LBB2_9-.Ltmp23, $2  }
0x247: {  	_ =	sdelay $0x2  }
0x248: {  	v7 =	vimm.f32 $0.0e+00;
	s9 =	simm.s32 $0x0;
	v8 =	vmov v6  }
.Lfunc_end2:
_tile_overlayer_lowered:
.L_overlay_start_2:
0x249: {  	(tag) =	ssettag $0x2  }
0x24a: {  	s0 =	rddreg [dreg:$0x0];
	s2 =	stileid.u32  }
0x24b: {  	s1 =	rddreg [dreg:$0x1];
	p0 =	sne.s32 s2, $0x0  }
0x24c: {  	s3 =	rddreg [dreg:$0x2];
	[bflag:$0x3] =	sbarrier.arrive $0xFFFF;
	s2 =	simm.s32 @!p0 $0x1C03  }
0x24d: {  	[timem:s3], [sflag:s2] =	dma.local @!p0 [hbm:s0], s1  }
0x24e: {  	s0 =	simm.s32 @!p0 $0x3  }
0x24f: {  	_ =	swait.ge @!p0 [sflag:s0], s1  }
0x250: {  	s1 =	ssub.s32 @!p0 $0x0, s1;
	[sflag:s0] =	ssyncset.done @!p0 $0x0  }
0x251: {  	[sflag:s0] =	ssyncadd.s32 @!p0 s1  }
0x252: {  	[bflag:$0x3] =	sbarrier.arrive $0xFFFF  }
0x253: {  	_ =	shalt  }

</sc_bundles>
